<compile_context>
chip_gen: v7x
topology: tpu7x:2x2x1
jax: 0.10.2.dev20260603
libtpu: 0.0.44.dev20260713+nightly
codegen_flags: <defaults>
</compile_context>

<pallas_src>
import functools

import jax
import jax.numpy as jnp
from jax import lax
from jax.experimental import pallas as pl
from jax.experimental.pallas import tpu as pltpu
from jax.experimental.pallas import tpu_sc as plsc

N = 248
NP = 256
F = 512
E = 15872
_VEC = 16

_NSUB = 16
_EPT = 512
_NCHUNK = E // _EPT
_NV = _EPT // _VEC
_IDXROWS = 4
_CWP = NP * NP
_ZW = _CWP // _NSUB
_SLAB = _ZW // NP


def _sc_body(edge_hbm, c_hbm, e2_v, idx_v, val_v, zero_v, b2d_v, c_sh, sem,
             zsem):
    cid = lax.axis_index("c")
    sid = lax.axis_index("s")
    chunk = cid * _NSUB + sid
    active = chunk < _NCHUNK
    base = jnp.minimum(chunk, _NCHUNK - 1) * _EPT

    @pl.when(active)
    def _():
        pltpu.make_async_copy(
            edge_hbm.at[:, pl.ds(base, _EPT)], e2_v, sem).start()
    zeros = jnp.zeros((_VEC,), jnp.float32)

    def zero_body(i, carry):
        for k in range(8):
            zero_v[pl.ds((i * 8 + k) * _VEC, _VEC)] = zeros
        return carry

    lax.fori_loop(0, _ZW // (8 * _VEC), zero_body, 0)
    zcp = pltpu.make_async_copy(zero_v, c_sh.at[pl.ds(sid * _ZW, _ZW)], zsem)
    zcp.start()

    @pl.when(active)
    def _():
        pltpu.make_async_copy(
            edge_hbm.at[:, pl.ds(base, _EPT)], e2_v, sem).wait()

        for j in range(_NV):
            s = e2_v[0, pl.ds(j * _VEC, _VEC)]
            d = e2_v[1, pl.ds(j * _VEC, _VEC)]
            row, col = divmod(j * _VEC, 128)
            idx_v[row, pl.ds(col, _VEC)] = (d << 8) | s
            val_v[row, pl.ds(col, _VEC)] = jnp.where(
                s != d, 1.0, 0.0).astype(jnp.float32)

    zcp.wait()
    plsc.subcore_barrier()

    @pl.when(active)
    def _():
        cps = [pltpu.async_copy(val_v.at[j], c_sh.at[idx_v.at[j]], sem,
                                add=True)
               for j in range(_IDXROWS)]
        for cp_j in cps:
            cp_j.wait()

    plsc.subcore_barrier()

    rows_cp = [
        pltpu.async_copy(
            c_sh.at[pl.ds((sid * _SLAB + r) * NP, NP)], b2d_v.at[r], sem)
        for r in range(_SLAB)
    ]
    for cp in rows_cp:
        cp.wait()
    pltpu.sync_copy(b2d_v, c_hbm.at[pl.ds(cid * NP + sid * _SLAB, _SLAB), :])


@functools.cache
def _sc_build_c():
    return pl.kernel(
        _sc_body,
        out_type=jax.ShapeDtypeStruct((2 * NP, NP), jnp.float32),
        mesh=plsc.VectorSubcoreMesh(core_axis_name="c", subcore_axis_name="s"),
        compiler_params=pltpu.CompilerParams(needs_layout_passes=False),
        scratch_types=[
            pltpu.VMEM((2, _EPT), jnp.int32),
            pltpu.VMEM((_IDXROWS, 128), jnp.int32),
            pltpu.VMEM((_IDXROWS, 128), jnp.float32),
            pltpu.VMEM((_ZW,), jnp.float32),
            pltpu.VMEM((_SLAB, NP), jnp.float32),
            pltpu.VMEM_SHARED((_CWP,), jnp.float32),
            pltpu.SemaphoreType.DMA,
            pltpu.SemaphoreType.DMA,
        ],
    )


def _tc_pre_body(x_ref, lpw_ref, lpb_ref, w10_ref, b1_ref,
                 w11_ref, w20_ref, w21_ref, w30_ref, w31_ref,
                 res_ref, xw1_ref, xb_ref,
                 w11b_ref, w20b_ref, w21b_ref, w30b_ref, w31b_ref):
    f32 = jnp.float32
    bf16 = jnp.bfloat16

    def mm_t(a, w):
        return lax.dot_general(a.astype(bf16), w.astype(bf16),
                               (((1,), (1,)), ((), ())),
                               preferred_element_type=f32)

    x = x_ref[...]
    res_ref[...] = (mm_t(x, lpw_ref[...]) + lpb_ref[...]).astype(bf16)
    xw1_ref[...] = (mm_t(x, w10_ref[...]) + b1_ref[...]).astype(bf16)
    xb_ref[...] = x.astype(bf16)
    w11b_ref[...] = w11_ref[...].astype(bf16)
    w20b_ref[...] = w20_ref[...].astype(bf16)
    w21b_ref[...] = w21_ref[...].astype(bf16)
    w30b_ref[...] = w30_ref[...].astype(bf16)
    w31b_ref[...] = w31_ref[...].astype(bf16)


_tc_pre_call = pl.pallas_call(
    _tc_pre_body,
    out_shape=(jax.ShapeDtypeStruct((N, 256), jnp.bfloat16),
               jax.ShapeDtypeStruct((N, 256), jnp.bfloat16),
               jax.ShapeDtypeStruct((N, F), jnp.bfloat16),
               jax.ShapeDtypeStruct((256, F), jnp.bfloat16),
               jax.ShapeDtypeStruct((256, 256), jnp.bfloat16),
               jax.ShapeDtypeStruct((256, 256), jnp.bfloat16),
               jax.ShapeDtypeStruct((128, 256), jnp.bfloat16),
               jax.ShapeDtypeStruct((128, 256), jnp.bfloat16)),
)


def _tc_body(c_ref, x_ref, res_ref, xw1_ref, w11_ref,
             w20_ref, w21_ref, b2_ref, w30_ref, w31_ref, b3_ref, out_ref):
    f32 = jnp.float32
    bf16 = jnp.bfloat16

    C = c_ref[:N, :] + c_ref[NP:NP + N, :]
    deg = jnp.sum(C, axis=0, keepdims=True)
    dis = jnp.where(deg > 0, lax.rsqrt(jnp.maximum(deg, 1e-12)), 0.0)

    rows = lax.broadcasted_iota(jnp.int32, (N, N), 0)
    cols = lax.broadcasted_iota(jnp.int32, (N, N), 1)
    eye = jnp.where(rows == cols, 1.0, 0.0).astype(bf16)
    ddiag = eye * dis[:, :N].astype(bf16)
    Ab = (-jnp.dot(ddiag, ((C * dis)[:, :N]).astype(bf16),
                   preferred_element_type=f32)).astype(bf16)

    def mm_t(a, w):
        return lax.dot_general(a.astype(bf16), w.astype(bf16),
                               (((1,), (1,)), ((), ())),
                               preferred_element_type=f32)

    def silu(h):
        return h / (1.0 + jnp.exp(-h))

    def ln(h):
        mu = jnp.sum(h) / (N * 256)
        dcen = h - mu
        var = jnp.sum(dcen * dcen) / (N * 256)
        return dcen * lax.rsqrt(var + 1e-5)

    def spread(hb):
        return jnp.dot(Ab, hb.astype(bf16), preferred_element_type=f32)

    x = x_ref[...]
    t1 = spread(x)
    h = xw1_ref[...].astype(f32) + mm_t(t1, w11_ref[...])
    h = ln(silu(h))
    t2 = spread(h)
    h = (res_ref[...].astype(f32) + mm_t(h, w20_ref[...])
         + mm_t(t2, w21_ref[...]) + b2_ref[...])
    h = ln(silu(h))
    t3 = spread(h)
    out_ref[...] = (mm_t(h, w30_ref[...]) + mm_t(t3, w31_ref[...])
                    + b3_ref[...])


_tc_call = pl.pallas_call(
    _tc_body,
    out_shape=jax.ShapeDtypeStruct((N, 128), jnp.float32),
)


def kernel(x, edge_index, LP_W, LP_b, W1_0, W1_1, b1, W2_0, W2_1, b2,
           W3_0, W3_1, b3):
    c2 = _sc_build_c()(edge_index)
    res, xw1, xb, w11b, w20b, w21b, w30b, w31b = _tc_pre_call(
        x, LP_W, LP_b.reshape(1, -1), W1_0, b1.reshape(1, -1),
        W1_1, W2_0, W2_1, W3_0, W3_1)
    return _tc_call(c2, xb, res, xw1, w11b, w20b, w21b, b2.reshape(1, -1),
                    w30b, w31b, b3.reshape(1, -1))

# --- scband reference (transcript-rebuilt; emitter-appended) ---
"""Pipeline reference for scband-mirna-gcn-61443802136878 (READ-ONLY COPY).

The authoritative reference and input builder live on the scoring server;
editing this copy changes nothing except your own understanding.
"""

import jax, jax.numpy as jnp
import numpy as np

N_NODES = 248
NUM_FEATURE = 512
N_EDGES = 15872


def _glorot(key, shape):
    fan_in = shape[-1]
    return jax.random.normal(key, shape, dtype=jnp.float32) / np.sqrt(fan_in)


def setup_inputs(seed: int = 0):
    key = jax.random.key(seed)
    ks = jax.random.split(key, 14)
    inp = {}
    inp["x"] = jax.random.normal(ks[0], (N_NODES, NUM_FEATURE), dtype=jnp.float32)
    inp["edge_index"] = jax.random.randint(ks[1], (2, N_EDGES), 0, N_NODES, dtype=jnp.int32)
    inp["LP_W"] = _glorot(ks[2], (256, NUM_FEATURE))
    inp["LP_b"] = jnp.zeros((256,), jnp.float32)
    inp["W1_0"] = _glorot(ks[3], (256, NUM_FEATURE))
    inp["W1_1"] = _glorot(ks[4], (256, NUM_FEATURE))
    inp["b1"] = jnp.zeros((256,), jnp.float32)
    inp["W2_0"] = _glorot(ks[5], (256, 256))
    inp["W2_1"] = _glorot(ks[6], (256, 256))
    inp["b2"] = jnp.zeros((256,), jnp.float32)
    inp["W3_0"] = _glorot(ks[7], (128, 256))
    inp["W3_1"] = _glorot(ks[8], (128, 256))
    inp["b3"] = jnp.zeros((128,), jnp.float32)
    return inp


def _cheb_norm_weights(src, dst, n):
    # Replicates PyG ChebConv.__norm__ with normalization='sym', lambda_max=2.0:
    # remove self-loops, L = I - D^-1/2 A D^-1/2, L_hat = 2L/lambda_max - I = -D^-1/2 A D^-1/2
    # so off-diagonal weights are -d_i^-1/2 * d_j^-1/2 and diagonal is 0.
    mask = (src != dst).astype(jnp.float32)
    deg = jnp.zeros((n,), jnp.float32).at[src].add(mask)
    dis = jnp.where(deg > 0, 1.0 / jnp.sqrt(jnp.maximum(deg, 1e-12)), 0.0)
    return -dis[src] * dis[dst] * mask


def _cheb_conv_k2(x, src, dst, wnorm, W0, W1, b):
    # ChebConv with K=2: out = Tx0 @ W0^T + Tx1 @ W1^T + b,
    # Tx0 = x, Tx1 = L_hat x (gather from src, scatter-add to dst).
    n = x.shape[0]
    Tx0 = x
    msg = wnorm[:, None] * Tx0[src]
    Tx1 = jnp.zeros((n, x.shape[1]), x.dtype).at[dst].add(msg)
    return Tx0 @ W0.T + Tx1 @ W1.T + b


def _ln_full(x):
    # torch.nn.LayerNorm(normalized_shape=[248, C], elementwise_affine=False)
    # applied to a [248, C] tensor normalizes over ALL elements.
    mu = jnp.mean(x)
    var = jnp.mean((x - mu) ** 2)
    return (x - mu) / jnp.sqrt(var + 1e-5)


def _silu(x):
    return x * jax.nn.sigmoid(x)


def reference(x, edge_index, LP_W, LP_b, W1_0, W1_1, b1, W2_0, W2_1, b2, W3_0, W3_1, b3):
    n = x.shape[0]
    src = edge_index[0]
    dst = edge_index[1]
    wnorm = _cheb_norm_weights(src, dst, n)
    res_x = x @ LP_W.T + LP_b
    # dropout is identity in eval mode
    h = _cheb_conv_k2(x, src, dst, wnorm, W1_0, W1_1, b1)
    h = _silu(h)
    h = _ln_full(h)
    h = _cheb_conv_k2(h, src, dst, wnorm, W2_0, W2_1, b2)
    h = res_x + h
    h = _silu(h)
    h = _ln_full(h)
    out = _cheb_conv_k2(h, src, dst, wnorm, W3_0, W3_1, b3)
    return out

if __name__ == "__main__":
    import jax
    _d = setup_inputs()
    print(jax.jit(kernel)(*tuple(_d.values())))

</pallas_src>

<mosaic_0001>
#map = affine_map<(d0, d1) -> (0, 0)>
module attributes {stable_mosaic.version = 14 : i64} {
  func.func @_sc_body(%arg0: i32, %arg1: i32, %arg2: memref<2x15872xi32, #tpu.memory_space<hbm>>, %arg3: memref<512x256xf32, #tpu.memory_space<hbm>>, %arg4: memref<2x512xi32, #tpu.memory_space<vmem>>, %arg5: memref<4x128xi32, #tpu.memory_space<vmem>>, %arg6: memref<4x128xf32, #tpu.memory_space<vmem>>, %arg7: memref<4096xf32, #tpu.memory_space<vmem>>, %arg8: memref<16x256xf32, #tpu.memory_space<vmem>>, %arg9: memref<65536xf32, #tpu.memory_space<vmem_shared>>, %arg10: memref<!tpu.dma_semaphore, #tpu.memory_space<semaphore_mem>>, %arg11: memref<!tpu.dma_semaphore, #tpu.memory_space<semaphore_mem>>) attributes {dimension_semantics = [#tpu.dimension_semantics<core_parallel>, #tpu.dimension_semantics<subcore_parallel>], iteration_bounds = array<i64: 2, 16>, scalar_prefetch = 0 : i64, scratch_operands = 8 : i64, tpu.core_type = #tpu.core_type<sc_vector_subcore>, window_params = [{transform_indices = #map}, {transform_indices = #map}]} {
    %mul3A = arith.constant 16 : i32
    %mul3A_0 = arith.muli %arg0, %mul3A : i32
    %add3A = arith.addi %mul3A_0, %arg1 : i32
    %lt3A = arith.constant 31 : i32
    %lt3A_1 = arith.cmpi slt, %add3A, %lt3A : i32
    %min3A = arith.constant 30 : i32
    %min3A_2 = arith.minsi %add3A, %min3A : i32
    %mul3A_3 = arith.constant 512 : i32
    %mul3A_4 = arith.muli %min3A_2, %mul3A_3 : i32
    %convert_element_type3A = arith.extui %lt3A_1 : i1 to i32
    %cond3A = arith.constant 0 : i32
    %cond3A_5 = arith.cmpi ne, %convert_element_type3A, %cond3A : i32
    scf.if %cond3A_5 {
      %dma_start3A_412 = arith.constant 0 : i32
      %dma_start3A_413 = tpu.memref_slice %arg2[%dma_start3A_412, %mul3A_4] : memref<2x15872xi32, #tpu.memory_space<hbm>> -> memref<2x512xi32, #tpu.memory_space<hbm>>
      %dma_start3A_414 = arith.constant 0 : i32
      %dma_start3A_415 = tpu.memref_slice %arg2[%dma_start3A_414, %mul3A_4] : memref<2x15872xi32, #tpu.memory_space<hbm>> -> memref<2x512xi32, #tpu.memory_space<hbm>>
      tpu.enqueue_dma source(%dma_start3A_415 : memref<2x512xi32, #tpu.memory_space<hbm>>) target(%arg4 : memref<2x512xi32, #tpu.memory_space<vmem>>) target_semaphore(%arg10 : memref<!tpu.dma_semaphore, #tpu.memory_space<semaphore_mem>>)
    } else {
    }
    %broadcast_in_dim3A = arith.constant 0.000000e+00 : f32
    %broadcast_in_dim3A_6 = vector.broadcast %broadcast_in_dim3A : f32 to vector<16xf32>
    %scan3A = arith.constant 0 : i32
    %scan3A_7 = arith.constant 0 : i32
    %scan3A_8 = arith.constant 32 : i32
    %scan3A_9 = arith.addi %scan3A_7, %scan3A_8 : i32
    %scan3A_10 = arith.constant 1 : i32
    scf.for %scan3A_412 = %scan3A_7 to %scan3A_9 step %scan3A_10  : i32 {
      %mul3A_413 = arith.constant 8 : i32
      %mul3A_414 = arith.muli %scan3A_412, %mul3A_413 : i32
      %add3A_415 = arith.constant 0 : i32
      %add3A_416 = arith.addi %mul3A_414, %add3A_415 : i32
      %mul3A_417 = arith.constant 16 : i32
      %mul3A_418 = arith.muli %add3A_416, %mul3A_417 : i32
      %swap3A = arith.index_cast %mul3A_418 : i32 to index
      %swap3A_419 = tpu.vector_load %arg7[%swap3A] {strides = array<i32>} : memref<4096xf32, #tpu.memory_space<vmem>>, vector<16xf32>,
      tpu.vector_store %arg7[%swap3A], %broadcast_in_dim3A_6 {strides = array<i32>} : memref<4096xf32, #tpu.memory_space<vmem>>, vector<16xf32>,
      %mul3A_420 = arith.constant 8 : i32
      %mul3A_421 = arith.muli %scan3A_412, %mul3A_420 : i32
      %add3A_422 = arith.constant 1 : i32
      %add3A_423 = arith.addi %mul3A_421, %add3A_422 : i32
      %mul3A_424 = arith.constant 16 : i32
      %mul3A_425 = arith.muli %add3A_423, %mul3A_424 : i32
      %swap3A_426 = arith.index_cast %mul3A_425 : i32 to index
      %swap3A_427 = tpu.vector_load %arg7[%swap3A_426] {strides = array<i32>} : memref<4096xf32, #tpu.memory_space<vmem>>, vector<16xf32>,
      tpu.vector_store %arg7[%swap3A_426], %broadcast_in_dim3A_6 {strides = array<i32>} : memref<4096xf32, #tpu.memory_space<vmem>>, vector<16xf32>,
      %mul3A_428 = arith.constant 8 : i32
      %mul3A_429 = arith.muli %scan3A_412, %mul3A_428 : i32
      %add3A_430 = arith.constant 2 : i32
      %add3A_431 = arith.addi %mul3A_429, %add3A_430 : i32
      %mul3A_432 = arith.constant 16 : i32
      %mul3A_433 = arith.muli %add3A_431, %mul3A_432 : i32
      %swap3A_434 = arith.index_cast %mul3A_433 : i32 to index
      %swap3A_435 = tpu.vector_load %arg7[%swap3A_434] {strides = array<i32>} : memref<4096xf32, #tpu.memory_space<vmem>>, vector<16xf32>,
      tpu.vector_store %arg7[%swap3A_434], %broadcast_in_dim3A_6 {strides = array<i32>} : memref<4096xf32, #tpu.memory_space<vmem>>, vector<16xf32>,
      %mul3A_436 = arith.constant 8 : i32
      %mul3A_437 = arith.muli %scan3A_412, %mul3A_436 : i32
      %add3A_438 = arith.constant 3 : i32
      %add3A_439 = arith.addi %mul3A_437, %add3A_438 : i32
      %mul3A_440 = arith.constant 16 : i32
      %mul3A_441 = arith.muli %add3A_439, %mul3A_440 : i32
      %swap3A_442 = arith.index_cast %mul3A_441 : i32 to index
      %swap3A_443 = tpu.vector_load %arg7[%swap3A_442] {strides = array<i32>} : memref<4096xf32, #tpu.memory_space<vmem>>, vector<16xf32>,
      tpu.vector_store %arg7[%swap3A_442], %broadcast_in_dim3A_6 {strides = array<i32>} : memref<4096xf32, #tpu.memory_space<vmem>>, vector<16xf32>,
      %mul3A_444 = arith.constant 8 : i32
      %mul3A_445 = arith.muli %scan3A_412, %mul3A_444 : i32
      %add3A_446 = arith.constant 4 : i32
      %add3A_447 = arith.addi %mul3A_445, %add3A_446 : i32
      %mul3A_448 = arith.constant 16 : i32
      %mul3A_449 = arith.muli %add3A_447, %mul3A_448 : i32
      %swap3A_450 = arith.index_cast %mul3A_449 : i32 to index
      %swap3A_451 = tpu.vector_load %arg7[%swap3A_450] {strides = array<i32>} : memref<4096xf32, #tpu.memory_space<vmem>>, vector<16xf32>,
      tpu.vector_store %arg7[%swap3A_450], %broadcast_in_dim3A_6 {strides = array<i32>} : memref<4096xf32, #tpu.memory_space<vmem>>, vector<16xf32>,
      %mul3A_452 = arith.constant 8 : i32
      %mul3A_453 = arith.muli %scan3A_412, %mul3A_452 : i32
      %add3A_454 = arith.constant 5 : i32
      %add3A_455 = arith.addi %mul3A_453, %add3A_454 : i32
      %mul3A_456 = arith.constant 16 : i32
      %mul3A_457 = arith.muli %add3A_455, %mul3A_456 : i32
      %swap3A_458 = arith.index_cast %mul3A_457 : i32 to index
      %swap3A_459 = tpu.vector_load %arg7[%swap3A_458] {strides = array<i32>} : memref<4096xf32, #tpu.memory_space<vmem>>, vector<16xf32>,
      tpu.vector_store %arg7[%swap3A_458], %broadcast_in_dim3A_6 {strides = array<i32>} : memref<4096xf32, #tpu.memory_space<vmem>>, vector<16xf32>,
      %mul3A_460 = arith.constant 8 : i32
      %mul3A_461 = arith.muli %scan3A_412, %mul3A_460 : i32
      %add3A_462 = arith.constant 6 : i32
      %add3A_463 = arith.addi %mul3A_461, %add3A_462 : i32
      %mul3A_464 = arith.constant 16 : i32
      %mul3A_465 = arith.muli %add3A_463, %mul3A_464 : i32
      %swap3A_466 = arith.index_cast %mul3A_465 : i32 to index
      %swap3A_467 = tpu.vector_load %arg7[%swap3A_466] {strides = array<i32>} : memref<4096xf32, #tpu.memory_space<vmem>>, vector<16xf32>,
      tpu.vector_store %arg7[%swap3A_466], %broadcast_in_dim3A_6 {strides = array<i32>} : memref<4096xf32, #tpu.memory_space<vmem>>, vector<16xf32>,
      %mul3A_468 = arith.constant 8 : i32
      %mul3A_469 = arith.muli %scan3A_412, %mul3A_468 : i32
      %add3A_470 = arith.constant 7 : i32
      %add3A_471 = arith.addi %mul3A_469, %add3A_470 : i32
      %mul3A_472 = arith.constant 16 : i32
      %mul3A_473 = arith.muli %add3A_471, %mul3A_472 : i32
      %swap3A_474 = arith.index_cast %mul3A_473 : i32 to index
      %swap3A_475 = tpu.vector_load %arg7[%swap3A_474] {strides = array<i32>} : memref<4096xf32, #tpu.memory_space<vmem>>, vector<16xf32>,
      tpu.vector_store %arg7[%swap3A_474], %broadcast_in_dim3A_6 {strides = array<i32>} : memref<4096xf32, #tpu.memory_space<vmem>>, vector<16xf32>,
    }
    %scan3A_11 = arith.constant 32 : i32
    %mul3A_12 = arith.constant 4096 : i32
    %mul3A_13 = arith.muli %arg1, %mul3A_12 : i32
    %dma_start3A = tpu.memref_slice %arg9[%mul3A_13] : memref<65536xf32, #tpu.memory_space<vmem_shared>> -> memref<4096xf32, #tpu.memory_space<vmem_shared>>
    %dma_start3A_14 = tpu.memref_slice %arg9[%mul3A_13] : memref<65536xf32, #tpu.memory_space<vmem_shared>> -> memref<4096xf32, #tpu.memory_space<vmem_shared>>
    tpu.enqueue_dma source(%arg7 : memref<4096xf32, #tpu.memory_space<vmem>>) target(%dma_start3A_14 : memref<4096xf32, #tpu.memory_space<vmem_shared>>) target_semaphore(%arg11 : memref<!tpu.dma_semaphore, #tpu.memory_space<semaphore_mem>>)
    %convert_element_type3A_15 = arith.extui %lt3A_1 : i1 to i32
    %cond3A_16 = arith.constant 0 : i32
    %cond3A_17 = arith.cmpi ne, %convert_element_type3A_15, %cond3A_16 : i32
    scf.if %cond3A_17 {
      %dma_wait3A_412 = arith.constant 0 : i32
      %dma_wait3A_413 = tpu.memref_slice %arg2[%dma_wait3A_412, %mul3A_4] : memref<2x15872xi32, #tpu.memory_space<hbm>> -> memref<2x512xi32, #tpu.memory_space<hbm>>
      %dma_wait3A_414 = arith.constant 0 : i32
      %dma_wait3A_415 = tpu.memref_slice %arg2[%dma_wait3A_414, %mul3A_4] : memref<2x15872xi32, #tpu.memory_space<hbm>> -> memref<2x512xi32, #tpu.memory_space<hbm>>
      tpu.wait_dma2 semaphore(%arg10 : memref<!tpu.dma_semaphore, #tpu.memory_space<semaphore_mem>>) src(%dma_wait3A_415 : memref<2x512xi32, #tpu.memory_space<hbm>>) dst(%arg4 : memref<2x512xi32, #tpu.memory_space<vmem>>)
      %get3A = arith.constant 0 : i32
      %get3A_416 = arith.index_cast %get3A : i32 to index
      %get3A_417 = arith.constant 0 : index
      %get3A_418 = tpu.vector_load %arg4[%get3A_416, %get3A_417] {strides = array<i32>} : memref<2x512xi32, #tpu.memory_space<vmem>>, vector<16xi32>,
      %get3A_419 = arith.constant 1 : i32
      %get3A_420 = arith.index_cast %get3A_419 : i32 to index
      %get3A_421 = arith.constant 0 : index
      %get3A_422 = tpu.vector_load %arg4[%get3A_420, %get3A_421] {strides = array<i32>} : memref<2x512xi32, #tpu.memory_space<vmem>>, vector<16xi32>,
      %shift_left3A = arith.constant 8 : i32
      %shift_left3A_423 = vector.broadcast %shift_left3A : i32 to vector<16xi32>
      %shift_left3A_424 = arith.shli %get3A_422, %shift_left3A_423 : vector<16xi32>
      %or3A = arith.ori %shift_left3A_424, %get3A_418 : vector<16xi32>
      %swap3A = arith.constant 0 : i32
      %swap3A_425 = arith.index_cast %swap3A : i32 to index
      %swap3A_426 = arith.constant 0 : index
      %swap3A_427 = tpu.vector_load %arg5[%swap3A_425, %swap3A_426] {strides = array<i32>} : memref<4x128xi32, #tpu.memory_space<vmem>>, vector<16xi32>,
      tpu.vector_store %arg5[%swap3A_425, %swap3A_426], %or3A {strides = array<i32>} : memref<4x128xi32, #tpu.memory_space<vmem>>, vector<16xi32>,
      %ne3A = arith.cmpi ne, %get3A_418, %get3A_422 : vector<16xi32>
      %jit3A = arith.constant 1.000000e+00 : f32
      %jit3A_428 = arith.constant 0.000000e+00 : f32
      %broadcast_in_dim3A_429 = vector.broadcast %jit3A : f32 to vector<16xf32>
      %broadcast_in_dim3A_430 = vector.broadcast %jit3A_428 : f32 to vector<16xf32>
      %select_n3A = arith.select %ne3A, %broadcast_in_dim3A_429, %broadcast_in_dim3A_430 : vector<16xi1>, vector<16xf32>
      %swap3A_431 = arith.constant 0 : i32
      %swap3A_432 = arith.index_cast %swap3A_431 : i32 to index
      %swap3A_433 = arith.constant 0 : index
      %swap3A_434 = tpu.vector_load %arg6[%swap3A_432, %swap3A_433] {strides = array<i32>} : memref<4x128xf32, #tpu.memory_space<vmem>>, vector<16xf32>,
      tpu.vector_store %arg6[%swap3A_432, %swap3A_433], %select_n3A {strides = array<i32>} : memref<4x128xf32, #tpu.memory_space<vmem>>, vector<16xf32>,
      %get3A_435 = arith.constant 0 : i32
      %get3A_436 = arith.index_cast %get3A_435 : i32 to index
      %get3A_437 = arith.constant 16 : index
      %get3A_438 = tpu.vector_load %arg4[%get3A_436, %get3A_437] {strides = array<i32>} : memref<2x512xi32, #tpu.memory_space<vmem>>, vector<16xi32>,
      %get3A_439 = arith.constant 1 : i32
      %get3A_440 = arith.index_cast %get3A_439 : i32 to index
      %get3A_441 = arith.constant 16 : index
      %get3A_442 = tpu.vector_load %arg4[%get3A_440, %get3A_441] {strides = array<i32>} : memref<2x512xi32, #tpu.memory_space<vmem>>, vector<16xi32>,
      %shift_left3A_443 = arith.constant 8 : i32
      %shift_left3A_444 = vector.broadcast %shift_left3A_443 : i32 to vector<16xi32>
      %shift_left3A_445 = arith.shli %get3A_442, %shift_left3A_444 : vector<16xi32>
      %or3A_446 = arith.ori %shift_left3A_445, %get3A_438 : vector<16xi32>
      %swap3A_447 = arith.constant 0 : i32
      %swap3A_448 = arith.index_cast %swap3A_447 : i32 to index
      %swap3A_449 = arith.constant 16 : index
      %swap3A_450 = tpu.vector_load %arg5[%swap3A_448, %swap3A_449] {strides = array<i32>} : memref<4x128xi32, #tpu.memory_space<vmem>>, vector<16xi32>,
      tpu.vector_store %arg5[%swap3A_448, %swap3A_449], %or3A_446 {strides = array<i32>} : memref<4x128xi32, #tpu.memory_space<vmem>>, vector<16xi32>,
      %ne3A_451 = arith.cmpi ne, %get3A_438, %get3A_442 : vector<16xi32>
      %jit3A_452 = arith.constant 1.000000e+00 : f32
      %jit3A_453 = arith.constant 0.000000e+00 : f32
      %broadcast_in_dim3A_454 = vector.broadcast %jit3A_452 : f32 to vector<16xf32>
      %broadcast_in_dim3A_455 = vector.broadcast %jit3A_453 : f32 to vector<16xf32>
      %select_n3A_456 = arith.select %ne3A_451, %broadcast_in_dim3A_454, %broadcast_in_dim3A_455 : vector<16xi1>, vector<16xf32>
      %swap3A_457 = arith.constant 0 : i32
      %swap3A_458 = arith.index_cast %swap3A_457 : i32 to index
      %swap3A_459 = arith.constant 16 : index
      %swap3A_460 = tpu.vector_load %arg6[%swap3A_458, %swap3A_459] {strides = array<i32>} : memref<4x128xf32, #tpu.memory_space<vmem>>, vector<16xf32>,
      tpu.vector_store %arg6[%swap3A_458, %swap3A_459], %select_n3A_456 {strides = array<i32>} : memref<4x128xf32, #tpu.memory_space<vmem>>, vector<16xf32>,
      %get3A_461 = arith.constant 0 : i32
      %get3A_462 = arith.index_cast %get3A_461 : i32 to index
      %get3A_463 = arith.constant 32 : index
      %get3A_464 = tpu.vector_load %arg4[%get3A_462, %get3A_463] {strides = array<i32>} : memref<2x512xi32, #tpu.memory_space<vmem>>, vector<16xi32>,
      %get3A_465 = arith.constant 1 : i32
      %get3A_466 = arith.index_cast %get3A_465 : i32 to index
      %get3A_467 = arith.constant 32 : index
      %get3A_468 = tpu.vector_load %arg4[%get3A_466, %get3A_467] {strides = array<i32>} : memref<2x512xi32, #tpu.memory_space<vmem>>, vector<16xi32>,
      %shift_left3A_469 = arith.constant 8 : i32
      %shift_left3A_470 = vector.broadcast %shift_left3A_469 : i32 to vector<16xi32>
      %shift_left3A_471 = arith.shli %get3A_468, %shift_left3A_470 : vector<16xi32>
      %or3A_472 = arith.ori %shift_left3A_471, %get3A_464 : vector<16xi32>
      %swap3A_473 = arith.constant 0 : i32
      %swap3A_474 = arith.index_cast %swap3A_473 : i32 to index
      %swap3A_475 = arith.constant 32 : index
      %swap3A_476 = tpu.vector_load %arg5[%swap3A_474, %swap3A_475] {strides = array<i32>} : memref<4x128xi32, #tpu.memory_space<vmem>>, vector<16xi32>,
      tpu.vector_store %arg5[%swap3A_474, %swap3A_475], %or3A_472 {strides = array<i32>} : memref<4x128xi32, #tpu.memory_space<vmem>>, vector<16xi32>,
      %ne3A_477 = arith.cmpi ne, %get3A_464, %get3A_468 : vector<16xi32>
      %jit3A_478 = arith.constant 1.000000e+00 : f32
      %jit3A_479 = arith.constant 0.000000e+00 : f32
      %broadcast_in_dim3A_480 = vector.broadcast %jit3A_478 : f32 to vector<16xf32>
      %broadcast_in_dim3A_481 = vector.broadcast %jit3A_479 : f32 to vector<16xf32>
      %select_n3A_482 = arith.select %ne3A_477, %broadcast_in_dim3A_480, %broadcast_in_dim3A_481 : vector<16xi1>, vector<16xf32>
      %swap3A_483 = arith.constant 0 : i32
      %swap3A_484 = arith.index_cast %swap3A_483 : i32 to index
      %swap3A_485 = arith.constant 32 : index
      %swap3A_486 = tpu.vector_load %arg6[%swap3A_484, %swap3A_485] {strides = array<i32>} : memref<4x128xf32, #tpu.memory_space<vmem>>, vector<16xf32>,
      tpu.vector_store %arg6[%swap3A_484, %swap3A_485], %select_n3A_482 {strides = array<i32>} : memref<4x128xf32, #tpu.memory_space<vmem>>, vector<16xf32>,
      %get3A_487 = arith.constant 0 : i32
      %get3A_488 = arith.index_cast %get3A_487 : i32 to index
      %get3A_489 = arith.constant 48 : index
      %get3A_490 = tpu.vector_load %arg4[%get3A_488, %get3A_489] {strides = array<i32>} : memref<2x512xi32, #tpu.memory_space<vmem>>, vector<16xi32>,
      %get3A_491 = arith.constant 1 : i32
      %get3A_492 = arith.index_cast %get3A_491 : i32 to index
      %get3A_493 = arith.constant 48 : index
      %get3A_494 = tpu.vector_load %arg4[%get3A_492, %get3A_493] {strides = array<i32>} : memref<2x512xi32, #tpu.memory_space<vmem>>, vector<16xi32>,
      %shift_left3A_495 = arith.constant 8 : i32
      %shift_left3A_496 = vector.broadcast %shift_left3A_495 : i32 to vector<16xi32>
      %shift_left3A_497 = arith.shli %get3A_494, %shift_left3A_496 : vector<16xi32>
      %or3A_498 = arith.ori %shift_left3A_497, %get3A_490 : vector<16xi32>
      %swap3A_499 = arith.constant 0 : i32
      %swap3A_500 = arith.index_cast %swap3A_499 : i32 to index
      %swap3A_501 = arith.constant 48 : index
      %swap3A_502 = tpu.vector_load %arg5[%swap3A_500, %swap3A_501] {strides = array<i32>} : memref<4x128xi32, #tpu.memory_space<vmem>>, vector<16xi32>,
      tpu.vector_store %arg5[%swap3A_500, %swap3A_501], %or3A_498 {strides = array<i32>} : memref<4x128xi32, #tpu.memory_space<vmem>>, vector<16xi32>,
      %ne3A_503 = arith.cmpi ne, %get3A_490, %get3A_494 : vector<16xi32>
      %jit3A_504 = arith.constant 1.000000e+00 : f32
      %jit3A_505 = arith.constant 0.000000e+00 : f32
      %broadcast_in_dim3A_506 = vector.broadcast %jit3A_504 : f32 to vector<16xf32>
      %broadcast_in_dim3A_507 = vector.broadcast %jit3A_505 : f32 to vector<16xf32>
      %select_n3A_508 = arith.select %ne3A_503, %broadcast_in_dim3A_506, %broadcast_in_dim3A_507 : vector<16xi1>, vector<16xf32>
      %swap3A_509 = arith.constant 0 : i32
      %swap3A_510 = arith.index_cast %swap3A_509 : i32 to index
      %swap3A_511 = arith.constant 48 : index
      %swap3A_512 = tpu.vector_load %arg6[%swap3A_510, %swap3A_511] {strides = array<i32>} : memref<4x128xf32, #tpu.memory_space<vmem>>, vector<16xf32>,
      tpu.vector_store %arg6[%swap3A_510, %swap3A_511], %select_n3A_508 {strides = array<i32>} : memref<4x128xf32, #tpu.memory_space<vmem>>, vector<16xf32>,
      %get3A_513 = arith.constant 0 : i32
      %get3A_514 = arith.index_cast %get3A_513 : i32 to index
      %get3A_515 = arith.constant 64 : index
      %get3A_516 = tpu.vector_load %arg4[%get3A_514, %get3A_515] {strides = array<i32>} : memref<2x512xi32, #tpu.memory_space<vmem>>, vector<16xi32>,
      %get3A_517 = arith.constant 1 : i32
      %get3A_518 = arith.index_cast %get3A_517 : i32 to index
      %get3A_519 = arith.constant 64 : index
      %get3A_520 = tpu.vector_load %arg4[%get3A_518, %get3A_519] {strides = array<i32>} : memref<2x512xi32, #tpu.memory_space<vmem>>, vector<16xi32>,
      %shift_left3A_521 = arith.constant 8 : i32
      %shift_left3A_522 = vector.broadcast %shift_left3A_521 : i32 to vector<16xi32>
      %shift_left3A_523 = arith.shli %get3A_520, %shift_left3A_522 : vector<16xi32>
      %or3A_524 = arith.ori %shift_left3A_523, %get3A_516 : vector<16xi32>
      %swap3A_525 = arith.constant 0 : i32
      %swap3A_526 = arith.index_cast %swap3A_525 : i32 to index
      %swap3A_527 = arith.constant 64 : index
      %swap3A_528 = tpu.vector_load %arg5[%swap3A_526, %swap3A_527] {strides = array<i32>} : memref<4x128xi32, #tpu.memory_space<vmem>>, vector<16xi32>,
      tpu.vector_store %arg5[%swap3A_526, %swap3A_527], %or3A_524 {strides = array<i32>} : memref<4x128xi32, #tpu.memory_space<vmem>>, vector<16xi32>,
      %ne3A_529 = arith.cmpi ne, %get3A_516, %get3A_520 : vector<16xi32>
      %jit3A_530 = arith.constant 1.000000e+00 : f32
      %jit3A_531 = arith.constant 0.000000e+00 : f32
      %broadcast_in_dim3A_532 = vector.broadcast %jit3A_530 : f32 to vector<16xf32>
      %broadcast_in_dim3A_533 = vector.broadcast %jit3A_531 : f32 to vector<16xf32>
      %select_n3A_534 = arith.select %ne3A_529, %broadcast_in_dim3A_532, %broadcast_in_dim3A_533 : vector<16xi1>, vector<16xf32>
      %swap3A_535 = arith.constant 0 : i32
      %swap3A_536 = arith.index_cast %swap3A_535 : i32 to index
      %swap3A_537 = arith.constant 64 : index
      %swap3A_538 = tpu.vector_load %arg6[%swap3A_536, %swap3A_537] {strides = array<i32>} : memref<4x128xf32, #tpu.memory_space<vmem>>, vector<16xf32>,
      tpu.vector_store %arg6[%swap3A_536, %swap3A_537], %select_n3A_534 {strides = array<i32>} : memref<4x128xf32, #tpu.memory_space<vmem>>, vector<16xf32>,
      %get3A_539 = arith.constant 0 : i32
      %get3A_540 = arith.index_cast %get3A_539 : i32 to index
      %get3A_541 = arith.constant 80 : index
      %get3A_542 = tpu.vector_load %arg4[%get3A_540, %get3A_541] {strides = array<i32>} : memref<2x512xi32, #tpu.memory_space<vmem>>, vector<16xi32>,
      %get3A_543 = arith.constant 1 : i32
      %get3A_544 = arith.index_cast %get3A_543 : i32 to index
      %get3A_545 = arith.constant 80 : index
      %get3A_546 = tpu.vector_load %arg4[%get3A_544, %get3A_545] {strides = array<i32>} : memref<2x512xi32, #tpu.memory_space<vmem>>, vector<16xi32>,
      %shift_left3A_547 = arith.constant 8 : i32
      %shift_left3A_548 = vector.broadcast %shift_left3A_547 : i32 to vector<16xi32>
      %shift_left3A_549 = arith.shli %get3A_546, %shift_left3A_548 : vector<16xi32>
      %or3A_550 = arith.ori %shift_left3A_549, %get3A_542 : vector<16xi32>
      %swap3A_551 = arith.constant 0 : i32
      %swap3A_552 = arith.index_cast %swap3A_551 : i32 to index
      %swap3A_553 = arith.constant 80 : index
      %swap3A_554 = tpu.vector_load %arg5[%swap3A_552, %swap3A_553] {strides = array<i32>} : memref<4x128xi32, #tpu.memory_space<vmem>>, vector<16xi32>,
      tpu.vector_store %arg5[%swap3A_552, %swap3A_553], %or3A_550 {strides = array<i32>} : memref<4x128xi32, #tpu.memory_space<vmem>>, vector<16xi32>,
      %ne3A_555 = arith.cmpi ne, %get3A_542, %get3A_546 : vector<16xi32>
      %jit3A_556 = arith.constant 1.000000e+00 : f32
      %jit3A_557 = arith.constant 0.000000e+00 : f32
      %broadcast_in_dim3A_558 = vector.broadcast %jit3A_556 : f32 to vector<16xf32>
      %broadcast_in_dim3A_559 = vector.broadcast %jit3A_557 : f32 to vector<16xf32>
      %select_n3A_560 = arith.select %ne3A_555, %broadcast_in_dim3A_558, %broadcast_in_dim3A_559 : vector<16xi1>, vector<16xf32>
      %swap3A_561 = arith.constant 0 : i32
      %swap3A_562 = arith.index_cast %swap3A_561 : i32 to index
      %swap3A_563 = arith.constant 80 : index
      %swap3A_564 = tpu.vector_load %arg6[%swap3A_562, %swap3A_563] {strides = array<i32>} : memref<4x128xf32, #tpu.memory_space<vmem>>, vector<16xf32>,
      tpu.vector_store %arg6[%swap3A_562, %swap3A_563], %select_n3A_560 {strides = array<i32>} : memref<4x128xf32, #tpu.memory_space<vmem>>, vector<16xf32>,
      %get3A_565 = arith.constant 0 : i32
      %get3A_566 = arith.index_cast %get3A_565 : i32 to index
      %get3A_567 = arith.constant 96 : index
      %get3A_568 = tpu.vector_load %arg4[%get3A_566, %get3A_567] {strides = array<i32>} : memref<2x512xi32, #tpu.memory_space<vmem>>, vector<16xi32>,
      %get3A_569 = arith.constant 1 : i32
      %get3A_570 = arith.index_cast %get3A_569 : i32 to index
      %get3A_571 = arith.constant 96 : index
      %get3A_572 = tpu.vector_load %arg4[%get3A_570, %get3A_571] {strides = array<i32>} : memref<2x512xi32, #tpu.memory_space<vmem>>, vector<16xi32>,
      %shift_left3A_573 = arith.constant 8 : i32
      %shift_left3A_574 = vector.broadcast %shift_left3A_573 : i32 to vector<16xi32>
      %shift_left3A_575 = arith.shli %get3A_572, %shift_left3A_574 : vector<16xi32>
      %or3A_576 = arith.ori %shift_left3A_575, %get3A_568 : vector<16xi32>
      %swap3A_577 = arith.constant 0 : i32
      %swap3A_578 = arith.index_cast %swap3A_577 : i32 to index
      %swap3A_579 = arith.constant 96 : index
      %swap3A_580 = tpu.vector_load %arg5[%swap3A_578, %swap3A_579] {strides = array<i32>} : memref<4x128xi32, #tpu.memory_space<vmem>>, vector<16xi32>,
      tpu.vector_store %arg5[%swap3A_578, %swap3A_579], %or3A_576 {strides = array<i32>} : memref<4x128xi32, #tpu.memory_space<vmem>>, vector<16xi32>,
      %ne3A_581 = arith.cmpi ne, %get3A_568, %get3A_572 : vector<16xi32>
      %jit3A_582 = arith.constant 1.000000e+00 : f32
      %jit3A_583 = arith.constant 0.000000e+00 : f32
      %broadcast_in_dim3A_584 = vector.broadcast %jit3A_582 : f32 to vector<16xf32>
      %broadcast_in_dim3A_585 = vector.broadcast %jit3A_583 : f32 to vector<16xf32>
      %select_n3A_586 = arith.select %ne3A_581, %broadcast_in_dim3A_584, %broadcast_in_dim3A_585 : vector<16xi1>, vector<16xf32>
      %swap3A_587 = arith.constant 0 : i32
      %swap3A_588 = arith.index_cast %swap3A_587 : i32 to index
      %swap3A_589 = arith.constant 96 : index
      %swap3A_590 = tpu.vector_load %arg6[%swap3A_588, %swap3A_589] {strides = array<i32>} : memref<4x128xf32, #tpu.memory_space<vmem>>, vector<16xf32>,
      tpu.vector_store %arg6[%swap3A_588, %swap3A_589], %select_n3A_586 {strides = array<i32>} : memref<4x128xf32, #tpu.memory_space<vmem>>, vector<16xf32>,
      %get3A_591 = arith.constant 0 : i32
      %get3A_592 = arith.index_cast %get3A_591 : i32 to index
      %get3A_593 = arith.constant 112 : index
      %get3A_594 = tpu.vector_load %arg4[%get3A_592, %get3A_593] {strides = array<i32>} : memref<2x512xi32, #tpu.memory_space<vmem>>, vector<16xi32>,
      %get3A_595 = arith.constant 1 : i32
      %get3A_596 = arith.index_cast %get3A_595 : i32 to index
      %get3A_597 = arith.constant 112 : index
      %get3A_598 = tpu.vector_load %arg4[%get3A_596, %get3A_597] {strides = array<i32>} : memref<2x512xi32, #tpu.memory_space<vmem>>, vector<16xi32>,
      %shift_left3A_599 = arith.constant 8 : i32
      %shift_left3A_600 = vector.broadcast %shift_left3A_599 : i32 to vector<16xi32>
      %shift_left3A_601 = arith.shli %get3A_598, %shift_left3A_600 : vector<16xi32>
      %or3A_602 = arith.ori %shift_left3A_601, %get3A_594 : vector<16xi32>
      %swap3A_603 = arith.constant 0 : i32
      %swap3A_604 = arith.index_cast %swap3A_603 : i32 to index
      %swap3A_605 = arith.constant 112 : index
      %swap3A_606 = tpu.vector_load %arg5[%swap3A_604, %swap3A_605] {strides = array<i32>} : memref<4x128xi32, #tpu.memory_space<vmem>>, vector<16xi32>,
      tpu.vector_store %arg5[%swap3A_604, %swap3A_605], %or3A_602 {strides = array<i32>} : memref<4x128xi32, #tpu.memory_space<vmem>>, vector<16xi32>,
      %ne3A_607 = arith.cmpi ne, %get3A_594, %get3A_598 : vector<16xi32>
      %jit3A_608 = arith.constant 1.000000e+00 : f32
      %jit3A_609 = arith.constant 0.000000e+00 : f32
      %broadcast_in_dim3A_610 = vector.broadcast %jit3A_608 : f32 to vector<16xf32>
      %broadcast_in_dim3A_611 = vector.broadcast %jit3A_609 : f32 to vector<16xf32>
      %select_n3A_612 = arith.select %ne3A_607, %broadcast_in_dim3A_610, %broadcast_in_dim3A_611 : vector<16xi1>, vector<16xf32>
      %swap3A_613 = arith.constant 0 : i32
      %swap3A_614 = arith.index_cast %swap3A_613 : i32 to index
      %swap3A_615 = arith.constant 112 : index
      %swap3A_616 = tpu.vector_load %arg6[%swap3A_614, %swap3A_615] {strides = array<i32>} : memref<4x128xf32, #tpu.memory_space<vmem>>, vector<16xf32>,
      tpu.vector_store %arg6[%swap3A_614, %swap3A_615], %select_n3A_612 {strides = array<i32>} : memref<4x128xf32, #tpu.memory_space<vmem>>, vector<16xf32>,
      %get3A_617 = arith.constant 0 : i32
      %get3A_618 = arith.index_cast %get3A_617 : i32 to index
      %get3A_619 = arith.constant 128 : index
      %get3A_620 = tpu.vector_load %arg4[%get3A_618, %get3A_619] {strides = array<i32>} : memref<2x512xi32, #tpu.memory_space<vmem>>, vector<16xi32>,
      %get3A_621 = arith.constant 1 : i32
      %get3A_622 = arith.index_cast %get3A_621 : i32 to index
      %get3A_623 = arith.constant 128 : index
      %get3A_624 = tpu.vector_load %arg4[%get3A_622, %get3A_623] {strides = array<i32>} : memref<2x512xi32, #tpu.memory_space<vmem>>, vector<16xi32>,
      %shift_left3A_625 = arith.constant 8 : i32
      %shift_left3A_626 = vector.broadcast %shift_left3A_625 : i32 to vector<16xi32>
      %shift_left3A_627 = arith.shli %get3A_624, %shift_left3A_626 : vector<16xi32>
      %or3A_628 = arith.ori %shift_left3A_627, %get3A_620 : vector<16xi32>
      %swap3A_629 = arith.constant 1 : i32
      %swap3A_630 = arith.index_cast %swap3A_629 : i32 to index
      %swap3A_631 = arith.constant 0 : index
      %swap3A_632 = tpu.vector_load %arg5[%swap3A_630, %swap3A_631] {strides = array<i32>} : memref<4x128xi32, #tpu.memory_space<vmem>>, vector<16xi32>,
      tpu.vector_store %arg5[%swap3A_630, %swap3A_631], %or3A_628 {strides = array<i32>} : memref<4x128xi32, #tpu.memory_space<vmem>>, vector<16xi32>,
      %ne3A_633 = arith.cmpi ne, %get3A_620, %get3A_624 : vector<16xi32>
      %jit3A_634 = arith.constant 1.000000e+00 : f32
      %jit3A_635 = arith.constant 0.000000e+00 : f32
      %broadcast_in_dim3A_636 = vector.broadcast %jit3A_634 : f32 to vector<16xf32>
      %broadcast_in_dim3A_637 = vector.broadcast %jit3A_635 : f32 to vector<16xf32>
      %select_n3A_638 = arith.select %ne3A_633, %broadcast_in_dim3A_636, %broadcast_in_dim3A_637 : vector<16xi1>, vector<16xf32>
      %swap3A_639 = arith.constant 1 : i32
      %swap3A_640 = arith.index_cast %swap3A_639 : i32 to index
      %swap3A_641 = arith.constant 0 : index
      %swap3A_642 = tpu.vector_load %arg6[%swap3A_640, %swap3A_641] {strides = array<i32>} : memref<4x128xf32, #tpu.memory_space<vmem>>, vector<16xf32>,
      tpu.vector_store %arg6[%swap3A_640, %swap3A_641], %select_n3A_638 {strides = array<i32>} : memref<4x128xf32, #tpu.memory_space<vmem>>, vector<16xf32>,
      %get3A_643 = arith.constant 0 : i32
      %get3A_644 = arith.index_cast %get3A_643 : i32 to index
      %get3A_645 = arith.constant 144 : index
      %get3A_646 = tpu.vector_load %arg4[%get3A_644, %get3A_645] {strides = array<i32>} : memref<2x512xi32, #tpu.memory_space<vmem>>, vector<16xi32>,
      %get3A_647 = arith.constant 1 : i32
      %get3A_648 = arith.index_cast %get3A_647 : i32 to index
      %get3A_649 = arith.constant 144 : index
      %get3A_650 = tpu.vector_load %arg4[%get3A_648, %get3A_649] {strides = array<i32>} : memref<2x512xi32, #tpu.memory_space<vmem>>, vector<16xi32>,
      %shift_left3A_651 = arith.constant 8 : i32
      %shift_left3A_652 = vector.broadcast %shift_left3A_651 : i32 to vector<16xi32>
      %shift_left3A_653 = arith.shli %get3A_650, %shift_left3A_652 : vector<16xi32>
      %or3A_654 = arith.ori %shift_left3A_653, %get3A_646 : vector<16xi32>
      %swap3A_655 = arith.constant 1 : i32
      %swap3A_656 = arith.index_cast %swap3A_655 : i32 to index
      %swap3A_657 = arith.constant 16 : index
      %swap3A_658 = tpu.vector_load %arg5[%swap3A_656, %swap3A_657] {strides = array<i32>} : memref<4x128xi32, #tpu.memory_space<vmem>>, vector<16xi32>,
      tpu.vector_store %arg5[%swap3A_656, %swap3A_657], %or3A_654 {strides = array<i32>} : memref<4x128xi32, #tpu.memory_space<vmem>>, vector<16xi32>,
      %ne3A_659 = arith.cmpi ne, %get3A_646, %get3A_650 : vector<16xi32>
      %jit3A_660 = arith.constant 1.000000e+00 : f32
      %jit3A_661 = arith.constant 0.000000e+00 : f32
      %broadcast_in_dim3A_662 = vector.broadcast %jit3A_660 : f32 to vector<16xf32>
      %broadcast_in_dim3A_663 = vector.broadcast %jit3A_661 : f32 to vector<16xf32>
      %select_n3A_664 = arith.select %ne3A_659, %broadcast_in_dim3A_662, %broadcast_in_dim3A_663 : vector<16xi1>, vector<16xf32>
      %swap3A_665 = arith.constant 1 : i32
      %swap3A_666 = arith.index_cast %swap3A_665 : i32 to index
      %swap3A_667 = arith.constant 16 : index
      %swap3A_668 = tpu.vector_load %arg6[%swap3A_666, %swap3A_667] {strides = array<i32>} : memref<4x128xf32, #tpu.memory_space<vmem>>, vector<16xf32>,
      tpu.vector_store %arg6[%swap3A_666, %swap3A_667], %select_n3A_664 {strides = array<i32>} : memref<4x128xf32, #tpu.memory_space<vmem>>, vector<16xf32>,
      %get3A_669 = arith.constant 0 : i32
      %get3A_670 = arith.index_cast %get3A_669 : i32 to index
      %get3A_671 = arith.constant 160 : index
      %get3A_672 = tpu.vector_load %arg4[%get3A_670, %get3A_671] {strides = array<i32>} : memref<2x512xi32, #tpu.memory_space<vmem>>, vector<16xi32>,
      %get3A_673 = arith.constant 1 : i32
      %get3A_674 = arith.index_cast %get3A_673 : i32 to index
      %get3A_675 = arith.constant 160 : index
      %get3A_676 = tpu.vector_load %arg4[%get3A_674, %get3A_675] {strides = array<i32>} : memref<2x512xi32, #tpu.memory_space<vmem>>, vector<16xi32>,
      %shift_left3A_677 = arith.constant 8 : i32
      %shift_left3A_678 = vector.broadcast %shift_left3A_677 : i32 to vector<16xi32>
      %shift_left3A_679 = arith.shli %get3A_676, %shift_left3A_678 : vector<16xi32>
      %or3A_680 = arith.ori %shift_left3A_679, %get3A_672 : vector<16xi32>
      %swap3A_681 = arith.constant 1 : i32
      %swap3A_682 = arith.index_cast %swap3A_681 : i32 to index
      %swap3A_683 = arith.constant 32 : index
      %swap3A_684 = tpu.vector_load %arg5[%swap3A_682, %swap3A_683] {strides = array<i32>} : memref<4x128xi32, #tpu.memory_space<vmem>>, vector<16xi32>,
      tpu.vector_store %arg5[%swap3A_682, %swap3A_683], %or3A_680 {strides = array<i32>} : memref<4x128xi32, #tpu.memory_space<vmem>>, vector<16xi32>,
      %ne3A_685 = arith.cmpi ne, %get3A_672, %get3A_676 : vector<16xi32>
      %jit3A_686 = arith.constant 1.000000e+00 : f32
      %jit3A_687 = arith.constant 0.000000e+00 : f32
      %broadcast_in_dim3A_688 = vector.broadcast %jit3A_686 : f32 to vector<16xf32>
      %broadcast_in_dim3A_689 = vector.broadcast %jit3A_687 : f32 to vector<16xf32>
      %select_n3A_690 = arith.select %ne3A_685, %broadcast_in_dim3A_688, %broadcast_in_dim3A_689 : vector<16xi1>, vector<16xf32>
      %swap3A_691 = arith.constant 1 : i32
      %swap3A_692 = arith.index_cast %swap3A_691 : i32 to index
      %swap3A_693 = arith.constant 32 : index
      %swap3A_694 = tpu.vector_load %arg6[%swap3A_692, %swap3A_693] {strides = array<i32>} : memref<4x128xf32, #tpu.memory_space<vmem>>, vector<16xf32>,
      tpu.vector_store %arg6[%swap3A_692, %swap3A_693], %select_n3A_690 {strides = array<i32>} : memref<4x128xf32, #tpu.memory_space<vmem>>, vector<16xf32>,
      %get3A_695 = arith.constant 0 : i32
      %get3A_696 = arith.index_cast %get3A_695 : i32 to index
      %get3A_697 = arith.constant 176 : index
      %get3A_698 = tpu.vector_load %arg4[%get3A_696, %get3A_697] {strides = array<i32>} : memref<2x512xi32, #tpu.memory_space<vmem>>, vector<16xi32>,
      %get3A_699 = arith.constant 1 : i32
      %get3A_700 = arith.index_cast %get3A_699 : i32 to index
      %get3A_701 = arith.constant 176 : index
      %get3A_702 = tpu.vector_load %arg4[%get3A_700, %get3A_701] {strides = array<i32>} : memref<2x512xi32, #tpu.memory_space<vmem>>, vector<16xi32>,
      %shift_left3A_703 = arith.constant 8 : i32
      %shift_left3A_704 = vector.broadcast %shift_left3A_703 : i32 to vector<16xi32>
      %shift_left3A_705 = arith.shli %get3A_702, %shift_left3A_704 : vector<16xi32>
      %or3A_706 = arith.ori %shift_left3A_705, %get3A_698 : vector<16xi32>
      %swap3A_707 = arith.constant 1 : i32
      %swap3A_708 = arith.index_cast %swap3A_707 : i32 to index
      %swap3A_709 = arith.constant 48 : index
      %swap3A_710 = tpu.vector_load %arg5[%swap3A_708, %swap3A_709] {strides = array<i32>} : memref<4x128xi32, #tpu.memory_space<vmem>>, vector<16xi32>,
      tpu.vector_store %arg5[%swap3A_708, %swap3A_709], %or3A_706 {strides = array<i32>} : memref<4x128xi32, #tpu.memory_space<vmem>>, vector<16xi32>,
      %ne3A_711 = arith.cmpi ne, %get3A_698, %get3A_702 : vector<16xi32>
      %jit3A_712 = arith.constant 1.000000e+00 : f32
      %jit3A_713 = arith.constant 0.000000e+00 : f32
      %broadcast_in_dim3A_714 = vector.broadcast %jit3A_712 : f32 to vector<16xf32>
      %broadcast_in_dim3A_715 = vector.broadcast %jit3A_713 : f32 to vector<16xf32>
      %select_n3A_716 = arith.select %ne3A_711, %broadcast_in_dim3A_714, %broadcast_in_dim3A_715 : vector<16xi1>, vector<16xf32>
      %swap3A_717 = arith.constant 1 : i32
      %swap3A_718 = arith.index_cast %swap3A_717 : i32 to index
      %swap3A_719 = arith.constant 48 : index
      %swap3A_720 = tpu.vector_load %arg6[%swap3A_718, %swap3A_719] {strides = array<i32>} : memref<4x128xf32, #tpu.memory_space<vmem>>, vector<16xf32>,
      tpu.vector_store %arg6[%swap3A_718, %swap3A_719], %select_n3A_716 {strides = array<i32>} : memref<4x128xf32, #tpu.memory_space<vmem>>, vector<16xf32>,
      %get3A_721 = arith.constant 0 : i32
      %get3A_722 = arith.index_cast %get3A_721 : i32 to index
      %get3A_723 = arith.constant 192 : index
      %get3A_724 = tpu.vector_load %arg4[%get3A_722, %get3A_723] {strides = array<i32>} : memref<2x512xi32, #tpu.memory_space<vmem>>, vector<16xi32>,
      %get3A_725 = arith.constant 1 : i32
      %get3A_726 = arith.index_cast %get3A_725 : i32 to index
      %get3A_727 = arith.constant 192 : index
      %get3A_728 = tpu.vector_load %arg4[%get3A_726, %get3A_727] {strides = array<i32>} : memref<2x512xi32, #tpu.memory_space<vmem>>, vector<16xi32>,
      %shift_left3A_729 = arith.constant 8 : i32
      %shift_left3A_730 = vector.broadcast %shift_left3A_729 : i32 to vector<16xi32>
      %shift_left3A_731 = arith.shli %get3A_728, %shift_left3A_730 : vector<16xi32>
      %or3A_732 = arith.ori %shift_left3A_731, %get3A_724 : vector<16xi32>
      %swap3A_733 = arith.constant 1 : i32
      %swap3A_734 = arith.index_cast %swap3A_733 : i32 to index
      %swap3A_735 = arith.constant 64 : index
      %swap3A_736 = tpu.vector_load %arg5[%swap3A_734, %swap3A_735] {strides = array<i32>} : memref<4x128xi32, #tpu.memory_space<vmem>>, vector<16xi32>,
      tpu.vector_store %arg5[%swap3A_734, %swap3A_735], %or3A_732 {strides = array<i32>} : memref<4x128xi32, #tpu.memory_space<vmem>>, vector<16xi32>,
      %ne3A_737 = arith.cmpi ne, %get3A_724, %get3A_728 : vector<16xi32>
      %jit3A_738 = arith.constant 1.000000e+00 : f32
      %jit3A_739 = arith.constant 0.000000e+00 : f32
      %broadcast_in_dim3A_740 = vector.broadcast %jit3A_738 : f32 to vector<16xf32>
      %broadcast_in_dim3A_741 = vector.broadcast %jit3A_739 : f32 to vector<16xf32>
      %select_n3A_742 = arith.select %ne3A_737, %broadcast_in_dim3A_740, %broadcast_in_dim3A_741 : vector<16xi1>, vector<16xf32>
      %swap3A_743 = arith.constant 1 : i32
      %swap3A_744 = arith.index_cast %swap3A_743 : i32 to index
      %swap3A_745 = arith.constant 64 : index
      %swap3A_746 = tpu.vector_load %arg6[%swap3A_744, %swap3A_745] {strides = array<i32>} : memref<4x128xf32, #tpu.memory_space<vmem>>, vector<16xf32>,
      tpu.vector_store %arg6[%swap3A_744, %swap3A_745], %select_n3A_742 {strides = array<i32>} : memref<4x128xf32, #tpu.memory_space<vmem>>, vector<16xf32>,
      %get3A_747 = arith.constant 0 : i32
      %get3A_748 = arith.index_cast %get3A_747 : i32 to index
      %get3A_749 = arith.constant 208 : index
      %get3A_750 = tpu.vector_load %arg4[%get3A_748, %get3A_749] {strides = array<i32>} : memref<2x512xi32, #tpu.memory_space<vmem>>, vector<16xi32>,
      %get3A_751 = arith.constant 1 : i32
      %get3A_752 = arith.index_cast %get3A_751 : i32 to index
      %get3A_753 = arith.constant 208 : index
      %get3A_754 = tpu.vector_load %arg4[%get3A_752, %get3A_753] {strides = array<i32>} : memref<2x512xi32, #tpu.memory_space<vmem>>, vector<16xi32>,
      %shift_left3A_755 = arith.constant 8 : i32
      %shift_left3A_756 = vector.broadcast %shift_left3A_755 : i32 to vector<16xi32>
      %shift_left3A_757 = arith.shli %get3A_754, %shift_left3A_756 : vector<16xi32>
      %or3A_758 = arith.ori %shift_left3A_757, %get3A_750 : vector<16xi32>
      %swap3A_759 = arith.constant 1 : i32
      %swap3A_760 = arith.index_cast %swap3A_759 : i32 to index
      %swap3A_761 = arith.constant 80 : index
      %swap3A_762 = tpu.vector_load %arg5[%swap3A_760, %swap3A_761] {strides = array<i32>} : memref<4x128xi32, #tpu.memory_space<vmem>>, vector<16xi32>,
      tpu.vector_store %arg5[%swap3A_760, %swap3A_761], %or3A_758 {strides = array<i32>} : memref<4x128xi32, #tpu.memory_space<vmem>>, vector<16xi32>,
      %ne3A_763 = arith.cmpi ne, %get3A_750, %get3A_754 : vector<16xi32>
      %jit3A_764 = arith.constant 1.000000e+00 : f32
      %jit3A_765 = arith.constant 0.000000e+00 : f32
      %broadcast_in_dim3A_766 = vector.broadcast %jit3A_764 : f32 to vector<16xf32>
      %broadcast_in_dim3A_767 = vector.broadcast %jit3A_765 : f32 to vector<16xf32>
      %select_n3A_768 = arith.select %ne3A_763, %broadcast_in_dim3A_766, %broadcast_in_dim3A_767 : vector<16xi1>, vector<16xf32>
      %swap3A_769 = arith.constant 1 : i32
      %swap3A_770 = arith.index_cast %swap3A_769 : i32 to index
      %swap3A_771 = arith.constant 80 : index
      %swap3A_772 = tpu.vector_load %arg6[%swap3A_770, %swap3A_771] {strides = array<i32>} : memref<4x128xf32, #tpu.memory_space<vmem>>, vector<16xf32>,
      tpu.vector_store %arg6[%swap3A_770, %swap3A_771], %select_n3A_768 {strides = array<i32>} : memref<4x128xf32, #tpu.memory_space<vmem>>, vector<16xf32>,
      %get3A_773 = arith.constant 0 : i32
      %get3A_774 = arith.index_cast %get3A_773 : i32 to index
      %get3A_775 = arith.constant 224 : index
      %get3A_776 = tpu.vector_load %arg4[%get3A_774, %get3A_775] {strides = array<i32>} : memref<2x512xi32, #tpu.memory_space<vmem>>, vector<16xi32>,
      %get3A_777 = arith.constant 1 : i32
      %get3A_778 = arith.index_cast %get3A_777 : i32 to index
      %get3A_779 = arith.constant 224 : index
      %get3A_780 = tpu.vector_load %arg4[%get3A_778, %get3A_779] {strides = array<i32>} : memref<2x512xi32, #tpu.memory_space<vmem>>, vector<16xi32>,
      %shift_left3A_781 = arith.constant 8 : i32
      %shift_left3A_782 = vector.broadcast %shift_left3A_781 : i32 to vector<16xi32>
      %shift_left3A_783 = arith.shli %get3A_780, %shift_left3A_782 : vector<16xi32>
      %or3A_784 = arith.ori %shift_left3A_783, %get3A_776 : vector<16xi32>
      %swap3A_785 = arith.constant 1 : i32
      %swap3A_786 = arith.index_cast %swap3A_785 : i32 to index
      %swap3A_787 = arith.constant 96 : index
      %swap3A_788 = tpu.vector_load %arg5[%swap3A_786, %swap3A_787] {strides = array<i32>} : memref<4x128xi32, #tpu.memory_space<vmem>>, vector<16xi32>,
      tpu.vector_store %arg5[%swap3A_786, %swap3A_787], %or3A_784 {strides = array<i32>} : memref<4x128xi32, #tpu.memory_space<vmem>>, vector<16xi32>,
      %ne3A_789 = arith.cmpi ne, %get3A_776, %get3A_780 : vector<16xi32>
      %jit3A_790 = arith.constant 1.000000e+00 : f32
      %jit3A_791 = arith.constant 0.000000e+00 : f32
      %broadcast_in_dim3A_792 = vector.broadcast %jit3A_790 : f32 to vector<16xf32>
      %broadcast_in_dim3A_793 = vector.broadcast %jit3A_791 : f32 to vector<16xf32>
      %select_n3A_794 = arith.select %ne3A_789, %broadcast_in_dim3A_792, %broadcast_in_dim3A_793 : vector<16xi1>, vector<16xf32>
      %swap3A_795 = arith.constant 1 : i32
      %swap3A_796 = arith.index_cast %swap3A_795 : i32 to index
      %swap3A_797 = arith.constant 96 : index
      %swap3A_798 = tpu.vector_load %arg6[%swap3A_796, %swap3A_797] {strides = array<i32>} : memref<4x128xf32, #tpu.memory_space<vmem>>, vector<16xf32>,
      tpu.vector_store %arg6[%swap3A_796, %swap3A_797], %select_n3A_794 {strides = array<i32>} : memref<4x128xf32, #tpu.memory_space<vmem>>, vector<16xf32>,
      %get3A_799 = arith.constant 0 : i32
      %get3A_800 = arith.index_cast %get3A_799 : i32 to index
      %get3A_801 = arith.constant 240 : index
      %get3A_802 = tpu.vector_load %arg4[%get3A_800, %get3A_801] {strides = array<i32>} : memref<2x512xi32, #tpu.memory_space<vmem>>, vector<16xi32>,
      %get3A_803 = arith.constant 1 : i32
      %get3A_804 = arith.index_cast %get3A_803 : i32 to index
      %get3A_805 = arith.constant 240 : index
      %get3A_806 = tpu.vector_load %arg4[%get3A_804, %get3A_805] {strides = array<i32>} : memref<2x512xi32, #tpu.memory_space<vmem>>, vector<16xi32>,
      %shift_left3A_807 = arith.constant 8 : i32
      %shift_left3A_808 = vector.broadcast %shift_left3A_807 : i32 to vector<16xi32>
      %shift_left3A_809 = arith.shli %get3A_806, %shift_left3A_808 : vector<16xi32>
      %or3A_810 = arith.ori %shift_left3A_809, %get3A_802 : vector<16xi32>
      %swap3A_811 = arith.constant 1 : i32
      %swap3A_812 = arith.index_cast %swap3A_811 : i32 to index
      %swap3A_813 = arith.constant 112 : index
      %swap3A_814 = tpu.vector_load %arg5[%swap3A_812, %swap3A_813] {strides = array<i32>} : memref<4x128xi32, #tpu.memory_space<vmem>>, vector<16xi32>,
      tpu.vector_store %arg5[%swap3A_812, %swap3A_813], %or3A_810 {strides = array<i32>} : memref<4x128xi32, #tpu.memory_space<vmem>>, vector<16xi32>,
      %ne3A_815 = arith.cmpi ne, %get3A_802, %get3A_806 : vector<16xi32>
      %jit3A_816 = arith.constant 1.000000e+00 : f32
      %jit3A_817 = arith.constant 0.000000e+00 : f32
      %broadcast_in_dim3A_818 = vector.broadcast %jit3A_816 : f32 to vector<16xf32>
      %broadcast_in_dim3A_819 = vector.broadcast %jit3A_817 : f32 to vector<16xf32>
      %select_n3A_820 = arith.select %ne3A_815, %broadcast_in_dim3A_818, %broadcast_in_dim3A_819 : vector<16xi1>, vector<16xf32>
      %swap3A_821 = arith.constant 1 : i32
      %swap3A_822 = arith.index_cast %swap3A_821 : i32 to index
      %swap3A_823 = arith.constant 112 : index
      %swap3A_824 = tpu.vector_load %arg6[%swap3A_822, %swap3A_823] {strides = array<i32>} : memref<4x128xf32, #tpu.memory_space<vmem>>, vector<16xf32>,
      tpu.vector_store %arg6[%swap3A_822, %swap3A_823], %select_n3A_820 {strides = array<i32>} : memref<4x128xf32, #tpu.memory_space<vmem>>, vector<16xf32>,
      %get3A_825 = arith.constant 0 : i32
      %get3A_826 = arith.index_cast %get3A_825 : i32 to index
      %get3A_827 = arith.constant 256 : index
      %get3A_828 = tpu.vector_load %arg4[%get3A_826, %get3A_827] {strides = array<i32>} : memref<2x512xi32, #tpu.memory_space<vmem>>, vector<16xi32>,
      %get3A_829 = arith.constant 1 : i32
      %get3A_830 = arith.index_cast %get3A_829 : i32 to index
      %get3A_831 = arith.constant 256 : index
      %get3A_832 = tpu.vector_load %arg4[%get3A_830, %get3A_831] {strides = array<i32>} : memref<2x512xi32, #tpu.memory_space<vmem>>, vector<16xi32>,
      %shift_left3A_833 = arith.constant 8 : i32
      %shift_left3A_834 = vector.broadcast %shift_left3A_833 : i32 to vector<16xi32>
      %shift_left3A_835 = arith.shli %get3A_832, %shift_left3A_834 : vector<16xi32>
      %or3A_836 = arith.ori %shift_left3A_835, %get3A_828 : vector<16xi32>
      %swap3A_837 = arith.constant 2 : i32
      %swap3A_838 = arith.index_cast %swap3A_837 : i32 to index
      %swap3A_839 = arith.constant 0 : index
      %swap3A_840 = tpu.vector_load %arg5[%swap3A_838, %swap3A_839] {strides = array<i32>} : memref<4x128xi32, #tpu.memory_space<vmem>>, vector<16xi32>,
      tpu.vector_store %arg5[%swap3A_838, %swap3A_839], %or3A_836 {strides = array<i32>} : memref<4x128xi32, #tpu.memory_space<vmem>>, vector<16xi32>,
      %ne3A_841 = arith.cmpi ne, %get3A_828, %get3A_832 : vector<16xi32>
      %jit3A_842 = arith.constant 1.000000e+00 : f32
      %jit3A_843 = arith.constant 0.000000e+00 : f32
      %broadcast_in_dim3A_844 = vector.broadcast %jit3A_842 : f32 to vector<16xf32>
      %broadcast_in_dim3A_845 = vector.broadcast %jit3A_843 : f32 to vector<16xf32>
      %select_n3A_846 = arith.select %ne3A_841, %broadcast_in_dim3A_844, %broadcast_in_dim3A_845 : vector<16xi1>, vector<16xf32>
      %swap3A_847 = arith.constant 2 : i32
      %swap3A_848 = arith.index_cast %swap3A_847 : i32 to index
      %swap3A_849 = arith.constant 0 : index
      %swap3A_850 = tpu.vector_load %arg6[%swap3A_848, %swap3A_849] {strides = array<i32>} : memref<4x128xf32, #tpu.memory_space<vmem>>, vector<16xf32>,
      tpu.vector_store %arg6[%swap3A_848, %swap3A_849], %select_n3A_846 {strides = array<i32>} : memref<4x128xf32, #tpu.memory_space<vmem>>, vector<16xf32>,
      %get3A_851 = arith.constant 0 : i32
      %get3A_852 = arith.index_cast %get3A_851 : i32 to index
      %get3A_853 = arith.constant 272 : index
      %get3A_854 = tpu.vector_load %arg4[%get3A_852, %get3A_853] {strides = array<i32>} : memref<2x512xi32, #tpu.memory_space<vmem>>, vector<16xi32>,
      %get3A_855 = arith.constant 1 : i32
      %get3A_856 = arith.index_cast %get3A_855 : i32 to index
      %get3A_857 = arith.constant 272 : index
      %get3A_858 = tpu.vector_load %arg4[%get3A_856, %get3A_857] {strides = array<i32>} : memref<2x512xi32, #tpu.memory_space<vmem>>, vector<16xi32>,
      %shift_left3A_859 = arith.constant 8 : i32
      %shift_left3A_860 = vector.broadcast %shift_left3A_859 : i32 to vector<16xi32>
      %shift_left3A_861 = arith.shli %get3A_858, %shift_left3A_860 : vector<16xi32>
      %or3A_862 = arith.ori %shift_left3A_861, %get3A_854 : vector<16xi32>
      %swap3A_863 = arith.constant 2 : i32
      %swap3A_864 = arith.index_cast %swap3A_863 : i32 to index
      %swap3A_865 = arith.constant 16 : index
      %swap3A_866 = tpu.vector_load %arg5[%swap3A_864, %swap3A_865] {strides = array<i32>} : memref<4x128xi32, #tpu.memory_space<vmem>>, vector<16xi32>,
      tpu.vector_store %arg5[%swap3A_864, %swap3A_865], %or3A_862 {strides = array<i32>} : memref<4x128xi32, #tpu.memory_space<vmem>>, vector<16xi32>,
      %ne3A_867 = arith.cmpi ne, %get3A_854, %get3A_858 : vector<16xi32>
      %jit3A_868 = arith.constant 1.000000e+00 : f32
      %jit3A_869 = arith.constant 0.000000e+00 : f32
      %broadcast_in_dim3A_870 = vector.broadcast %jit3A_868 : f32 to vector<16xf32>
      %broadcast_in_dim3A_871 = vector.broadcast %jit3A_869 : f32 to vector<16xf32>
      %select_n3A_872 = arith.select %ne3A_867, %broadcast_in_dim3A_870, %broadcast_in_dim3A_871 : vector<16xi1>, vector<16xf32>
      %swap3A_873 = arith.constant 2 : i32
      %swap3A_874 = arith.index_cast %swap3A_873 : i32 to index
      %swap3A_875 = arith.constant 16 : index
      %swap3A_876 = tpu.vector_load %arg6[%swap3A_874, %swap3A_875] {strides = array<i32>} : memref<4x128xf32, #tpu.memory_space<vmem>>, vector<16xf32>,
      tpu.vector_store %arg6[%swap3A_874, %swap3A_875], %select_n3A_872 {strides = array<i32>} : memref<4x128xf32, #tpu.memory_space<vmem>>, vector<16xf32>,
      %get3A_877 = arith.constant 0 : i32
      %get3A_878 = arith.index_cast %get3A_877 : i32 to index
      %get3A_879 = arith.constant 288 : index
      %get3A_880 = tpu.vector_load %arg4[%get3A_878, %get3A_879] {strides = array<i32>} : memref<2x512xi32, #tpu.memory_space<vmem>>, vector<16xi32>,
      %get3A_881 = arith.constant 1 : i32
      %get3A_882 = arith.index_cast %get3A_881 : i32 to index
      %get3A_883 = arith.constant 288 : index
      %get3A_884 = tpu.vector_load %arg4[%get3A_882, %get3A_883] {strides = array<i32>} : memref<2x512xi32, #tpu.memory_space<vmem>>, vector<16xi32>,
      %shift_left3A_885 = arith.constant 8 : i32
      %shift_left3A_886 = vector.broadcast %shift_left3A_885 : i32 to vector<16xi32>
      %shift_left3A_887 = arith.shli %get3A_884, %shift_left3A_886 : vector<16xi32>
      %or3A_888 = arith.ori %shift_left3A_887, %get3A_880 : vector<16xi32>
      %swap3A_889 = arith.constant 2 : i32
      %swap3A_890 = arith.index_cast %swap3A_889 : i32 to index
      %swap3A_891 = arith.constant 32 : index
      %swap3A_892 = tpu.vector_load %arg5[%swap3A_890, %swap3A_891] {strides = array<i32>} : memref<4x128xi32, #tpu.memory_space<vmem>>, vector<16xi32>,
      tpu.vector_store %arg5[%swap3A_890, %swap3A_891], %or3A_888 {strides = array<i32>} : memref<4x128xi32, #tpu.memory_space<vmem>>, vector<16xi32>,
      %ne3A_893 = arith.cmpi ne, %get3A_880, %get3A_884 : vector<16xi32>
      %jit3A_894 = arith.constant 1.000000e+00 : f32
      %jit3A_895 = arith.constant 0.000000e+00 : f32
      %broadcast_in_dim3A_896 = vector.broadcast %jit3A_894 : f32 to vector<16xf32>
      %broadcast_in_dim3A_897 = vector.broadcast %jit3A_895 : f32 to vector<16xf32>
      %select_n3A_898 = arith.select %ne3A_893, %broadcast_in_dim3A_896, %broadcast_in_dim3A_897 : vector<16xi1>, vector<16xf32>
      %swap3A_899 = arith.constant 2 : i32
      %swap3A_900 = arith.index_cast %swap3A_899 : i32 to index
      %swap3A_901 = arith.constant 32 : index
      %swap3A_902 = tpu.vector_load %arg6[%swap3A_900, %swap3A_901] {strides = array<i32>} : memref<4x128xf32, #tpu.memory_space<vmem>>, vector<16xf32>,
      tpu.vector_store %arg6[%swap3A_900, %swap3A_901], %select_n3A_898 {strides = array<i32>} : memref<4x128xf32, #tpu.memory_space<vmem>>, vector<16xf32>,
      %get3A_903 = arith.constant 0 : i32
      %get3A_904 = arith.index_cast %get3A_903 : i32 to index
      %get3A_905 = arith.constant 304 : index
      %get3A_906 = tpu.vector_load %arg4[%get3A_904, %get3A_905] {strides = array<i32>} : memref<2x512xi32, #tpu.memory_space<vmem>>, vector<16xi32>,
      %get3A_907 = arith.constant 1 : i32
      %get3A_908 = arith.index_cast %get3A_907 : i32 to index
      %get3A_909 = arith.constant 304 : index
      %get3A_910 = tpu.vector_load %arg4[%get3A_908, %get3A_909] {strides = array<i32>} : memref<2x512xi32, #tpu.memory_space<vmem>>, vector<16xi32>,
      %shift_left3A_911 = arith.constant 8 : i32
      %shift_left3A_912 = vector.broadcast %shift_left3A_911 : i32 to vector<16xi32>
      %shift_left3A_913 = arith.shli %get3A_910, %shift_left3A_912 : vector<16xi32>
      %or3A_914 = arith.ori %shift_left3A_913, %get3A_906 : vector<16xi32>
      %swap3A_915 = arith.constant 2 : i32
      %swap3A_916 = arith.index_cast %swap3A_915 : i32 to index
      %swap3A_917 = arith.constant 48 : index
      %swap3A_918 = tpu.vector_load %arg5[%swap3A_916, %swap3A_917] {strides = array<i32>} : memref<4x128xi32, #tpu.memory_space<vmem>>, vector<16xi32>,
      tpu.vector_store %arg5[%swap3A_916, %swap3A_917], %or3A_914 {strides = array<i32>} : memref<4x128xi32, #tpu.memory_space<vmem>>, vector<16xi32>,
      %ne3A_919 = arith.cmpi ne, %get3A_906, %get3A_910 : vector<16xi32>
      %jit3A_920 = arith.constant 1.000000e+00 : f32
      %jit3A_921 = arith.constant 0.000000e+00 : f32
      %broadcast_in_dim3A_922 = vector.broadcast %jit3A_920 : f32 to vector<16xf32>
      %broadcast_in_dim3A_923 = vector.broadcast %jit3A_921 : f32 to vector<16xf32>
      %select_n3A_924 = arith.select %ne3A_919, %broadcast_in_dim3A_922, %broadcast_in_dim3A_923 : vector<16xi1>, vector<16xf32>
      %swap3A_925 = arith.constant 2 : i32
      %swap3A_926 = arith.index_cast %swap3A_925 : i32 to index
      %swap3A_927 = arith.constant 48 : index
      %swap3A_928 = tpu.vector_load %arg6[%swap3A_926, %swap3A_927] {strides = array<i32>} : memref<4x128xf32, #tpu.memory_space<vmem>>, vector<16xf32>,
      tpu.vector_store %arg6[%swap3A_926, %swap3A_927], %select_n3A_924 {strides = array<i32>} : memref<4x128xf32, #tpu.memory_space<vmem>>, vector<16xf32>,
      %get3A_929 = arith.constant 0 : i32
      %get3A_930 = arith.index_cast %get3A_929 : i32 to index
      %get3A_931 = arith.constant 320 : index
      %get3A_932 = tpu.vector_load %arg4[%get3A_930, %get3A_931] {strides = array<i32>} : memref<2x512xi32, #tpu.memory_space<vmem>>, vector<16xi32>,
      %get3A_933 = arith.constant 1 : i32
      %get3A_934 = arith.index_cast %get3A_933 : i32 to index
      %get3A_935 = arith.constant 320 : index
      %get3A_936 = tpu.vector_load %arg4[%get3A_934, %get3A_935] {strides = array<i32>} : memref<2x512xi32, #tpu.memory_space<vmem>>, vector<16xi32>,
      %shift_left3A_937 = arith.constant 8 : i32
      %shift_left3A_938 = vector.broadcast %shift_left3A_937 : i32 to vector<16xi32>
      %shift_left3A_939 = arith.shli %get3A_936, %shift_left3A_938 : vector<16xi32>
      %or3A_940 = arith.ori %shift_left3A_939, %get3A_932 : vector<16xi32>
      %swap3A_941 = arith.constant 2 : i32
      %swap3A_942 = arith.index_cast %swap3A_941 : i32 to index
      %swap3A_943 = arith.constant 64 : index
      %swap3A_944 = tpu.vector_load %arg5[%swap3A_942, %swap3A_943] {strides = array<i32>} : memref<4x128xi32, #tpu.memory_space<vmem>>, vector<16xi32>,
      tpu.vector_store %arg5[%swap3A_942, %swap3A_943], %or3A_940 {strides = array<i32>} : memref<4x128xi32, #tpu.memory_space<vmem>>, vector<16xi32>,
      %ne3A_945 = arith.cmpi ne, %get3A_932, %get3A_936 : vector<16xi32>
      %jit3A_946 = arith.constant 1.000000e+00 : f32
      %jit3A_947 = arith.constant 0.000000e+00 : f32
      %broadcast_in_dim3A_948 = vector.broadcast %jit3A_946 : f32 to vector<16xf32>
      %broadcast_in_dim3A_949 = vector.broadcast %jit3A_947 : f32 to vector<16xf32>
      %select_n3A_950 = arith.select %ne3A_945, %broadcast_in_dim3A_948, %broadcast_in_dim3A_949 : vector<16xi1>, vector<16xf32>
      %swap3A_951 = arith.constant 2 : i32
      %swap3A_952 = arith.index_cast %swap3A_951 : i32 to index
      %swap3A_953 = arith.constant 64 : index
      %swap3A_954 = tpu.vector_load %arg6[%swap3A_952, %swap3A_953] {strides = array<i32>} : memref<4x128xf32, #tpu.memory_space<vmem>>, vector<16xf32>,
      tpu.vector_store %arg6[%swap3A_952, %swap3A_953], %select_n3A_950 {strides = array<i32>} : memref<4x128xf32, #tpu.memory_space<vmem>>, vector<16xf32>,
      %get3A_955 = arith.constant 0 : i32
      %get3A_956 = arith.index_cast %get3A_955 : i32 to index
      %get3A_957 = arith.constant 336 : index
      %get3A_958 = tpu.vector_load %arg4[%get3A_956, %get3A_957] {strides = array<i32>} : memref<2x512xi32, #tpu.memory_space<vmem>>, vector<16xi32>,
      %get3A_959 = arith.constant 1 : i32
      %get3A_960 = arith.index_cast %get3A_959 : i32 to index
      %get3A_961 = arith.constant 336 : index
      %get3A_962 = tpu.vector_load %arg4[%get3A_960, %get3A_961] {strides = array<i32>} : memref<2x512xi32, #tpu.memory_space<vmem>>, vector<16xi32>,
      %shift_left3A_963 = arith.constant 8 : i32
      %shift_left3A_964 = vector.broadcast %shift_left3A_963 : i32 to vector<16xi32>
      %shift_left3A_965 = arith.shli %get3A_962, %shift_left3A_964 : vector<16xi32>
      %or3A_966 = arith.ori %shift_left3A_965, %get3A_958 : vector<16xi32>
      %swap3A_967 = arith.constant 2 : i32
      %swap3A_968 = arith.index_cast %swap3A_967 : i32 to index
      %swap3A_969 = arith.constant 80 : index
      %swap3A_970 = tpu.vector_load %arg5[%swap3A_968, %swap3A_969] {strides = array<i32>} : memref<4x128xi32, #tpu.memory_space<vmem>>, vector<16xi32>,
      tpu.vector_store %arg5[%swap3A_968, %swap3A_969], %or3A_966 {strides = array<i32>} : memref<4x128xi32, #tpu.memory_space<vmem>>, vector<16xi32>,
      %ne3A_971 = arith.cmpi ne, %get3A_958, %get3A_962 : vector<16xi32>
      %jit3A_972 = arith.constant 1.000000e+00 : f32
      %jit3A_973 = arith.constant 0.000000e+00 : f32
      %broadcast_in_dim3A_974 = vector.broadcast %jit3A_972 : f32 to vector<16xf32>
      %broadcast_in_dim3A_975 = vector.broadcast %jit3A_973 : f32 to vector<16xf32>
      %select_n3A_976 = arith.select %ne3A_971, %broadcast_in_dim3A_974, %broadcast_in_dim3A_975 : vector<16xi1>, vector<16xf32>
      %swap3A_977 = arith.constant 2 : i32
      %swap3A_978 = arith.index_cast %swap3A_977 : i32 to index
      %swap3A_979 = arith.constant 80 : index
      %swap3A_980 = tpu.vector_load %arg6[%swap3A_978, %swap3A_979] {strides = array<i32>} : memref<4x128xf32, #tpu.memory_space<vmem>>, vector<16xf32>,
      tpu.vector_store %arg6[%swap3A_978, %swap3A_979], %select_n3A_976 {strides = array<i32>} : memref<4x128xf32, #tpu.memory_space<vmem>>, vector<16xf32>,
      %get3A_981 = arith.constant 0 : i32
      %get3A_982 = arith.index_cast %get3A_981 : i32 to index
      %get3A_983 = arith.constant 352 : index
      %get3A_984 = tpu.vector_load %arg4[%get3A_982, %get3A_983] {strides = array<i32>} : memref<2x512xi32, #tpu.memory_space<vmem>>, vector<16xi32>,
      %get3A_985 = arith.constant 1 : i32
      %get3A_986 = arith.index_cast %get3A_985 : i32 to index
      %get3A_987 = arith.constant 352 : index
      %get3A_988 = tpu.vector_load %arg4[%get3A_986, %get3A_987] {strides = array<i32>} : memref<2x512xi32, #tpu.memory_space<vmem>>, vector<16xi32>,
      %shift_left3A_989 = arith.constant 8 : i32
      %shift_left3A_990 = vector.broadcast %shift_left3A_989 : i32 to vector<16xi32>
      %shift_left3A_991 = arith.shli %get3A_988, %shift_left3A_990 : vector<16xi32>
      %or3A_992 = arith.ori %shift_left3A_991, %get3A_984 : vector<16xi32>
      %swap3A_993 = arith.constant 2 : i32
      %swap3A_994 = arith.index_cast %swap3A_993 : i32 to index
      %swap3A_995 = arith.constant 96 : index
      %swap3A_996 = tpu.vector_load %arg5[%swap3A_994, %swap3A_995] {strides = array<i32>} : memref<4x128xi32, #tpu.memory_space<vmem>>, vector<16xi32>,
      tpu.vector_store %arg5[%swap3A_994, %swap3A_995], %or3A_992 {strides = array<i32>} : memref<4x128xi32, #tpu.memory_space<vmem>>, vector<16xi32>,
      %ne3A_997 = arith.cmpi ne, %get3A_984, %get3A_988 : vector<16xi32>
      %jit3A_998 = arith.constant 1.000000e+00 : f32
      %jit3A_999 = arith.constant 0.000000e+00 : f32
      %broadcast_in_dim3A_1000 = vector.broadcast %jit3A_998 : f32 to vector<16xf32>
      %broadcast_in_dim3A_1001 = vector.broadcast %jit3A_999 : f32 to vector<16xf32>
      %select_n3A_1002 = arith.select %ne3A_997, %broadcast_in_dim3A_1000, %broadcast_in_dim3A_1001 : vector<16xi1>, vector<16xf32>
      %swap3A_1003 = arith.constant 2 : i32
      %swap3A_1004 = arith.index_cast %swap3A_1003 : i32 to index
      %swap3A_1005 = arith.constant 96 : index
      %swap3A_1006 = tpu.vector_load %arg6[%swap3A_1004, %swap3A_1005] {strides = array<i32>} : memref<4x128xf32, #tpu.memory_space<vmem>>, vector<16xf32>,
      tpu.vector_store %arg6[%swap3A_1004, %swap3A_1005], %select_n3A_1002 {strides = array<i32>} : memref<4x128xf32, #tpu.memory_space<vmem>>, vector<16xf32>,
      %get3A_1007 = arith.constant 0 : i32
      %get3A_1008 = arith.index_cast %get3A_1007 : i32 to index
      %get3A_1009 = arith.constant 368 : index
      %get3A_1010 = tpu.vector_load %arg4[%get3A_1008, %get3A_1009] {strides = array<i32>} : memref<2x512xi32, #tpu.memory_space<vmem>>, vector<16xi32>,
      %get3A_1011 = arith.constant 1 : i32
      %get3A_1012 = arith.index_cast %get3A_1011 : i32 to index
      %get3A_1013 = arith.constant 368 : index
      %get3A_1014 = tpu.vector_load %arg4[%get3A_1012, %get3A_1013] {strides = array<i32>} : memref<2x512xi32, #tpu.memory_space<vmem>>, vector<16xi32>,
      %shift_left3A_1015 = arith.constant 8 : i32
      %shift_left3A_1016 = vector.broadcast %shift_left3A_1015 : i32 to vector<16xi32>
      %shift_left3A_1017 = arith.shli %get3A_1014, %shift_left3A_1016 : vector<16xi32>
      %or3A_1018 = arith.ori %shift_left3A_1017, %get3A_1010 : vector<16xi32>
      %swap3A_1019 = arith.constant 2 : i32
      %swap3A_1020 = arith.index_cast %swap3A_1019 : i32 to index
      %swap3A_1021 = arith.constant 112 : index
      %swap3A_1022 = tpu.vector_load %arg5[%swap3A_1020, %swap3A_1021] {strides = array<i32>} : memref<4x128xi32, #tpu.memory_space<vmem>>, vector<16xi32>,
      tpu.vector_store %arg5[%swap3A_1020, %swap3A_1021], %or3A_1018 {strides = array<i32>} : memref<4x128xi32, #tpu.memory_space<vmem>>, vector<16xi32>,
      %ne3A_1023 = arith.cmpi ne, %get3A_1010, %get3A_1014 : vector<16xi32>
      %jit3A_1024 = arith.constant 1.000000e+00 : f32
      %jit3A_1025 = arith.constant 0.000000e+00 : f32
      %broadcast_in_dim3A_1026 = vector.broadcast %jit3A_1024 : f32 to vector<16xf32>
      %broadcast_in_dim3A_1027 = vector.broadcast %jit3A_1025 : f32 to vector<16xf32>
      %select_n3A_1028 = arith.select %ne3A_1023, %broadcast_in_dim3A_1026, %broadcast_in_dim3A_1027 : vector<16xi1>, vector<16xf32>
      %swap3A_1029 = arith.constant 2 : i32
      %swap3A_1030 = arith.index_cast %swap3A_1029 : i32 to index
      %swap3A_1031 = arith.constant 112 : index
      %swap3A_1032 = tpu.vector_load %arg6[%swap3A_1030, %swap3A_1031] {strides = array<i32>} : memref<4x128xf32, #tpu.memory_space<vmem>>, vector<16xf32>,
      tpu.vector_store %arg6[%swap3A_1030, %swap3A_1031], %select_n3A_1028 {strides = array<i32>} : memref<4x128xf32, #tpu.memory_space<vmem>>, vector<16xf32>,
      %get3A_1033 = arith.constant 0 : i32
      %get3A_1034 = arith.index_cast %get3A_1033 : i32 to index
      %get3A_1035 = arith.constant 384 : index
      %get3A_1036 = tpu.vector_load %arg4[%get3A_1034, %get3A_1035] {strides = array<i32>} : memref<2x512xi32, #tpu.memory_space<vmem>>, vector<16xi32>,
      %get3A_1037 = arith.constant 1 : i32
      %get3A_1038 = arith.index_cast %get3A_1037 : i32 to index
      %get3A_1039 = arith.constant 384 : index
      %get3A_1040 = tpu.vector_load %arg4[%get3A_1038, %get3A_1039] {strides = array<i32>} : memref<2x512xi32, #tpu.memory_space<vmem>>, vector<16xi32>,
      %shift_left3A_1041 = arith.constant 8 : i32
      %shift_left3A_1042 = vector.broadcast %shift_left3A_1041 : i32 to vector<16xi32>
      %shift_left3A_1043 = arith.shli %get3A_1040, %shift_left3A_1042 : vector<16xi32>
      %or3A_1044 = arith.ori %shift_left3A_1043, %get3A_1036 : vector<16xi32>
      %swap3A_1045 = arith.constant 3 : i32
      %swap3A_1046 = arith.index_cast %swap3A_1045 : i32 to index
      %swap3A_1047 = arith.constant 0 : index
      %swap3A_1048 = tpu.vector_load %arg5[%swap3A_1046, %swap3A_1047] {strides = array<i32>} : memref<4x128xi32, #tpu.memory_space<vmem>>, vector<16xi32>,
      tpu.vector_store %arg5[%swap3A_1046, %swap3A_1047], %or3A_1044 {strides = array<i32>} : memref<4x128xi32, #tpu.memory_space<vmem>>, vector<16xi32>,
      %ne3A_1049 = arith.cmpi ne, %get3A_1036, %get3A_1040 : vector<16xi32>
      %jit3A_1050 = arith.constant 1.000000e+00 : f32
      %jit3A_1051 = arith.constant 0.000000e+00 : f32
      %broadcast_in_dim3A_1052 = vector.broadcast %jit3A_1050 : f32 to vector<16xf32>
      %broadcast_in_dim3A_1053 = vector.broadcast %jit3A_1051 : f32 to vector<16xf32>
      %select_n3A_1054 = arith.select %ne3A_1049, %broadcast_in_dim3A_1052, %broadcast_in_dim3A_1053 : vector<16xi1>, vector<16xf32>
      %swap3A_1055 = arith.constant 3 : i32
      %swap3A_1056 = arith.index_cast %swap3A_1055 : i32 to index
      %swap3A_1057 = arith.constant 0 : index
      %swap3A_1058 = tpu.vector_load %arg6[%swap3A_1056, %swap3A_1057] {strides = array<i32>} : memref<4x128xf32, #tpu.memory_space<vmem>>, vector<16xf32>,
      tpu.vector_store %arg6[%swap3A_1056, %swap3A_1057], %select_n3A_1054 {strides = array<i32>} : memref<4x128xf32, #tpu.memory_space<vmem>>, vector<16xf32>,
      %get3A_1059 = arith.constant 0 : i32
      %get3A_1060 = arith.index_cast %get3A_1059 : i32 to index
      %get3A_1061 = arith.constant 400 : index
      %get3A_1062 = tpu.vector_load %arg4[%get3A_1060, %get3A_1061] {strides = array<i32>} : memref<2x512xi32, #tpu.memory_space<vmem>>, vector<16xi32>,
      %get3A_1063 = arith.constant 1 : i32
      %get3A_1064 = arith.index_cast %get3A_1063 : i32 to index
      %get3A_1065 = arith.constant 400 : index
      %get3A_1066 = tpu.vector_load %arg4[%get3A_1064, %get3A_1065] {strides = array<i32>} : memref<2x512xi32, #tpu.memory_space<vmem>>, vector<16xi32>,
      %shift_left3A_1067 = arith.constant 8 : i32
      %shift_left3A_1068 = vector.broadcast %shift_left3A_1067 : i32 to vector<16xi32>
      %shift_left3A_1069 = arith.shli %get3A_1066, %shift_left3A_1068 : vector<16xi32>
      %or3A_1070 = arith.ori %shift_left3A_1069, %get3A_1062 : vector<16xi32>
      %swap3A_1071 = arith.constant 3 : i32
      %swap3A_1072 = arith.index_cast %swap3A_1071 : i32 to index
      %swap3A_1073 = arith.constant 16 : index
      %swap3A_1074 = tpu.vector_load %arg5[%swap3A_1072, %swap3A_1073] {strides = array<i32>} : memref<4x128xi32, #tpu.memory_space<vmem>>, vector<16xi32>,
      tpu.vector_store %arg5[%swap3A_1072, %swap3A_1073], %or3A_1070 {strides = array<i32>} : memref<4x128xi32, #tpu.memory_space<vmem>>, vector<16xi32>,
      %ne3A_1075 = arith.cmpi ne, %get3A_1062, %get3A_1066 : vector<16xi32>
      %jit3A_1076 = arith.constant 1.000000e+00 : f32
      %jit3A_1077 = arith.constant 0.000000e+00 : f32
      %broadcast_in_dim3A_1078 = vector.broadcast %jit3A_1076 : f32 to vector<16xf32>
      %broadcast_in_dim3A_1079 = vector.broadcast %jit3A_1077 : f32 to vector<16xf32>
      %select_n3A_1080 = arith.select %ne3A_1075, %broadcast_in_dim3A_1078, %broadcast_in_dim3A_1079 : vector<16xi1>, vector<16xf32>
      %swap3A_1081 = arith.constant 3 : i32
      %swap3A_1082 = arith.index_cast %swap3A_1081 : i32 to index
      %swap3A_1083 = arith.constant 16 : index
      %swap3A_1084 = tpu.vector_load %arg6[%swap3A_1082, %swap3A_1083] {strides = array<i32>} : memref<4x128xf32, #tpu.memory_space<vmem>>, vector<16xf32>,
      tpu.vector_store %arg6[%swap3A_1082, %swap3A_1083], %select_n3A_1080 {strides = array<i32>} : memref<4x128xf32, #tpu.memory_space<vmem>>, vector<16xf32>,
      %get3A_1085 = arith.constant 0 : i32
      %get3A_1086 = arith.index_cast %get3A_1085 : i32 to index
      %get3A_1087 = arith.constant 416 : index
      %get3A_1088 = tpu.vector_load %arg4[%get3A_1086, %get3A_1087] {strides = array<i32>} : memref<2x512xi32, #tpu.memory_space<vmem>>, vector<16xi32>,
      %get3A_1089 = arith.constant 1 : i32
      %get3A_1090 = arith.index_cast %get3A_1089 : i32 to index
      %get3A_1091 = arith.constant 416 : index
      %get3A_1092 = tpu.vector_load %arg4[%get3A_1090, %get3A_1091] {strides = array<i32>} : memref<2x512xi32, #tpu.memory_space<vmem>>, vector<16xi32>,
      %shift_left3A_1093 = arith.constant 8 : i32
      %shift_left3A_1094 = vector.broadcast %shift_left3A_1093 : i32 to vector<16xi32>
      %shift_left3A_1095 = arith.shli %get3A_1092, %shift_left3A_1094 : vector<16xi32>
      %or3A_1096 = arith.ori %shift_left3A_1095, %get3A_1088 : vector<16xi32>
      %swap3A_1097 = arith.constant 3 : i32
      %swap3A_1098 = arith.index_cast %swap3A_1097 : i32 to index
      %swap3A_1099 = arith.constant 32 : index
      %swap3A_1100 = tpu.vector_load %arg5[%swap3A_1098, %swap3A_1099] {strides = array<i32>} : memref<4x128xi32, #tpu.memory_space<vmem>>, vector<16xi32>,
      tpu.vector_store %arg5[%swap3A_1098, %swap3A_1099], %or3A_1096 {strides = array<i32>} : memref<4x128xi32, #tpu.memory_space<vmem>>, vector<16xi32>,
      %ne3A_1101 = arith.cmpi ne, %get3A_1088, %get3A_1092 : vector<16xi32>
      %jit3A_1102 = arith.constant 1.000000e+00 : f32
      %jit3A_1103 = arith.constant 0.000000e+00 : f32
      %broadcast_in_dim3A_1104 = vector.broadcast %jit3A_1102 : f32 to vector<16xf32>
      %broadcast_in_dim3A_1105 = vector.broadcast %jit3A_1103 : f32 to vector<16xf32>
      %select_n3A_1106 = arith.select %ne3A_1101, %broadcast_in_dim3A_1104, %broadcast_in_dim3A_1105 : vector<16xi1>, vector<16xf32>
      %swap3A_1107 = arith.constant 3 : i32
      %swap3A_1108 = arith.index_cast %swap3A_1107 : i32 to index
      %swap3A_1109 = arith.constant 32 : index
      %swap3A_1110 = tpu.vector_load %arg6[%swap3A_1108, %swap3A_1109] {strides = array<i32>} : memref<4x128xf32, #tpu.memory_space<vmem>>, vector<16xf32>,
      tpu.vector_store %arg6[%swap3A_1108, %swap3A_1109], %select_n3A_1106 {strides = array<i32>} : memref<4x128xf32, #tpu.memory_space<vmem>>, vector<16xf32>,
      %get3A_1111 = arith.constant 0 : i32
      %get3A_1112 = arith.index_cast %get3A_1111 : i32 to index
      %get3A_1113 = arith.constant 432 : index
      %get3A_1114 = tpu.vector_load %arg4[%get3A_1112, %get3A_1113] {strides = array<i32>} : memref<2x512xi32, #tpu.memory_space<vmem>>, vector<16xi32>,
      %get3A_1115 = arith.constant 1 : i32
      %get3A_1116 = arith.index_cast %get3A_1115 : i32 to index
      %get3A_1117 = arith.constant 432 : index
      %get3A_1118 = tpu.vector_load %arg4[%get3A_1116, %get3A_1117] {strides = array<i32>} : memref<2x512xi32, #tpu.memory_space<vmem>>, vector<16xi32>,
      %shift_left3A_1119 = arith.constant 8 : i32
      %shift_left3A_1120 = vector.broadcast %shift_left3A_1119 : i32 to vector<16xi32>
      %shift_left3A_1121 = arith.shli %get3A_1118, %shift_left3A_1120 : vector<16xi32>
      %or3A_1122 = arith.ori %shift_left3A_1121, %get3A_1114 : vector<16xi32>
      %swap3A_1123 = arith.constant 3 : i32
      %swap3A_1124 = arith.index_cast %swap3A_1123 : i32 to index
      %swap3A_1125 = arith.constant 48 : index
      %swap3A_1126 = tpu.vector_load %arg5[%swap3A_1124, %swap3A_1125] {strides = array<i32>} : memref<4x128xi32, #tpu.memory_space<vmem>>, vector<16xi32>,
      tpu.vector_store %arg5[%swap3A_1124, %swap3A_1125], %or3A_1122 {strides = array<i32>} : memref<4x128xi32, #tpu.memory_space<vmem>>, vector<16xi32>,
      %ne3A_1127 = arith.cmpi ne, %get3A_1114, %get3A_1118 : vector<16xi32>
      %jit3A_1128 = arith.constant 1.000000e+00 : f32
      %jit3A_1129 = arith.constant 0.000000e+00 : f32
      %broadcast_in_dim3A_1130 = vector.broadcast %jit3A_1128 : f32 to vector<16xf32>
      %broadcast_in_dim3A_1131 = vector.broadcast %jit3A_1129 : f32 to vector<16xf32>
      %select_n3A_1132 = arith.select %ne3A_1127, %broadcast_in_dim3A_1130, %broadcast_in_dim3A_1131 : vector<16xi1>, vector<16xf32>
      %swap3A_1133 = arith.constant 3 : i32
      %swap3A_1134 = arith.index_cast %swap3A_1133 : i32 to index
      %swap3A_1135 = arith.constant 48 : index
      %swap3A_1136 = tpu.vector_load %arg6[%swap3A_1134, %swap3A_1135] {strides = array<i32>} : memref<4x128xf32, #tpu.memory_space<vmem>>, vector<16xf32>,
      tpu.vector_store %arg6[%swap3A_1134, %swap3A_1135], %select_n3A_1132 {strides = array<i32>} : memref<4x128xf32, #tpu.memory_space<vmem>>, vector<16xf32>,
      %get3A_1137 = arith.constant 0 : i32
      %get3A_1138 = arith.index_cast %get3A_1137 : i32 to index
      %get3A_1139 = arith.constant 448 : index
      %get3A_1140 = tpu.vector_load %arg4[%get3A_1138, %get3A_1139] {strides = array<i32>} : memref<2x512xi32, #tpu.memory_space<vmem>>, vector<16xi32>,
      %get3A_1141 = arith.constant 1 : i32
      %get3A_1142 = arith.index_cast %get3A_1141 : i32 to index
      %get3A_1143 = arith.constant 448 : index
      %get3A_1144 = tpu.vector_load %arg4[%get3A_1142, %get3A_1143] {strides = array<i32>} : memref<2x512xi32, #tpu.memory_space<vmem>>, vector<16xi32>,
      %shift_left3A_1145 = arith.constant 8 : i32
      %shift_left3A_1146 = vector.broadcast %shift_left3A_1145 : i32 to vector<16xi32>
      %shift_left3A_1147 = arith.shli %get3A_1144, %shift_left3A_1146 : vector<16xi32>
      %or3A_1148 = arith.ori %shift_left3A_1147, %get3A_1140 : vector<16xi32>
      %swap3A_1149 = arith.constant 3 : i32
      %swap3A_1150 = arith.index_cast %swap3A_1149 : i32 to index
      %swap3A_1151 = arith.constant 64 : index
      %swap3A_1152 = tpu.vector_load %arg5[%swap3A_1150, %swap3A_1151] {strides = array<i32>} : memref<4x128xi32, #tpu.memory_space<vmem>>, vector<16xi32>,
      tpu.vector_store %arg5[%swap3A_1150, %swap3A_1151], %or3A_1148 {strides = array<i32>} : memref<4x128xi32, #tpu.memory_space<vmem>>, vector<16xi32>,
      %ne3A_1153 = arith.cmpi ne, %get3A_1140, %get3A_1144 : vector<16xi32>
      %jit3A_1154 = arith.constant 1.000000e+00 : f32
      %jit3A_1155 = arith.constant 0.000000e+00 : f32
      %broadcast_in_dim3A_1156 = vector.broadcast %jit3A_1154 : f32 to vector<16xf32>
      %broadcast_in_dim3A_1157 = vector.broadcast %jit3A_1155 : f32 to vector<16xf32>
      %select_n3A_1158 = arith.select %ne3A_1153, %broadcast_in_dim3A_1156, %broadcast_in_dim3A_1157 : vector<16xi1>, vector<16xf32>
      %swap3A_1159 = arith.constant 3 : i32
      %swap3A_1160 = arith.index_cast %swap3A_1159 : i32 to index
      %swap3A_1161 = arith.constant 64 : index
      %swap3A_1162 = tpu.vector_load %arg6[%swap3A_1160, %swap3A_1161] {strides = array<i32>} : memref<4x128xf32, #tpu.memory_space<vmem>>, vector<16xf32>,
      tpu.vector_store %arg6[%swap3A_1160, %swap3A_1161], %select_n3A_1158 {strides = array<i32>} : memref<4x128xf32, #tpu.memory_space<vmem>>, vector<16xf32>,
      %get3A_1163 = arith.constant 0 : i32
      %get3A_1164 = arith.index_cast %get3A_1163 : i32 to index
      %get3A_1165 = arith.constant 464 : index
      %get3A_1166 = tpu.vector_load %arg4[%get3A_1164, %get3A_1165] {strides = array<i32>} : memref<2x512xi32, #tpu.memory_space<vmem>>, vector<16xi32>,
      %get3A_1167 = arith.constant 1 : i32
      %get3A_1168 = arith.index_cast %get3A_1167 : i32 to index
      %get3A_1169 = arith.constant 464 : index
      %get3A_1170 = tpu.vector_load %arg4[%get3A_1168, %get3A_1169] {strides = array<i32>} : memref<2x512xi32, #tpu.memory_space<vmem>>, vector<16xi32>,
      %shift_left3A_1171 = arith.constant 8 : i32
      %shift_left3A_1172 = vector.broadcast %shift_left3A_1171 : i32 to vector<16xi32>
      %shift_left3A_1173 = arith.shli %get3A_1170, %shift_left3A_1172 : vector<16xi32>
      %or3A_1174 = arith.ori %shift_left3A_1173, %get3A_1166 : vector<16xi32>
      %swap3A_1175 = arith.constant 3 : i32
      %swap3A_1176 = arith.index_cast %swap3A_1175 : i32 to index
      %swap3A_1177 = arith.constant 80 : index
      %swap3A_1178 = tpu.vector_load %arg5[%swap3A_1176, %swap3A_1177] {strides = array<i32>} : memref<4x128xi32, #tpu.memory_space<vmem>>, vector<16xi32>,
      tpu.vector_store %arg5[%swap3A_1176, %swap3A_1177], %or3A_1174 {strides = array<i32>} : memref<4x128xi32, #tpu.memory_space<vmem>>, vector<16xi32>,
      %ne3A_1179 = arith.cmpi ne, %get3A_1166, %get3A_1170 : vector<16xi32>
      %jit3A_1180 = arith.constant 1.000000e+00 : f32
      %jit3A_1181 = arith.constant 0.000000e+00 : f32
      %broadcast_in_dim3A_1182 = vector.broadcast %jit3A_1180 : f32 to vector<16xf32>
      %broadcast_in_dim3A_1183 = vector.broadcast %jit3A_1181 : f32 to vector<16xf32>
      %select_n3A_1184 = arith.select %ne3A_1179, %broadcast_in_dim3A_1182, %broadcast_in_dim3A_1183 : vector<16xi1>, vector<16xf32>
      %swap3A_1185 = arith.constant 3 : i32
      %swap3A_1186 = arith.index_cast %swap3A_1185 : i32 to index
      %swap3A_1187 = arith.constant 80 : index
      %swap3A_1188 = tpu.vector_load %arg6[%swap3A_1186, %swap3A_1187] {strides = array<i32>} : memref<4x128xf32, #tpu.memory_space<vmem>>, vector<16xf32>,
      tpu.vector_store %arg6[%swap3A_1186, %swap3A_1187], %select_n3A_1184 {strides = array<i32>} : memref<4x128xf32, #tpu.memory_space<vmem>>, vector<16xf32>,
      %get3A_1189 = arith.constant 0 : i32
      %get3A_1190 = arith.index_cast %get3A_1189 : i32 to index
      %get3A_1191 = arith.constant 480 : index
      %get3A_1192 = tpu.vector_load %arg4[%get3A_1190, %get3A_1191] {strides = array<i32>} : memref<2x512xi32, #tpu.memory_space<vmem>>, vector<16xi32>,
      %get3A_1193 = arith.constant 1 : i32
      %get3A_1194 = arith.index_cast %get3A_1193 : i32 to index
      %get3A_1195 = arith.constant 480 : index
      %get3A_1196 = tpu.vector_load %arg4[%get3A_1194, %get3A_1195] {strides = array<i32>} : memref<2x512xi32, #tpu.memory_space<vmem>>, vector<16xi32>,
      %shift_left3A_1197 = arith.constant 8 : i32
      %shift_left3A_1198 = vector.broadcast %shift_left3A_1197 : i32 to vector<16xi32>
      %shift_left3A_1199 = arith.shli %get3A_1196, %shift_left3A_1198 : vector<16xi32>
      %or3A_1200 = arith.ori %shift_left3A_1199, %get3A_1192 : vector<16xi32>
      %swap3A_1201 = arith.constant 3 : i32
      %swap3A_1202 = arith.index_cast %swap3A_1201 : i32 to index
      %swap3A_1203 = arith.constant 96 : index
      %swap3A_1204 = tpu.vector_load %arg5[%swap3A_1202, %swap3A_1203] {strides = array<i32>} : memref<4x128xi32, #tpu.memory_space<vmem>>, vector<16xi32>,
      tpu.vector_store %arg5[%swap3A_1202, %swap3A_1203], %or3A_1200 {strides = array<i32>} : memref<4x128xi32, #tpu.memory_space<vmem>>, vector<16xi32>,
      %ne3A_1205 = arith.cmpi ne, %get3A_1192, %get3A_1196 : vector<16xi32>
      %jit3A_1206 = arith.constant 1.000000e+00 : f32
      %jit3A_1207 = arith.constant 0.000000e+00 : f32
      %broadcast_in_dim3A_1208 = vector.broadcast %jit3A_1206 : f32 to vector<16xf32>
      %broadcast_in_dim3A_1209 = vector.broadcast %jit3A_1207 : f32 to vector<16xf32>
      %select_n3A_1210 = arith.select %ne3A_1205, %broadcast_in_dim3A_1208, %broadcast_in_dim3A_1209 : vector<16xi1>, vector<16xf32>
      %swap3A_1211 = arith.constant 3 : i32
      %swap3A_1212 = arith.index_cast %swap3A_1211 : i32 to index
      %swap3A_1213 = arith.constant 96 : index
      %swap3A_1214 = tpu.vector_load %arg6[%swap3A_1212, %swap3A_1213] {strides = array<i32>} : memref<4x128xf32, #tpu.memory_space<vmem>>, vector<16xf32>,
      tpu.vector_store %arg6[%swap3A_1212, %swap3A_1213], %select_n3A_1210 {strides = array<i32>} : memref<4x128xf32, #tpu.memory_space<vmem>>, vector<16xf32>,
      %get3A_1215 = arith.constant 0 : i32
      %get3A_1216 = arith.index_cast %get3A_1215 : i32 to index
      %get3A_1217 = arith.constant 496 : index
      %get3A_1218 = tpu.vector_load %arg4[%get3A_1216, %get3A_1217] {strides = array<i32>} : memref<2x512xi32, #tpu.memory_space<vmem>>, vector<16xi32>,
      %get3A_1219 = arith.constant 1 : i32
      %get3A_1220 = arith.index_cast %get3A_1219 : i32 to index
      %get3A_1221 = arith.constant 496 : index
      %get3A_1222 = tpu.vector_load %arg4[%get3A_1220, %get3A_1221] {strides = array<i32>} : memref<2x512xi32, #tpu.memory_space<vmem>>, vector<16xi32>,
      %shift_left3A_1223 = arith.constant 8 : i32
      %shift_left3A_1224 = vector.broadcast %shift_left3A_1223 : i32 to vector<16xi32>
      %shift_left3A_1225 = arith.shli %get3A_1222, %shift_left3A_1224 : vector<16xi32>
      %or3A_1226 = arith.ori %shift_left3A_1225, %get3A_1218 : vector<16xi32>
      %swap3A_1227 = arith.constant 3 : i32
      %swap3A_1228 = arith.index_cast %swap3A_1227 : i32 to index
      %swap3A_1229 = arith.constant 112 : index
      %swap3A_1230 = tpu.vector_load %arg5[%swap3A_1228, %swap3A_1229] {strides = array<i32>} : memref<4x128xi32, #tpu.memory_space<vmem>>, vector<16xi32>,
      tpu.vector_store %arg5[%swap3A_1228, %swap3A_1229], %or3A_1226 {strides = array<i32>} : memref<4x128xi32, #tpu.memory_space<vmem>>, vector<16xi32>,
      %ne3A_1231 = arith.cmpi ne, %get3A_1218, %get3A_1222 : vector<16xi32>
      %jit3A_1232 = arith.constant 1.000000e+00 : f32
      %jit3A_1233 = arith.constant 0.000000e+00 : f32
      %broadcast_in_dim3A_1234 = vector.broadcast %jit3A_1232 : f32 to vector<16xf32>
      %broadcast_in_dim3A_1235 = vector.broadcast %jit3A_1233 : f32 to vector<16xf32>
      %select_n3A_1236 = arith.select %ne3A_1231, %broadcast_in_dim3A_1234, %broadcast_in_dim3A_1235 : vector<16xi1>, vector<16xf32>
      %swap3A_1237 = arith.constant 3 : i32
      %swap3A_1238 = arith.index_cast %swap3A_1237 : i32 to index
      %swap3A_1239 = arith.constant 112 : index
      %swap3A_1240 = tpu.vector_load %arg6[%swap3A_1238, %swap3A_1239] {strides = array<i32>} : memref<4x128xf32, #tpu.memory_space<vmem>>, vector<16xf32>,
      tpu.vector_store %arg6[%swap3A_1238, %swap3A_1239], %select_n3A_1236 {strides = array<i32>} : memref<4x128xf32, #tpu.memory_space<vmem>>, vector<16xf32>,
    } else {
    }
    %dma_wait3A = tpu.memref_slice %arg9[%mul3A_13] : memref<65536xf32, #tpu.memory_space<vmem_shared>> -> memref<4096xf32, #tpu.memory_space<vmem_shared>>
    %dma_wait3A_18 = tpu.memref_slice %arg9[%mul3A_13] : memref<65536xf32, #tpu.memory_space<vmem_shared>> -> memref<4096xf32, #tpu.memory_space<vmem_shared>>
    tpu.wait_dma2 semaphore(%arg11 : memref<!tpu.dma_semaphore, #tpu.memory_space<semaphore_mem>>) src(%arg7 : memref<4096xf32, #tpu.memory_space<vmem>>) dst(%dma_wait3A_18 : memref<4096xf32, #tpu.memory_space<vmem_shared>>)
    %barrier3A = arith.constant 0 : index
    tpu.barrier barrier_id(%barrier3A)
    %convert_element_type3A_19 = arith.extui %lt3A_1 : i1 to i32
    %cond3A_20 = arith.constant 0 : i32
    %cond3A_21 = arith.cmpi ne, %convert_element_type3A_19, %cond3A_20 : i32
    scf.if %cond3A_21 {
      %dma_start3A_412 = arith.constant 0 : i32
      %dma_start3A_413 = arith.constant 0 : i32
      %dma_start3A_414 = arith.constant 0 : i32
      %dma_start3A_415 = tpu.memref_slice %arg6[%dma_start3A_412, %dma_start3A_414] : memref<4x128xf32, #tpu.memory_space<vmem>> -> memref<1x128xf32, #tpu.memory_space<vmem>>
      %dma_start3A_416 = tpu.memref_squeeze %dma_start3A_415 : memref<1x128xf32, #tpu.memory_space<vmem>> -> memref<128xf32, #tpu.memory_space<vmem>>
      %dma_start3A_417 = arith.constant 0 : i32
      %dma_start3A_418 = tpu.memref_slice %arg5[%dma_start3A_413, %dma_start3A_417] : memref<4x128xi32, #tpu.memory_space<vmem>> -> memref<1x128xi32, #tpu.memory_space<vmem>>
      %dma_start3A_419 = tpu.memref_squeeze %dma_start3A_418 : memref<1x128xi32, #tpu.memory_space<vmem>> -> memref<128xi32, #tpu.memory_space<vmem>>
      %dma_start3A_420 = arith.constant 0 : i32
      %dma_start3A_421 = tpu.memref_slice %arg9[%dma_start3A_420] : memref<65536xf32, #tpu.memory_space<vmem_shared>> -> memref<65536xf32, #tpu.memory_space<vmem_shared>>
      tpu.enqueue_indirect_dma source(%dma_start3A_416 : memref<128xf32, #tpu.memory_space<vmem>>) target(%dma_start3A_421 : memref<65536xf32, #tpu.memory_space<vmem_shared>>) offsets(%dma_start3A_419 : memref<128xi32, #tpu.memory_space<vmem>>) semaphore(%arg10 : memref<!tpu.dma_semaphore, #tpu.memory_space<semaphore_mem>>) {add = true}
      %dma_start3A_422 = arith.constant 1 : i32
      %dma_start3A_423 = arith.constant 1 : i32
      %dma_start3A_424 = arith.constant 0 : i32
      %dma_start3A_425 = tpu.memref_slice %arg6[%dma_start3A_422, %dma_start3A_424] : memref<4x128xf32, #tpu.memory_space<vmem>> -> memref<1x128xf32, #tpu.memory_space<vmem>>
      %dma_start3A_426 = tpu.memref_squeeze %dma_start3A_425 : memref<1x128xf32, #tpu.memory_space<vmem>> -> memref<128xf32, #tpu.memory_space<vmem>>
      %dma_start3A_427 = arith.constant 0 : i32
      %dma_start3A_428 = tpu.memref_slice %arg5[%dma_start3A_423, %dma_start3A_427] : memref<4x128xi32, #tpu.memory_space<vmem>> -> memref<1x128xi32, #tpu.memory_space<vmem>>
      %dma_start3A_429 = tpu.memref_squeeze %dma_start3A_428 : memref<1x128xi32, #tpu.memory_space<vmem>> -> memref<128xi32, #tpu.memory_space<vmem>>
      %dma_start3A_430 = arith.constant 0 : i32
      %dma_start3A_431 = tpu.memref_slice %arg9[%dma_start3A_430] : memref<65536xf32, #tpu.memory_space<vmem_shared>> -> memref<65536xf32, #tpu.memory_space<vmem_shared>>
      tpu.enqueue_indirect_dma source(%dma_start3A_426 : memref<128xf32, #tpu.memory_space<vmem>>) target(%dma_start3A_431 : memref<65536xf32, #tpu.memory_space<vmem_shared>>) offsets(%dma_start3A_429 : memref<128xi32, #tpu.memory_space<vmem>>) semaphore(%arg10 : memref<!tpu.dma_semaphore, #tpu.memory_space<semaphore_mem>>) {add = true}
      %dma_start3A_432 = arith.constant 2 : i32
      %dma_start3A_433 = arith.constant 2 : i32
      %dma_start3A_434 = arith.constant 0 : i32
      %dma_start3A_435 = tpu.memref_slice %arg6[%dma_start3A_432, %dma_start3A_434] : memref<4x128xf32, #tpu.memory_space<vmem>> -> memref<1x128xf32, #tpu.memory_space<vmem>>
      %dma_start3A_436 = tpu.memref_squeeze %dma_start3A_435 : memref<1x128xf32, #tpu.memory_space<vmem>> -> memref<128xf32, #tpu.memory_space<vmem>>
      %dma_start3A_437 = arith.constant 0 : i32
      %dma_start3A_438 = tpu.memref_slice %arg5[%dma_start3A_433, %dma_start3A_437] : memref<4x128xi32, #tpu.memory_space<vmem>> -> memref<1x128xi32, #tpu.memory_space<vmem>>
      %dma_start3A_439 = tpu.memref_squeeze %dma_start3A_438 : memref<1x128xi32, #tpu.memory_space<vmem>> -> memref<128xi32, #tpu.memory_space<vmem>>
      %dma_start3A_440 = arith.constant 0 : i32
      %dma_start3A_441 = tpu.memref_slice %arg9[%dma_start3A_440] : memref<65536xf32, #tpu.memory_space<vmem_shared>> -> memref<65536xf32, #tpu.memory_space<vmem_shared>>
      tpu.enqueue_indirect_dma source(%dma_start3A_436 : memref<128xf32, #tpu.memory_space<vmem>>) target(%dma_start3A_441 : memref<65536xf32, #tpu.memory_space<vmem_shared>>) offsets(%dma_start3A_439 : memref<128xi32, #tpu.memory_space<vmem>>) semaphore(%arg10 : memref<!tpu.dma_semaphore, #tpu.memory_space<semaphore_mem>>) {add = true}
      %dma_start3A_442 = arith.constant 3 : i32
      %dma_start3A_443 = arith.constant 3 : i32
      %dma_start3A_444 = arith.constant 0 : i32
      %dma_start3A_445 = tpu.memref_slice %arg6[%dma_start3A_442, %dma_start3A_444] : memref<4x128xf32, #tpu.memory_space<vmem>> -> memref<1x128xf32, #tpu.memory_space<vmem>>
      %dma_start3A_446 = tpu.memref_squeeze %dma_start3A_445 : memref<1x128xf32, #tpu.memory_space<vmem>> -> memref<128xf32, #tpu.memory_space<vmem>>
      %dma_start3A_447 = arith.constant 0 : i32
      %dma_start3A_448 = tpu.memref_slice %arg5[%dma_start3A_443, %dma_start3A_447] : memref<4x128xi32, #tpu.memory_space<vmem>> -> memref<1x128xi32, #tpu.memory_space<vmem>>
      %dma_start3A_449 = tpu.memref_squeeze %dma_start3A_448 : memref<1x128xi32, #tpu.memory_space<vmem>> -> memref<128xi32, #tpu.memory_space<vmem>>
      %dma_start3A_450 = arith.constant 0 : i32
      %dma_start3A_451 = tpu.memref_slice %arg9[%dma_start3A_450] : memref<65536xf32, #tpu.memory_space<vmem_shared>> -> memref<65536xf32, #tpu.memory_space<vmem_shared>>
      tpu.enqueue_indirect_dma source(%dma_start3A_446 : memref<128xf32, #tpu.memory_space<vmem>>) target(%dma_start3A_451 : memref<65536xf32, #tpu.memory_space<vmem_shared>>) offsets(%dma_start3A_449 : memref<128xi32, #tpu.memory_space<vmem>>) semaphore(%arg10 : memref<!tpu.dma_semaphore, #tpu.memory_space<semaphore_mem>>) {add = true}
      %dma_wait3A_452 = arith.constant 0 : i32
      %dma_wait3A_453 = arith.constant 0 : i32
      %dma_wait3A_454 = arith.constant 0 : i32
      %dma_wait3A_455 = tpu.memref_slice %arg6[%dma_wait3A_452, %dma_wait3A_454] : memref<4x128xf32, #tpu.memory_space<vmem>> -> memref<1x128xf32, #tpu.memory_space<vmem>>
      %dma_wait3A_456 = tpu.memref_squeeze %dma_wait3A_455 : memref<1x128xf32, #tpu.memory_space<vmem>> -> memref<128xf32, #tpu.memory_space<vmem>>
      %dma_wait3A_457 = arith.constant 0 : i32
      %dma_wait3A_458 = tpu.memref_slice %arg5[%dma_wait3A_453, %dma_wait3A_457] : memref<4x128xi32, #tpu.memory_space<vmem>> -> memref<1x128xi32, #tpu.memory_space<vmem>>
      %dma_wait3A_459 = tpu.memref_squeeze %dma_wait3A_458 : memref<1x128xi32, #tpu.memory_space<vmem>> -> memref<128xi32, #tpu.memory_space<vmem>>
      %dma_wait3A_460 = arith.constant 0 : i32
      %dma_wait3A_461 = tpu.memref_slice %arg9[%dma_wait3A_460] : memref<65536xf32, #tpu.memory_space<vmem_shared>> -> memref<65536xf32, #tpu.memory_space<vmem_shared>>
      tpu.wait_indirect_dma semaphore(%arg10 : memref<!tpu.dma_semaphore, #tpu.memory_space<semaphore_mem>>) src(%dma_wait3A_456 : memref<128xf32, #tpu.memory_space<vmem>>) dst(%dma_wait3A_461 : memref<65536xf32, #tpu.memory_space<vmem_shared>>)
      %dma_wait3A_462 = arith.constant 1 : i32
      %dma_wait3A_463 = arith.constant 1 : i32
      %dma_wait3A_464 = arith.constant 0 : i32
      %dma_wait3A_465 = tpu.memref_slice %arg6[%dma_wait3A_462, %dma_wait3A_464] : memref<4x128xf32, #tpu.memory_space<vmem>> -> memref<1x128xf32, #tpu.memory_space<vmem>>
      %dma_wait3A_466 = tpu.memref_squeeze %dma_wait3A_465 : memref<1x128xf32, #tpu.memory_space<vmem>> -> memref<128xf32, #tpu.memory_space<vmem>>
      %dma_wait3A_467 = arith.constant 0 : i32
      %dma_wait3A_468 = tpu.memref_slice %arg5[%dma_wait3A_463, %dma_wait3A_467] : memref<4x128xi32, #tpu.memory_space<vmem>> -> memref<1x128xi32, #tpu.memory_space<vmem>>
      %dma_wait3A_469 = tpu.memref_squeeze %dma_wait3A_468 : memref<1x128xi32, #tpu.memory_space<vmem>> -> memref<128xi32, #tpu.memory_space<vmem>>
      %dma_wait3A_470 = arith.constant 0 : i32
      %dma_wait3A_471 = tpu.memref_slice %arg9[%dma_wait3A_470] : memref<65536xf32, #tpu.memory_space<vmem_shared>> -> memref<65536xf32, #tpu.memory_space<vmem_shared>>
      tpu.wait_indirect_dma semaphore(%arg10 : memref<!tpu.dma_semaphore, #tpu.memory_space<semaphore_mem>>) src(%dma_wait3A_466 : memref<128xf32, #tpu.memory_space<vmem>>) dst(%dma_wait3A_471 : memref<65536xf32, #tpu.memory_space<vmem_shared>>)
      %dma_wait3A_472 = arith.constant 2 : i32
      %dma_wait3A_473 = arith.constant 2 : i32
      %dma_wait3A_474 = arith.constant 0 : i32
      %dma_wait3A_475 = tpu.memref_slice %arg6[%dma_wait3A_472, %dma_wait3A_474] : memref<4x128xf32, #tpu.memory_space<vmem>> -> memref<1x128xf32, #tpu.memory_space<vmem>>
      %dma_wait3A_476 = tpu.memref_squeeze %dma_wait3A_475 : memref<1x128xf32, #tpu.memory_space<vmem>> -> memref<128xf32, #tpu.memory_space<vmem>>
      %dma_wait3A_477 = arith.constant 0 : i32
      %dma_wait3A_478 = tpu.memref_slice %arg5[%dma_wait3A_473, %dma_wait3A_477] : memref<4x128xi32, #tpu.memory_space<vmem>> -> memref<1x128xi32, #tpu.memory_space<vmem>>
      %dma_wait3A_479 = tpu.memref_squeeze %dma_wait3A_478 : memref<1x128xi32, #tpu.memory_space<vmem>> -> memref<128xi32, #tpu.memory_space<vmem>>
      %dma_wait3A_480 = arith.constant 0 : i32
      %dma_wait3A_481 = tpu.memref_slice %arg9[%dma_wait3A_480] : memref<65536xf32, #tpu.memory_space<vmem_shared>> -> memref<65536xf32, #tpu.memory_space<vmem_shared>>
      tpu.wait_indirect_dma semaphore(%arg10 : memref<!tpu.dma_semaphore, #tpu.memory_space<semaphore_mem>>) src(%dma_wait3A_476 : memref<128xf32, #tpu.memory_space<vmem>>) dst(%dma_wait3A_481 : memref<65536xf32, #tpu.memory_space<vmem_shared>>)
      %dma_wait3A_482 = arith.constant 3 : i32
      %dma_wait3A_483 = arith.constant 3 : i32
      %dma_wait3A_484 = arith.constant 0 : i32
      %dma_wait3A_485 = tpu.memref_slice %arg6[%dma_wait3A_482, %dma_wait3A_484] : memref<4x128xf32, #tpu.memory_space<vmem>> -> memref<1x128xf32, #tpu.memory_space<vmem>>
      %dma_wait3A_486 = tpu.memref_squeeze %dma_wait3A_485 : memref<1x128xf32, #tpu.memory_space<vmem>> -> memref<128xf32, #tpu.memory_space<vmem>>
      %dma_wait3A_487 = arith.constant 0 : i32
      %dma_wait3A_488 = tpu.memref_slice %arg5[%dma_wait3A_483, %dma_wait3A_487] : memref<4x128xi32, #tpu.memory_space<vmem>> -> memref<1x128xi32, #tpu.memory_space<vmem>>
      %dma_wait3A_489 = tpu.memref_squeeze %dma_wait3A_488 : memref<1x128xi32, #tpu.memory_space<vmem>> -> memref<128xi32, #tpu.memory_space<vmem>>
      %dma_wait3A_490 = arith.constant 0 : i32
      %dma_wait3A_491 = tpu.memref_slice %arg9[%dma_wait3A_490] : memref<65536xf32, #tpu.memory_space<vmem_shared>> -> memref<65536xf32, #tpu.memory_space<vmem_shared>>
      tpu.wait_indirect_dma semaphore(%arg10 : memref<!tpu.dma_semaphore, #tpu.memory_space<semaphore_mem>>) src(%dma_wait3A_486 : memref<128xf32, #tpu.memory_space<vmem>>) dst(%dma_wait3A_491 : memref<65536xf32, #tpu.memory_space<vmem_shared>>)
    } else {
    }
    %barrier3A_22 = arith.constant 0 : index
    tpu.barrier barrier_id(%barrier3A_22)
    %mul3A_23 = arith.constant 16 : i32
    %mul3A_24 = arith.muli %arg1, %mul3A_23 : i32
    %add3A_25 = arith.constant 0 : i32
    %add3A_26 = arith.addi %mul3A_24, %add3A_25 : i32
    %mul3A_27 = arith.constant 256 : i32
    %mul3A_28 = arith.muli %add3A_26, %mul3A_27 : i32
    %dma_start3A_29 = arith.constant 0 : i32
    %dma_start3A_30 = arith.constant 0 : i32
    %dma_start3A_31 = tpu.memref_slice %arg8[%dma_start3A_29, %dma_start3A_30] : memref<16x256xf32, #tpu.memory_space<vmem>> -> memref<1x256xf32, #tpu.memory_space<vmem>>
    %dma_start3A_32 = tpu.memref_squeeze %dma_start3A_31 : memref<1x256xf32, #tpu.memory_space<vmem>> -> memref<256xf32, #tpu.memory_space<vmem>>
    %dma_start3A_33 = tpu.memref_slice %arg9[%mul3A_28] : memref<65536xf32, #tpu.memory_space<vmem_shared>> -> memref<256xf32, #tpu.memory_space<vmem_shared>>
    %dma_start3A_34 = arith.constant 0 : i32
    %dma_start3A_35 = tpu.memref_slice %arg8[%dma_start3A_29, %dma_start3A_34] : memref<16x256xf32, #tpu.memory_space<vmem>> -> memref<1x256xf32, #tpu.memory_space<vmem>>
    %dma_start3A_36 = tpu.memref_squeeze %dma_start3A_35 : memref<1x256xf32, #tpu.memory_space<vmem>> -> memref<256xf32, #tpu.memory_space<vmem>>
    %dma_start3A_37 = tpu.memref_slice %arg9[%mul3A_28] : memref<65536xf32, #tpu.memory_space<vmem_shared>> -> memref<256xf32, #tpu.memory_space<vmem_shared>>
    tpu.enqueue_dma source(%dma_start3A_37 : memref<256xf32, #tpu.memory_space<vmem_shared>>) target(%dma_start3A_36 : memref<256xf32, #tpu.memory_space<vmem>>) target_semaphore(%arg10 : memref<!tpu.dma_semaphore, #tpu.memory_space<semaphore_mem>>)
    %mul3A_38 = arith.constant 16 : i32
    %mul3A_39 = arith.muli %arg1, %mul3A_38 : i32
    %add3A_40 = arith.constant 1 : i32
    %add3A_41 = arith.addi %mul3A_39, %add3A_40 : i32
    %mul3A_42 = arith.constant 256 : i32
    %mul3A_43 = arith.muli %add3A_41, %mul3A_42 : i32
    %dma_start3A_44 = arith.constant 1 : i32
    %dma_start3A_45 = arith.constant 0 : i32
    %dma_start3A_46 = tpu.memref_slice %arg8[%dma_start3A_44, %dma_start3A_45] : memref<16x256xf32, #tpu.memory_space<vmem>> -> memref<1x256xf32, #tpu.memory_space<vmem>>
    %dma_start3A_47 = tpu.memref_squeeze %dma_start3A_46 : memref<1x256xf32, #tpu.memory_space<vmem>> -> memref<256xf32, #tpu.memory_space<vmem>>
    %dma_start3A_48 = tpu.memref_slice %arg9[%mul3A_43] : memref<65536xf32, #tpu.memory_space<vmem_shared>> -> memref<256xf32, #tpu.memory_space<vmem_shared>>
    %dma_start3A_49 = arith.constant 0 : i32
    %dma_start3A_50 = tpu.memref_slice %arg8[%dma_start3A_44, %dma_start3A_49] : memref<16x256xf32, #tpu.memory_space<vmem>> -> memref<1x256xf32, #tpu.memory_space<vmem>>
    %dma_start3A_51 = tpu.memref_squeeze %dma_start3A_50 : memref<1x256xf32, #tpu.memory_space<vmem>> -> memref<256xf32, #tpu.memory_space<vmem>>
    %dma_start3A_52 = tpu.memref_slice %arg9[%mul3A_43] : memref<65536xf32, #tpu.memory_space<vmem_shared>> -> memref<256xf32, #tpu.memory_space<vmem_shared>>
    tpu.enqueue_dma source(%dma_start3A_52 : memref<256xf32, #tpu.memory_space<vmem_shared>>) target(%dma_start3A_51 : memref<256xf32, #tpu.memory_space<vmem>>) target_semaphore(%arg10 : memref<!tpu.dma_semaphore, #tpu.memory_space<semaphore_mem>>)
    %mul3A_53 = arith.constant 16 : i32
    %mul3A_54 = arith.muli %arg1, %mul3A_53 : i32
    %add3A_55 = arith.constant 2 : i32
    %add3A_56 = arith.addi %mul3A_54, %add3A_55 : i32
    %mul3A_57 = arith.constant 256 : i32
    %mul3A_58 = arith.muli %add3A_56, %mul3A_57 : i32
    %dma_start3A_59 = arith.constant 2 : i32
    %dma_start3A_60 = arith.constant 0 : i32
    %dma_start3A_61 = tpu.memref_slice %arg8[%dma_start3A_59, %dma_start3A_60] : memref<16x256xf32, #tpu.memory_space<vmem>> -> memref<1x256xf32, #tpu.memory_space<vmem>>
    %dma_start3A_62 = tpu.memref_squeeze %dma_start3A_61 : memref<1x256xf32, #tpu.memory_space<vmem>> -> memref<256xf32, #tpu.memory_space<vmem>>
    %dma_start3A_63 = tpu.memref_slice %arg9[%mul3A_58] : memref<65536xf32, #tpu.memory_space<vmem_shared>> -> memref<256xf32, #tpu.memory_space<vmem_shared>>
    %dma_start3A_64 = arith.constant 0 : i32
    %dma_start3A_65 = tpu.memref_slice %arg8[%dma_start3A_59, %dma_start3A_64] : memref<16x256xf32, #tpu.memory_space<vmem>> -> memref<1x256xf32, #tpu.memory_space<vmem>>
    %dma_start3A_66 = tpu.memref_squeeze %dma_start3A_65 : memref<1x256xf32, #tpu.memory_space<vmem>> -> memref<256xf32, #tpu.memory_space<vmem>>
    %dma_start3A_67 = tpu.memref_slice %arg9[%mul3A_58] : memref<65536xf32, #tpu.memory_space<vmem_shared>> -> memref<256xf32, #tpu.memory_space<vmem_shared>>
    tpu.enqueue_dma source(%dma_start3A_67 : memref<256xf32, #tpu.memory_space<vmem_shared>>) target(%dma_start3A_66 : memref<256xf32, #tpu.memory_space<vmem>>) target_semaphore(%arg10 : memref<!tpu.dma_semaphore, #tpu.memory_space<semaphore_mem>>)
    %mul3A_68 = arith.constant 16 : i32
    %mul3A_69 = arith.muli %arg1, %mul3A_68 : i32
    %add3A_70 = arith.constant 3 : i32
    %add3A_71 = arith.addi %mul3A_69, %add3A_70 : i32
    %mul3A_72 = arith.constant 256 : i32
    %mul3A_73 = arith.muli %add3A_71, %mul3A_72 : i32
    %dma_start3A_74 = arith.constant 3 : i32
    %dma_start3A_75 = arith.constant 0 : i32
    %dma_start3A_76 = tpu.memref_slice %arg8[%dma_start3A_74, %dma_start3A_75] : memref<16x256xf32, #tpu.memory_space<vmem>> -> memref<1x256xf32, #tpu.memory_space<vmem>>
    %dma_start3A_77 = tpu.memref_squeeze %dma_start3A_76 : memref<1x256xf32, #tpu.memory_space<vmem>> -> memref<256xf32, #tpu.memory_space<vmem>>
    %dma_start3A_78 = tpu.memref_slice %arg9[%mul3A_73] : memref<65536xf32, #tpu.memory_space<vmem_shared>> -> memref<256xf32, #tpu.memory_space<vmem_shared>>
    %dma_start3A_79 = arith.constant 0 : i32
    %dma_start3A_80 = tpu.memref_slice %arg8[%dma_start3A_74, %dma_start3A_79] : memref<16x256xf32, #tpu.memory_space<vmem>> -> memref<1x256xf32, #tpu.memory_space<vmem>>
    %dma_start3A_81 = tpu.memref_squeeze %dma_start3A_80 : memref<1x256xf32, #tpu.memory_space<vmem>> -> memref<256xf32, #tpu.memory_space<vmem>>
    %dma_start3A_82 = tpu.memref_slice %arg9[%mul3A_73] : memref<65536xf32, #tpu.memory_space<vmem_shared>> -> memref<256xf32, #tpu.memory_space<vmem_shared>>
    tpu.enqueue_dma source(%dma_start3A_82 : memref<256xf32, #tpu.memory_space<vmem_shared>>) target(%dma_start3A_81 : memref<256xf32, #tpu.memory_space<vmem>>) target_semaphore(%arg10 : memref<!tpu.dma_semaphore, #tpu.memory_space<semaphore_mem>>)
    %mul3A_83 = arith.constant 16 : i32
    %mul3A_84 = arith.muli %arg1, %mul3A_83 : i32
    %add3A_85 = arith.constant 4 : i32
    %add3A_86 = arith.addi %mul3A_84, %add3A_85 : i32
    %mul3A_87 = arith.constant 256 : i32
    %mul3A_88 = arith.muli %add3A_86, %mul3A_87 : i32
    %dma_start3A_89 = arith.constant 4 : i32
    %dma_start3A_90 = arith.constant 0 : i32
    %dma_start3A_91 = tpu.memref_slice %arg8[%dma_start3A_89, %dma_start3A_90] : memref<16x256xf32, #tpu.memory_space<vmem>> -> memref<1x256xf32, #tpu.memory_space<vmem>>
    %dma_start3A_92 = tpu.memref_squeeze %dma_start3A_91 : memref<1x256xf32, #tpu.memory_space<vmem>> -> memref<256xf32, #tpu.memory_space<vmem>>
    %dma_start3A_93 = tpu.memref_slice %arg9[%mul3A_88] : memref<65536xf32, #tpu.memory_space<vmem_shared>> -> memref<256xf32, #tpu.memory_space<vmem_shared>>
    %dma_start3A_94 = arith.constant 0 : i32
    %dma_start3A_95 = tpu.memref_slice %arg8[%dma_start3A_89, %dma_start3A_94] : memref<16x256xf32, #tpu.memory_space<vmem>> -> memref<1x256xf32, #tpu.memory_space<vmem>>
    %dma_start3A_96 = tpu.memref_squeeze %dma_start3A_95 : memref<1x256xf32, #tpu.memory_space<vmem>> -> memref<256xf32, #tpu.memory_space<vmem>>
    %dma_start3A_97 = tpu.memref_slice %arg9[%mul3A_88] : memref<65536xf32, #tpu.memory_space<vmem_shared>> -> memref<256xf32, #tpu.memory_space<vmem_shared>>
    tpu.enqueue_dma source(%dma_start3A_97 : memref<256xf32, #tpu.memory_space<vmem_shared>>) target(%dma_start3A_96 : memref<256xf32, #tpu.memory_space<vmem>>) target_semaphore(%arg10 : memref<!tpu.dma_semaphore, #tpu.memory_space<semaphore_mem>>)
    %mul3A_98 = arith.constant 16 : i32
    %mul3A_99 = arith.muli %arg1, %mul3A_98 : i32
    %add3A_100 = arith.constant 5 : i32
    %add3A_101 = arith.addi %mul3A_99, %add3A_100 : i32
    %mul3A_102 = arith.constant 256 : i32
    %mul3A_103 = arith.muli %add3A_101, %mul3A_102 : i32
    %dma_start3A_104 = arith.constant 5 : i32
    %dma_start3A_105 = arith.constant 0 : i32
    %dma_start3A_106 = tpu.memref_slice %arg8[%dma_start3A_104, %dma_start3A_105] : memref<16x256xf32, #tpu.memory_space<vmem>> -> memref<1x256xf32, #tpu.memory_space<vmem>>
    %dma_start3A_107 = tpu.memref_squeeze %dma_start3A_106 : memref<1x256xf32, #tpu.memory_space<vmem>> -> memref<256xf32, #tpu.memory_space<vmem>>
    %dma_start3A_108 = tpu.memref_slice %arg9[%mul3A_103] : memref<65536xf32, #tpu.memory_space<vmem_shared>> -> memref<256xf32, #tpu.memory_space<vmem_shared>>
    %dma_start3A_109 = arith.constant 0 : i32
    %dma_start3A_110 = tpu.memref_slice %arg8[%dma_start3A_104, %dma_start3A_109] : memref<16x256xf32, #tpu.memory_space<vmem>> -> memref<1x256xf32, #tpu.memory_space<vmem>>
    %dma_start3A_111 = tpu.memref_squeeze %dma_start3A_110 : memref<1x256xf32, #tpu.memory_space<vmem>> -> memref<256xf32, #tpu.memory_space<vmem>>
    %dma_start3A_112 = tpu.memref_slice %arg9[%mul3A_103] : memref<65536xf32, #tpu.memory_space<vmem_shared>> -> memref<256xf32, #tpu.memory_space<vmem_shared>>
    tpu.enqueue_dma source(%dma_start3A_112 : memref<256xf32, #tpu.memory_space<vmem_shared>>) target(%dma_start3A_111 : memref<256xf32, #tpu.memory_space<vmem>>) target_semaphore(%arg10 : memref<!tpu.dma_semaphore, #tpu.memory_space<semaphore_mem>>)
    %mul3A_113 = arith.constant 16 : i32
    %mul3A_114 = arith.muli %arg1, %mul3A_113 : i32
    %add3A_115 = arith.constant 6 : i32
    %add3A_116 = arith.addi %mul3A_114, %add3A_115 : i32
    %mul3A_117 = arith.constant 256 : i32
    %mul3A_118 = arith.muli %add3A_116, %mul3A_117 : i32
    %dma_start3A_119 = arith.constant 6 : i32
    %dma_start3A_120 = arith.constant 0 : i32
    %dma_start3A_121 = tpu.memref_slice %arg8[%dma_start3A_119, %dma_start3A_120] : memref<16x256xf32, #tpu.memory_space<vmem>> -> memref<1x256xf32, #tpu.memory_space<vmem>>
    %dma_start3A_122 = tpu.memref_squeeze %dma_start3A_121 : memref<1x256xf32, #tpu.memory_space<vmem>> -> memref<256xf32, #tpu.memory_space<vmem>>
    %dma_start3A_123 = tpu.memref_slice %arg9[%mul3A_118] : memref<65536xf32, #tpu.memory_space<vmem_shared>> -> memref<256xf32, #tpu.memory_space<vmem_shared>>
    %dma_start3A_124 = arith.constant 0 : i32
    %dma_start3A_125 = tpu.memref_slice %arg8[%dma_start3A_119, %dma_start3A_124] : memref<16x256xf32, #tpu.memory_space<vmem>> -> memref<1x256xf32, #tpu.memory_space<vmem>>
    %dma_start3A_126 = tpu.memref_squeeze %dma_start3A_125 : memref<1x256xf32, #tpu.memory_space<vmem>> -> memref<256xf32, #tpu.memory_space<vmem>>
    %dma_start3A_127 = tpu.memref_slice %arg9[%mul3A_118] : memref<65536xf32, #tpu.memory_space<vmem_shared>> -> memref<256xf32, #tpu.memory_space<vmem_shared>>
    tpu.enqueue_dma source(%dma_start3A_127 : memref<256xf32, #tpu.memory_space<vmem_shared>>) target(%dma_start3A_126 : memref<256xf32, #tpu.memory_space<vmem>>) target_semaphore(%arg10 : memref<!tpu.dma_semaphore, #tpu.memory_space<semaphore_mem>>)
    %mul3A_128 = arith.constant 16 : i32
    %mul3A_129 = arith.muli %arg1, %mul3A_128 : i32
    %add3A_130 = arith.constant 7 : i32
    %add3A_131 = arith.addi %mul3A_129, %add3A_130 : i32
    %mul3A_132 = arith.constant 256 : i32
    %mul3A_133 = arith.muli %add3A_131, %mul3A_132 : i32
    %dma_start3A_134 = arith.constant 7 : i32
    %dma_start3A_135 = arith.constant 0 : i32
    %dma_start3A_136 = tpu.memref_slice %arg8[%dma_start3A_134, %dma_start3A_135] : memref<16x256xf32, #tpu.memory_space<vmem>> -> memref<1x256xf32, #tpu.memory_space<vmem>>
    %dma_start3A_137 = tpu.memref_squeeze %dma_start3A_136 : memref<1x256xf32, #tpu.memory_space<vmem>> -> memref<256xf32, #tpu.memory_space<vmem>>
    %dma_start3A_138 = tpu.memref_slice %arg9[%mul3A_133] : memref<65536xf32, #tpu.memory_space<vmem_shared>> -> memref<256xf32, #tpu.memory_space<vmem_shared>>
    %dma_start3A_139 = arith.constant 0 : i32
    %dma_start3A_140 = tpu.memref_slice %arg8[%dma_start3A_134, %dma_start3A_139] : memref<16x256xf32, #tpu.memory_space<vmem>> -> memref<1x256xf32, #tpu.memory_space<vmem>>
    %dma_start3A_141 = tpu.memref_squeeze %dma_start3A_140 : memref<1x256xf32, #tpu.memory_space<vmem>> -> memref<256xf32, #tpu.memory_space<vmem>>
    %dma_start3A_142 = tpu.memref_slice %arg9[%mul3A_133] : memref<65536xf32, #tpu.memory_space<vmem_shared>> -> memref<256xf32, #tpu.memory_space<vmem_shared>>
    tpu.enqueue_dma source(%dma_start3A_142 : memref<256xf32, #tpu.memory_space<vmem_shared>>) target(%dma_start3A_141 : memref<256xf32, #tpu.memory_space<vmem>>) target_semaphore(%arg10 : memref<!tpu.dma_semaphore, #tpu.memory_space<semaphore_mem>>)
    %mul3A_143 = arith.constant 16 : i32
    %mul3A_144 = arith.muli %arg1, %mul3A_143 : i32
    %add3A_145 = arith.constant 8 : i32
    %add3A_146 = arith.addi %mul3A_144, %add3A_145 : i32
    %mul3A_147 = arith.constant 256 : i32
    %mul3A_148 = arith.muli %add3A_146, %mul3A_147 : i32
    %dma_start3A_149 = arith.constant 8 : i32
    %dma_start3A_150 = arith.constant 0 : i32
    %dma_start3A_151 = tpu.memref_slice %arg8[%dma_start3A_149, %dma_start3A_150] : memref<16x256xf32, #tpu.memory_space<vmem>> -> memref<1x256xf32, #tpu.memory_space<vmem>>
    %dma_start3A_152 = tpu.memref_squeeze %dma_start3A_151 : memref<1x256xf32, #tpu.memory_space<vmem>> -> memref<256xf32, #tpu.memory_space<vmem>>
    %dma_start3A_153 = tpu.memref_slice %arg9[%mul3A_148] : memref<65536xf32, #tpu.memory_space<vmem_shared>> -> memref<256xf32, #tpu.memory_space<vmem_shared>>
    %dma_start3A_154 = arith.constant 0 : i32
    %dma_start3A_155 = tpu.memref_slice %arg8[%dma_start3A_149, %dma_start3A_154] : memref<16x256xf32, #tpu.memory_space<vmem>> -> memref<1x256xf32, #tpu.memory_space<vmem>>
    %dma_start3A_156 = tpu.memref_squeeze %dma_start3A_155 : memref<1x256xf32, #tpu.memory_space<vmem>> -> memref<256xf32, #tpu.memory_space<vmem>>
    %dma_start3A_157 = tpu.memref_slice %arg9[%mul3A_148] : memref<65536xf32, #tpu.memory_space<vmem_shared>> -> memref<256xf32, #tpu.memory_space<vmem_shared>>
    tpu.enqueue_dma source(%dma_start3A_157 : memref<256xf32, #tpu.memory_space<vmem_shared>>) target(%dma_start3A_156 : memref<256xf32, #tpu.memory_space<vmem>>) target_semaphore(%arg10 : memref<!tpu.dma_semaphore, #tpu.memory_space<semaphore_mem>>)
    %mul3A_158 = arith.constant 16 : i32
    %mul3A_159 = arith.muli %arg1, %mul3A_158 : i32
    %add3A_160 = arith.constant 9 : i32
    %add3A_161 = arith.addi %mul3A_159, %add3A_160 : i32
    %mul3A_162 = arith.constant 256 : i32
    %mul3A_163 = arith.muli %add3A_161, %mul3A_162 : i32
    %dma_start3A_164 = arith.constant 9 : i32
    %dma_start3A_165 = arith.constant 0 : i32
    %dma_start3A_166 = tpu.memref_slice %arg8[%dma_start3A_164, %dma_start3A_165] : memref<16x256xf32, #tpu.memory_space<vmem>> -> memref<1x256xf32, #tpu.memory_space<vmem>>
    %dma_start3A_167 = tpu.memref_squeeze %dma_start3A_166 : memref<1x256xf32, #tpu.memory_space<vmem>> -> memref<256xf32, #tpu.memory_space<vmem>>
    %dma_start3A_168 = tpu.memref_slice %arg9[%mul3A_163] : memref<65536xf32, #tpu.memory_space<vmem_shared>> -> memref<256xf32, #tpu.memory_space<vmem_shared>>
    %dma_start3A_169 = arith.constant 0 : i32
    %dma_start3A_170 = tpu.memref_slice %arg8[%dma_start3A_164, %dma_start3A_169] : memref<16x256xf32, #tpu.memory_space<vmem>> -> memref<1x256xf32, #tpu.memory_space<vmem>>
    %dma_start3A_171 = tpu.memref_squeeze %dma_start3A_170 : memref<1x256xf32, #tpu.memory_space<vmem>> -> memref<256xf32, #tpu.memory_space<vmem>>
    %dma_start3A_172 = tpu.memref_slice %arg9[%mul3A_163] : memref<65536xf32, #tpu.memory_space<vmem_shared>> -> memref<256xf32, #tpu.memory_space<vmem_shared>>
    tpu.enqueue_dma source(%dma_start3A_172 : memref<256xf32, #tpu.memory_space<vmem_shared>>) target(%dma_start3A_171 : memref<256xf32, #tpu.memory_space<vmem>>) target_semaphore(%arg10 : memref<!tpu.dma_semaphore, #tpu.memory_space<semaphore_mem>>)
    %mul3A_173 = arith.constant 16 : i32
    %mul3A_174 = arith.muli %arg1, %mul3A_173 : i32
    %add3A_175 = arith.constant 10 : i32
    %add3A_176 = arith.addi %mul3A_174, %add3A_175 : i32
    %mul3A_177 = arith.constant 256 : i32
    %mul3A_178 = arith.muli %add3A_176, %mul3A_177 : i32
    %dma_start3A_179 = arith.constant 10 : i32
    %dma_start3A_180 = arith.constant 0 : i32
    %dma_start3A_181 = tpu.memref_slice %arg8[%dma_start3A_179, %dma_start3A_180] : memref<16x256xf32, #tpu.memory_space<vmem>> -> memref<1x256xf32, #tpu.memory_space<vmem>>
    %dma_start3A_182 = tpu.memref_squeeze %dma_start3A_181 : memref<1x256xf32, #tpu.memory_space<vmem>> -> memref<256xf32, #tpu.memory_space<vmem>>
    %dma_start3A_183 = tpu.memref_slice %arg9[%mul3A_178] : memref<65536xf32, #tpu.memory_space<vmem_shared>> -> memref<256xf32, #tpu.memory_space<vmem_shared>>
    %dma_start3A_184 = arith.constant 0 : i32
    %dma_start3A_185 = tpu.memref_slice %arg8[%dma_start3A_179, %dma_start3A_184] : memref<16x256xf32, #tpu.memory_space<vmem>> -> memref<1x256xf32, #tpu.memory_space<vmem>>
    %dma_start3A_186 = tpu.memref_squeeze %dma_start3A_185 : memref<1x256xf32, #tpu.memory_space<vmem>> -> memref<256xf32, #tpu.memory_space<vmem>>
    %dma_start3A_187 = tpu.memref_slice %arg9[%mul3A_178] : memref<65536xf32, #tpu.memory_space<vmem_shared>> -> memref<256xf32, #tpu.memory_space<vmem_shared>>
    tpu.enqueue_dma source(%dma_start3A_187 : memref<256xf32, #tpu.memory_space<vmem_shared>>) target(%dma_start3A_186 : memref<256xf32, #tpu.memory_space<vmem>>) target_semaphore(%arg10 : memref<!tpu.dma_semaphore, #tpu.memory_space<semaphore_mem>>)
    %mul3A_188 = arith.constant 16 : i32
    %mul3A_189 = arith.muli %arg1, %mul3A_188 : i32
    %add3A_190 = arith.constant 11 : i32
    %add3A_191 = arith.addi %mul3A_189, %add3A_190 : i32
    %mul3A_192 = arith.constant 256 : i32
    %mul3A_193 = arith.muli %add3A_191, %mul3A_192 : i32
    %dma_start3A_194 = arith.constant 11 : i32
    %dma_start3A_195 = arith.constant 0 : i32
    %dma_start3A_196 = tpu.memref_slice %arg8[%dma_start3A_194, %dma_start3A_195] : memref<16x256xf32, #tpu.memory_space<vmem>> -> memref<1x256xf32, #tpu.memory_space<vmem>>
    %dma_start3A_197 = tpu.memref_squeeze %dma_start3A_196 : memref<1x256xf32, #tpu.memory_space<vmem>> -> memref<256xf32, #tpu.memory_space<vmem>>
    %dma_start3A_198 = tpu.memref_slice %arg9[%mul3A_193] : memref<65536xf32, #tpu.memory_space<vmem_shared>> -> memref<256xf32, #tpu.memory_space<vmem_shared>>
    %dma_start3A_199 = arith.constant 0 : i32
    %dma_start3A_200 = tpu.memref_slice %arg8[%dma_start3A_194, %dma_start3A_199] : memref<16x256xf32, #tpu.memory_space<vmem>> -> memref<1x256xf32, #tpu.memory_space<vmem>>
    %dma_start3A_201 = tpu.memref_squeeze %dma_start3A_200 : memref<1x256xf32, #tpu.memory_space<vmem>> -> memref<256xf32, #tpu.memory_space<vmem>>
    %dma_start3A_202 = tpu.memref_slice %arg9[%mul3A_193] : memref<65536xf32, #tpu.memory_space<vmem_shared>> -> memref<256xf32, #tpu.memory_space<vmem_shared>>
    tpu.enqueue_dma source(%dma_start3A_202 : memref<256xf32, #tpu.memory_space<vmem_shared>>) target(%dma_start3A_201 : memref<256xf32, #tpu.memory_space<vmem>>) target_semaphore(%arg10 : memref<!tpu.dma_semaphore, #tpu.memory_space<semaphore_mem>>)
    %mul3A_203 = arith.constant 16 : i32
    %mul3A_204 = arith.muli %arg1, %mul3A_203 : i32
    %add3A_205 = arith.constant 12 : i32
    %add3A_206 = arith.addi %mul3A_204, %add3A_205 : i32
    %mul3A_207 = arith.constant 256 : i32
    %mul3A_208 = arith.muli %add3A_206, %mul3A_207 : i32
    %dma_start3A_209 = arith.constant 12 : i32
    %dma_start3A_210 = arith.constant 0 : i32
    %dma_start3A_211 = tpu.memref_slice %arg8[%dma_start3A_209, %dma_start3A_210] : memref<16x256xf32, #tpu.memory_space<vmem>> -> memref<1x256xf32, #tpu.memory_space<vmem>>
    %dma_start3A_212 = tpu.memref_squeeze %dma_start3A_211 : memref<1x256xf32, #tpu.memory_space<vmem>> -> memref<256xf32, #tpu.memory_space<vmem>>
    %dma_start3A_213 = tpu.memref_slice %arg9[%mul3A_208] : memref<65536xf32, #tpu.memory_space<vmem_shared>> -> memref<256xf32, #tpu.memory_space<vmem_shared>>
    %dma_start3A_214 = arith.constant 0 : i32
    %dma_start3A_215 = tpu.memref_slice %arg8[%dma_start3A_209, %dma_start3A_214] : memref<16x256xf32, #tpu.memory_space<vmem>> -> memref<1x256xf32, #tpu.memory_space<vmem>>
    %dma_start3A_216 = tpu.memref_squeeze %dma_start3A_215 : memref<1x256xf32, #tpu.memory_space<vmem>> -> memref<256xf32, #tpu.memory_space<vmem>>
    %dma_start3A_217 = tpu.memref_slice %arg9[%mul3A_208] : memref<65536xf32, #tpu.memory_space<vmem_shared>> -> memref<256xf32, #tpu.memory_space<vmem_shared>>
    tpu.enqueue_dma source(%dma_start3A_217 : memref<256xf32, #tpu.memory_space<vmem_shared>>) target(%dma_start3A_216 : memref<256xf32, #tpu.memory_space<vmem>>) target_semaphore(%arg10 : memref<!tpu.dma_semaphore, #tpu.memory_space<semaphore_mem>>)
    %mul3A_218 = arith.constant 16 : i32
    %mul3A_219 = arith.muli %arg1, %mul3A_218 : i32
    %add3A_220 = arith.constant 13 : i32
    %add3A_221 = arith.addi %mul3A_219, %add3A_220 : i32
    %mul3A_222 = arith.constant 256 : i32
    %mul3A_223 = arith.muli %add3A_221, %mul3A_222 : i32
    %dma_start3A_224 = arith.constant 13 : i32
    %dma_start3A_225 = arith.constant 0 : i32
    %dma_start3A_226 = tpu.memref_slice %arg8[%dma_start3A_224, %dma_start3A_225] : memref<16x256xf32, #tpu.memory_space<vmem>> -> memref<1x256xf32, #tpu.memory_space<vmem>>
    %dma_start3A_227 = tpu.memref_squeeze %dma_start3A_226 : memref<1x256xf32, #tpu.memory_space<vmem>> -> memref<256xf32, #tpu.memory_space<vmem>>
    %dma_start3A_228 = tpu.memref_slice %arg9[%mul3A_223] : memref<65536xf32, #tpu.memory_space<vmem_shared>> -> memref<256xf32, #tpu.memory_space<vmem_shared>>
    %dma_start3A_229 = arith.constant 0 : i32
    %dma_start3A_230 = tpu.memref_slice %arg8[%dma_start3A_224, %dma_start3A_229] : memref<16x256xf32, #tpu.memory_space<vmem>> -> memref<1x256xf32, #tpu.memory_space<vmem>>
    %dma_start3A_231 = tpu.memref_squeeze %dma_start3A_230 : memref<1x256xf32, #tpu.memory_space<vmem>> -> memref<256xf32, #tpu.memory_space<vmem>>
    %dma_start3A_232 = tpu.memref_slice %arg9[%mul3A_223] : memref<65536xf32, #tpu.memory_space<vmem_shared>> -> memref<256xf32, #tpu.memory_space<vmem_shared>>
    tpu.enqueue_dma source(%dma_start3A_232 : memref<256xf32, #tpu.memory_space<vmem_shared>>) target(%dma_start3A_231 : memref<256xf32, #tpu.memory_space<vmem>>) target_semaphore(%arg10 : memref<!tpu.dma_semaphore, #tpu.memory_space<semaphore_mem>>)
    %mul3A_233 = arith.constant 16 : i32
    %mul3A_234 = arith.muli %arg1, %mul3A_233 : i32
    %add3A_235 = arith.constant 14 : i32
    %add3A_236 = arith.addi %mul3A_234, %add3A_235 : i32
    %mul3A_237 = arith.constant 256 : i32
    %mul3A_238 = arith.muli %add3A_236, %mul3A_237 : i32
    %dma_start3A_239 = arith.constant 14 : i32
    %dma_start3A_240 = arith.constant 0 : i32
    %dma_start3A_241 = tpu.memref_slice %arg8[%dma_start3A_239, %dma_start3A_240] : memref<16x256xf32, #tpu.memory_space<vmem>> -> memref<1x256xf32, #tpu.memory_space<vmem>>
    %dma_start3A_242 = tpu.memref_squeeze %dma_start3A_241 : memref<1x256xf32, #tpu.memory_space<vmem>> -> memref<256xf32, #tpu.memory_space<vmem>>
    %dma_start3A_243 = tpu.memref_slice %arg9[%mul3A_238] : memref<65536xf32, #tpu.memory_space<vmem_shared>> -> memref<256xf32, #tpu.memory_space<vmem_shared>>
    %dma_start3A_244 = arith.constant 0 : i32
    %dma_start3A_245 = tpu.memref_slice %arg8[%dma_start3A_239, %dma_start3A_244] : memref<16x256xf32, #tpu.memory_space<vmem>> -> memref<1x256xf32, #tpu.memory_space<vmem>>
    %dma_start3A_246 = tpu.memref_squeeze %dma_start3A_245 : memref<1x256xf32, #tpu.memory_space<vmem>> -> memref<256xf32, #tpu.memory_space<vmem>>
    %dma_start3A_247 = tpu.memref_slice %arg9[%mul3A_238] : memref<65536xf32, #tpu.memory_space<vmem_shared>> -> memref<256xf32, #tpu.memory_space<vmem_shared>>
    tpu.enqueue_dma source(%dma_start3A_247 : memref<256xf32, #tpu.memory_space<vmem_shared>>) target(%dma_start3A_246 : memref<256xf32, #tpu.memory_space<vmem>>) target_semaphore(%arg10 : memref<!tpu.dma_semaphore, #tpu.memory_space<semaphore_mem>>)
    %mul3A_248 = arith.constant 16 : i32
    %mul3A_249 = arith.muli %arg1, %mul3A_248 : i32
    %add3A_250 = arith.constant 15 : i32
    %add3A_251 = arith.addi %mul3A_249, %add3A_250 : i32
    %mul3A_252 = arith.constant 256 : i32
    %mul3A_253 = arith.muli %add3A_251, %mul3A_252 : i32
    %dma_start3A_254 = arith.constant 15 : i32
    %dma_start3A_255 = arith.constant 0 : i32
    %dma_start3A_256 = tpu.memref_slice %arg8[%dma_start3A_254, %dma_start3A_255] : memref<16x256xf32, #tpu.memory_space<vmem>> -> memref<1x256xf32, #tpu.memory_space<vmem>>
    %dma_start3A_257 = tpu.memref_squeeze %dma_start3A_256 : memref<1x256xf32, #tpu.memory_space<vmem>> -> memref<256xf32, #tpu.memory_space<vmem>>
    %dma_start3A_258 = tpu.memref_slice %arg9[%mul3A_253] : memref<65536xf32, #tpu.memory_space<vmem_shared>> -> memref<256xf32, #tpu.memory_space<vmem_shared>>
    %dma_start3A_259 = arith.constant 0 : i32
    %dma_start3A_260 = tpu.memref_slice %arg8[%dma_start3A_254, %dma_start3A_259] : memref<16x256xf32, #tpu.memory_space<vmem>> -> memref<1x256xf32, #tpu.memory_space<vmem>>
    %dma_start3A_261 = tpu.memref_squeeze %dma_start3A_260 : memref<1x256xf32, #tpu.memory_space<vmem>> -> memref<256xf32, #tpu.memory_space<vmem>>
    %dma_start3A_262 = tpu.memref_slice %arg9[%mul3A_253] : memref<65536xf32, #tpu.memory_space<vmem_shared>> -> memref<256xf32, #tpu.memory_space<vmem_shared>>
    tpu.enqueue_dma source(%dma_start3A_262 : memref<256xf32, #tpu.memory_space<vmem_shared>>) target(%dma_start3A_261 : memref<256xf32, #tpu.memory_space<vmem>>) target_semaphore(%arg10 : memref<!tpu.dma_semaphore, #tpu.memory_space<semaphore_mem>>)
    %dma_wait3A_263 = arith.constant 0 : i32
    %dma_wait3A_264 = arith.constant 0 : i32
    %dma_wait3A_265 = tpu.memref_slice %arg8[%dma_wait3A_263, %dma_wait3A_264] : memref<16x256xf32, #tpu.memory_space<vmem>> -> memref<1x256xf32, #tpu.memory_space<vmem>>
    %dma_wait3A_266 = tpu.memref_squeeze %dma_wait3A_265 : memref<1x256xf32, #tpu.memory_space<vmem>> -> memref<256xf32, #tpu.memory_space<vmem>>
    %dma_wait3A_267 = tpu.memref_slice %arg9[%mul3A_28] : memref<65536xf32, #tpu.memory_space<vmem_shared>> -> memref<256xf32, #tpu.memory_space<vmem_shared>>
    %dma_wait3A_268 = arith.constant 0 : i32
    %dma_wait3A_269 = tpu.memref_slice %arg8[%dma_wait3A_263, %dma_wait3A_268] : memref<16x256xf32, #tpu.memory_space<vmem>> -> memref<1x256xf32, #tpu.memory_space<vmem>>
    %dma_wait3A_270 = tpu.memref_squeeze %dma_wait3A_269 : memref<1x256xf32, #tpu.memory_space<vmem>> -> memref<256xf32, #tpu.memory_space<vmem>>
    %dma_wait3A_271 = tpu.memref_slice %arg9[%mul3A_28] : memref<65536xf32, #tpu.memory_space<vmem_shared>> -> memref<256xf32, #tpu.memory_space<vmem_shared>>
    tpu.wait_dma2 semaphore(%arg10 : memref<!tpu.dma_semaphore, #tpu.memory_space<semaphore_mem>>) src(%dma_wait3A_271 : memref<256xf32, #tpu.memory_space<vmem_shared>>) dst(%dma_wait3A_270 : memref<256xf32, #tpu.memory_space<vmem>>)
    %dma_wait3A_272 = arith.constant 1 : i32
    %dma_wait3A_273 = arith.constant 0 : i32
    %dma_wait3A_274 = tpu.memref_slice %arg8[%dma_wait3A_272, %dma_wait3A_273] : memref<16x256xf32, #tpu.memory_space<vmem>> -> memref<1x256xf32, #tpu.memory_space<vmem>>
    %dma_wait3A_275 = tpu.memref_squeeze %dma_wait3A_274 : memref<1x256xf32, #tpu.memory_space<vmem>> -> memref<256xf32, #tpu.memory_space<vmem>>
    %dma_wait3A_276 = tpu.memref_slice %arg9[%mul3A_43] : memref<65536xf32, #tpu.memory_space<vmem_shared>> -> memref<256xf32, #tpu.memory_space<vmem_shared>>
    %dma_wait3A_277 = arith.constant 0 : i32
    %dma_wait3A_278 = tpu.memref_slice %arg8[%dma_wait3A_272, %dma_wait3A_277] : memref<16x256xf32, #tpu.memory_space<vmem>> -> memref<1x256xf32, #tpu.memory_space<vmem>>
    %dma_wait3A_279 = tpu.memref_squeeze %dma_wait3A_278 : memref<1x256xf32, #tpu.memory_space<vmem>> -> memref<256xf32, #tpu.memory_space<vmem>>
    %dma_wait3A_280 = tpu.memref_slice %arg9[%mul3A_43] : memref<65536xf32, #tpu.memory_space<vmem_shared>> -> memref<256xf32, #tpu.memory_space<vmem_shared>>
    tpu.wait_dma2 semaphore(%arg10 : memref<!tpu.dma_semaphore, #tpu.memory_space<semaphore_mem>>) src(%dma_wait3A_280 : memref<256xf32, #tpu.memory_space<vmem_shared>>) dst(%dma_wait3A_279 : memref<256xf32, #tpu.memory_space<vmem>>)
    %dma_wait3A_281 = arith.constant 2 : i32
    %dma_wait3A_282 = arith.constant 0 : i32
    %dma_wait3A_283 = tpu.memref_slice %arg8[%dma_wait3A_281, %dma_wait3A_282] : memref<16x256xf32, #tpu.memory_space<vmem>> -> memref<1x256xf32, #tpu.memory_space<vmem>>
    %dma_wait3A_284 = tpu.memref_squeeze %dma_wait3A_283 : memref<1x256xf32, #tpu.memory_space<vmem>> -> memref<256xf32, #tpu.memory_space<vmem>>
    %dma_wait3A_285 = tpu.memref_slice %arg9[%mul3A_58] : memref<65536xf32, #tpu.memory_space<vmem_shared>> -> memref<256xf32, #tpu.memory_space<vmem_shared>>
    %dma_wait3A_286 = arith.constant 0 : i32
    %dma_wait3A_287 = tpu.memref_slice %arg8[%dma_wait3A_281, %dma_wait3A_286] : memref<16x256xf32, #tpu.memory_space<vmem>> -> memref<1x256xf32, #tpu.memory_space<vmem>>
    %dma_wait3A_288 = tpu.memref_squeeze %dma_wait3A_287 : memref<1x256xf32, #tpu.memory_space<vmem>> -> memref<256xf32, #tpu.memory_space<vmem>>
    %dma_wait3A_289 = tpu.memref_slice %arg9[%mul3A_58] : memref<65536xf32, #tpu.memory_space<vmem_shared>> -> memref<256xf32, #tpu.memory_space<vmem_shared>>
    tpu.wait_dma2 semaphore(%arg10 : memref<!tpu.dma_semaphore, #tpu.memory_space<semaphore_mem>>) src(%dma_wait3A_289 : memref<256xf32, #tpu.memory_space<vmem_shared>>) dst(%dma_wait3A_288 : memref<256xf32, #tpu.memory_space<vmem>>)
    %dma_wait3A_290 = arith.constant 3 : i32
    %dma_wait3A_291 = arith.constant 0 : i32
    %dma_wait3A_292 = tpu.memref_slice %arg8[%dma_wait3A_290, %dma_wait3A_291] : memref<16x256xf32, #tpu.memory_space<vmem>> -> memref<1x256xf32, #tpu.memory_space<vmem>>
    %dma_wait3A_293 = tpu.memref_squeeze %dma_wait3A_292 : memref<1x256xf32, #tpu.memory_space<vmem>> -> memref<256xf32, #tpu.memory_space<vmem>>
    %dma_wait3A_294 = tpu.memref_slice %arg9[%mul3A_73] : memref<65536xf32, #tpu.memory_space<vmem_shared>> -> memref<256xf32, #tpu.memory_space<vmem_shared>>
    %dma_wait3A_295 = arith.constant 0 : i32
    %dma_wait3A_296 = tpu.memref_slice %arg8[%dma_wait3A_290, %dma_wait3A_295] : memref<16x256xf32, #tpu.memory_space<vmem>> -> memref<1x256xf32, #tpu.memory_space<vmem>>
    %dma_wait3A_297 = tpu.memref_squeeze %dma_wait3A_296 : memref<1x256xf32, #tpu.memory_space<vmem>> -> memref<256xf32, #tpu.memory_space<vmem>>
    %dma_wait3A_298 = tpu.memref_slice %arg9[%mul3A_73] : memref<65536xf32, #tpu.memory_space<vmem_shared>> -> memref<256xf32, #tpu.memory_space<vmem_shared>>
    tpu.wait_dma2 semaphore(%arg10 : memref<!tpu.dma_semaphore, #tpu.memory_space<semaphore_mem>>) src(%dma_wait3A_298 : memref<256xf32, #tpu.memory_space<vmem_shared>>) dst(%dma_wait3A_297 : memref<256xf32, #tpu.memory_space<vmem>>)
    %dma_wait3A_299 = arith.constant 4 : i32
    %dma_wait3A_300 = arith.constant 0 : i32
    %dma_wait3A_301 = tpu.memref_slice %arg8[%dma_wait3A_299, %dma_wait3A_300] : memref<16x256xf32, #tpu.memory_space<vmem>> -> memref<1x256xf32, #tpu.memory_space<vmem>>
    %dma_wait3A_302 = tpu.memref_squeeze %dma_wait3A_301 : memref<1x256xf32, #tpu.memory_space<vmem>> -> memref<256xf32, #tpu.memory_space<vmem>>
    %dma_wait3A_303 = tpu.memref_slice %arg9[%mul3A_88] : memref<65536xf32, #tpu.memory_space<vmem_shared>> -> memref<256xf32, #tpu.memory_space<vmem_shared>>
    %dma_wait3A_304 = arith.constant 0 : i32
    %dma_wait3A_305 = tpu.memref_slice %arg8[%dma_wait3A_299, %dma_wait3A_304] : memref<16x256xf32, #tpu.memory_space<vmem>> -> memref<1x256xf32, #tpu.memory_space<vmem>>
    %dma_wait3A_306 = tpu.memref_squeeze %dma_wait3A_305 : memref<1x256xf32, #tpu.memory_space<vmem>> -> memref<256xf32, #tpu.memory_space<vmem>>
    %dma_wait3A_307 = tpu.memref_slice %arg9[%mul3A_88] : memref<65536xf32, #tpu.memory_space<vmem_shared>> -> memref<256xf32, #tpu.memory_space<vmem_shared>>
    tpu.wait_dma2 semaphore(%arg10 : memref<!tpu.dma_semaphore, #tpu.memory_space<semaphore_mem>>) src(%dma_wait3A_307 : memref<256xf32, #tpu.memory_space<vmem_shared>>) dst(%dma_wait3A_306 : memref<256xf32, #tpu.memory_space<vmem>>)
    %dma_wait3A_308 = arith.constant 5 : i32
    %dma_wait3A_309 = arith.constant 0 : i32
    %dma_wait3A_310 = tpu.memref_slice %arg8[%dma_wait3A_308, %dma_wait3A_309] : memref<16x256xf32, #tpu.memory_space<vmem>> -> memref<1x256xf32, #tpu.memory_space<vmem>>
    %dma_wait3A_311 = tpu.memref_squeeze %dma_wait3A_310 : memref<1x256xf32, #tpu.memory_space<vmem>> -> memref<256xf32, #tpu.memory_space<vmem>>
    %dma_wait3A_312 = tpu.memref_slice %arg9[%mul3A_103] : memref<65536xf32, #tpu.memory_space<vmem_shared>> -> memref<256xf32, #tpu.memory_space<vmem_shared>>
    %dma_wait3A_313 = arith.constant 0 : i32
    %dma_wait3A_314 = tpu.memref_slice %arg8[%dma_wait3A_308, %dma_wait3A_313] : memref<16x256xf32, #tpu.memory_space<vmem>> -> memref<1x256xf32, #tpu.memory_space<vmem>>
    %dma_wait3A_315 = tpu.memref_squeeze %dma_wait3A_314 : memref<1x256xf32, #tpu.memory_space<vmem>> -> memref<256xf32, #tpu.memory_space<vmem>>
    %dma_wait3A_316 = tpu.memref_slice %arg9[%mul3A_103] : memref<65536xf32, #tpu.memory_space<vmem_shared>> -> memref<256xf32, #tpu.memory_space<vmem_shared>>
    tpu.wait_dma2 semaphore(%arg10 : memref<!tpu.dma_semaphore, #tpu.memory_space<semaphore_mem>>) src(%dma_wait3A_316 : memref<256xf32, #tpu.memory_space<vmem_shared>>) dst(%dma_wait3A_315 : memref<256xf32, #tpu.memory_space<vmem>>)
    %dma_wait3A_317 = arith.constant 6 : i32
    %dma_wait3A_318 = arith.constant 0 : i32
    %dma_wait3A_319 = tpu.memref_slice %arg8[%dma_wait3A_317, %dma_wait3A_318] : memref<16x256xf32, #tpu.memory_space<vmem>> -> memref<1x256xf32, #tpu.memory_space<vmem>>
    %dma_wait3A_320 = tpu.memref_squeeze %dma_wait3A_319 : memref<1x256xf32, #tpu.memory_space<vmem>> -> memref<256xf32, #tpu.memory_space<vmem>>
    %dma_wait3A_321 = tpu.memref_slice %arg9[%mul3A_118] : memref<65536xf32, #tpu.memory_space<vmem_shared>> -> memref<256xf32, #tpu.memory_space<vmem_shared>>
    %dma_wait3A_322 = arith.constant 0 : i32
    %dma_wait3A_323 = tpu.memref_slice %arg8[%dma_wait3A_317, %dma_wait3A_322] : memref<16x256xf32, #tpu.memory_space<vmem>> -> memref<1x256xf32, #tpu.memory_space<vmem>>
    %dma_wait3A_324 = tpu.memref_squeeze %dma_wait3A_323 : memref<1x256xf32, #tpu.memory_space<vmem>> -> memref<256xf32, #tpu.memory_space<vmem>>
    %dma_wait3A_325 = tpu.memref_slice %arg9[%mul3A_118] : memref<65536xf32, #tpu.memory_space<vmem_shared>> -> memref<256xf32, #tpu.memory_space<vmem_shared>>
    tpu.wait_dma2 semaphore(%arg10 : memref<!tpu.dma_semaphore, #tpu.memory_space<semaphore_mem>>) src(%dma_wait3A_325 : memref<256xf32, #tpu.memory_space<vmem_shared>>) dst(%dma_wait3A_324 : memref<256xf32, #tpu.memory_space<vmem>>)
    %dma_wait3A_326 = arith.constant 7 : i32
    %dma_wait3A_327 = arith.constant 0 : i32
    %dma_wait3A_328 = tpu.memref_slice %arg8[%dma_wait3A_326, %dma_wait3A_327] : memref<16x256xf32, #tpu.memory_space<vmem>> -> memref<1x256xf32, #tpu.memory_space<vmem>>
    %dma_wait3A_329 = tpu.memref_squeeze %dma_wait3A_328 : memref<1x256xf32, #tpu.memory_space<vmem>> -> memref<256xf32, #tpu.memory_space<vmem>>
    %dma_wait3A_330 = tpu.memref_slice %arg9[%mul3A_133] : memref<65536xf32, #tpu.memory_space<vmem_shared>> -> memref<256xf32, #tpu.memory_space<vmem_shared>>
    %dma_wait3A_331 = arith.constant 0 : i32
    %dma_wait3A_332 = tpu.memref_slice %arg8[%dma_wait3A_326, %dma_wait3A_331] : memref<16x256xf32, #tpu.memory_space<vmem>> -> memref<1x256xf32, #tpu.memory_space<vmem>>
    %dma_wait3A_333 = tpu.memref_squeeze %dma_wait3A_332 : memref<1x256xf32, #tpu.memory_space<vmem>> -> memref<256xf32, #tpu.memory_space<vmem>>
    %dma_wait3A_334 = tpu.memref_slice %arg9[%mul3A_133] : memref<65536xf32, #tpu.memory_space<vmem_shared>> -> memref<256xf32, #tpu.memory_space<vmem_shared>>
    tpu.wait_dma2 semaphore(%arg10 : memref<!tpu.dma_semaphore, #tpu.memory_space<semaphore_mem>>) src(%dma_wait3A_334 : memref<256xf32, #tpu.memory_space<vmem_shared>>) dst(%dma_wait3A_333 : memref<256xf32, #tpu.memory_space<vmem>>)
    %dma_wait3A_335 = arith.constant 8 : i32
    %dma_wait3A_336 = arith.constant 0 : i32
    %dma_wait3A_337 = tpu.memref_slice %arg8[%dma_wait3A_335, %dma_wait3A_336] : memref<16x256xf32, #tpu.memory_space<vmem>> -> memref<1x256xf32, #tpu.memory_space<vmem>>
    %dma_wait3A_338 = tpu.memref_squeeze %dma_wait3A_337 : memref<1x256xf32, #tpu.memory_space<vmem>> -> memref<256xf32, #tpu.memory_space<vmem>>
    %dma_wait3A_339 = tpu.memref_slice %arg9[%mul3A_148] : memref<65536xf32, #tpu.memory_space<vmem_shared>> -> memref<256xf32, #tpu.memory_space<vmem_shared>>
    %dma_wait3A_340 = arith.constant 0 : i32
    %dma_wait3A_341 = tpu.memref_slice %arg8[%dma_wait3A_335, %dma_wait3A_340] : memref<16x256xf32, #tpu.memory_space<vmem>> -> memref<1x256xf32, #tpu.memory_space<vmem>>
    %dma_wait3A_342 = tpu.memref_squeeze %dma_wait3A_341 : memref<1x256xf32, #tpu.memory_space<vmem>> -> memref<256xf32, #tpu.memory_space<vmem>>
    %dma_wait3A_343 = tpu.memref_slice %arg9[%mul3A_148] : memref<65536xf32, #tpu.memory_space<vmem_shared>> -> memref<256xf32, #tpu.memory_space<vmem_shared>>
    tpu.wait_dma2 semaphore(%arg10 : memref<!tpu.dma_semaphore, #tpu.memory_space<semaphore_mem>>) src(%dma_wait3A_343 : memref<256xf32, #tpu.memory_space<vmem_shared>>) dst(%dma_wait3A_342 : memref<256xf32, #tpu.memory_space<vmem>>)
    %dma_wait3A_344 = arith.constant 9 : i32
    %dma_wait3A_345 = arith.constant 0 : i32
    %dma_wait3A_346 = tpu.memref_slice %arg8[%dma_wait3A_344, %dma_wait3A_345] : memref<16x256xf32, #tpu.memory_space<vmem>> -> memref<1x256xf32, #tpu.memory_space<vmem>>
    %dma_wait3A_347 = tpu.memref_squeeze %dma_wait3A_346 : memref<1x256xf32, #tpu.memory_space<vmem>> -> memref<256xf32, #tpu.memory_space<vmem>>
    %dma_wait3A_348 = tpu.memref_slice %arg9[%mul3A_163] : memref<65536xf32, #tpu.memory_space<vmem_shared>> -> memref<256xf32, #tpu.memory_space<vmem_shared>>
    %dma_wait3A_349 = arith.constant 0 : i32
    %dma_wait3A_350 = tpu.memref_slice %arg8[%dma_wait3A_344, %dma_wait3A_349] : memref<16x256xf32, #tpu.memory_space<vmem>> -> memref<1x256xf32, #tpu.memory_space<vmem>>
    %dma_wait3A_351 = tpu.memref_squeeze %dma_wait3A_350 : memref<1x256xf32, #tpu.memory_space<vmem>> -> memref<256xf32, #tpu.memory_space<vmem>>
    %dma_wait3A_352 = tpu.memref_slice %arg9[%mul3A_163] : memref<65536xf32, #tpu.memory_space<vmem_shared>> -> memref<256xf32, #tpu.memory_space<vmem_shared>>
    tpu.wait_dma2 semaphore(%arg10 : memref<!tpu.dma_semaphore, #tpu.memory_space<semaphore_mem>>) src(%dma_wait3A_352 : memref<256xf32, #tpu.memory_space<vmem_shared>>) dst(%dma_wait3A_351 : memref<256xf32, #tpu.memory_space<vmem>>)
    %dma_wait3A_353 = arith.constant 10 : i32
    %dma_wait3A_354 = arith.constant 0 : i32
    %dma_wait3A_355 = tpu.memref_slice %arg8[%dma_wait3A_353, %dma_wait3A_354] : memref<16x256xf32, #tpu.memory_space<vmem>> -> memref<1x256xf32, #tpu.memory_space<vmem>>
    %dma_wait3A_356 = tpu.memref_squeeze %dma_wait3A_355 : memref<1x256xf32, #tpu.memory_space<vmem>> -> memref<256xf32, #tpu.memory_space<vmem>>
    %dma_wait3A_357 = tpu.memref_slice %arg9[%mul3A_178] : memref<65536xf32, #tpu.memory_space<vmem_shared>> -> memref<256xf32, #tpu.memory_space<vmem_shared>>
    %dma_wait3A_358 = arith.constant 0 : i32
    %dma_wait3A_359 = tpu.memref_slice %arg8[%dma_wait3A_353, %dma_wait3A_358] : memref<16x256xf32, #tpu.memory_space<vmem>> -> memref<1x256xf32, #tpu.memory_space<vmem>>
    %dma_wait3A_360 = tpu.memref_squeeze %dma_wait3A_359 : memref<1x256xf32, #tpu.memory_space<vmem>> -> memref<256xf32, #tpu.memory_space<vmem>>
    %dma_wait3A_361 = tpu.memref_slice %arg9[%mul3A_178] : memref<65536xf32, #tpu.memory_space<vmem_shared>> -> memref<256xf32, #tpu.memory_space<vmem_shared>>
    tpu.wait_dma2 semaphore(%arg10 : memref<!tpu.dma_semaphore, #tpu.memory_space<semaphore_mem>>) src(%dma_wait3A_361 : memref<256xf32, #tpu.memory_space<vmem_shared>>) dst(%dma_wait3A_360 : memref<256xf32, #tpu.memory_space<vmem>>)
    %dma_wait3A_362 = arith.constant 11 : i32
    %dma_wait3A_363 = arith.constant 0 : i32
    %dma_wait3A_364 = tpu.memref_slice %arg8[%dma_wait3A_362, %dma_wait3A_363] : memref<16x256xf32, #tpu.memory_space<vmem>> -> memref<1x256xf32, #tpu.memory_space<vmem>>
    %dma_wait3A_365 = tpu.memref_squeeze %dma_wait3A_364 : memref<1x256xf32, #tpu.memory_space<vmem>> -> memref<256xf32, #tpu.memory_space<vmem>>
    %dma_wait3A_366 = tpu.memref_slice %arg9[%mul3A_193] : memref<65536xf32, #tpu.memory_space<vmem_shared>> -> memref<256xf32, #tpu.memory_space<vmem_shared>>
    %dma_wait3A_367 = arith.constant 0 : i32
    %dma_wait3A_368 = tpu.memref_slice %arg8[%dma_wait3A_362, %dma_wait3A_367] : memref<16x256xf32, #tpu.memory_space<vmem>> -> memref<1x256xf32, #tpu.memory_space<vmem>>
    %dma_wait3A_369 = tpu.memref_squeeze %dma_wait3A_368 : memref<1x256xf32, #tpu.memory_space<vmem>> -> memref<256xf32, #tpu.memory_space<vmem>>
    %dma_wait3A_370 = tpu.memref_slice %arg9[%mul3A_193] : memref<65536xf32, #tpu.memory_space<vmem_shared>> -> memref<256xf32, #tpu.memory_space<vmem_shared>>
    tpu.wait_dma2 semaphore(%arg10 : memref<!tpu.dma_semaphore, #tpu.memory_space<semaphore_mem>>) src(%dma_wait3A_370 : memref<256xf32, #tpu.memory_space<vmem_shared>>) dst(%dma_wait3A_369 : memref<256xf32, #tpu.memory_space<vmem>>)
    %dma_wait3A_371 = arith.constant 12 : i32
    %dma_wait3A_372 = arith.constant 0 : i32
    %dma_wait3A_373 = tpu.memref_slice %arg8[%dma_wait3A_371, %dma_wait3A_372] : memref<16x256xf32, #tpu.memory_space<vmem>> -> memref<1x256xf32, #tpu.memory_space<vmem>>
    %dma_wait3A_374 = tpu.memref_squeeze %dma_wait3A_373 : memref<1x256xf32, #tpu.memory_space<vmem>> -> memref<256xf32, #tpu.memory_space<vmem>>
    %dma_wait3A_375 = tpu.memref_slice %arg9[%mul3A_208] : memref<65536xf32, #tpu.memory_space<vmem_shared>> -> memref<256xf32, #tpu.memory_space<vmem_shared>>
    %dma_wait3A_376 = arith.constant 0 : i32
    %dma_wait3A_377 = tpu.memref_slice %arg8[%dma_wait3A_371, %dma_wait3A_376] : memref<16x256xf32, #tpu.memory_space<vmem>> -> memref<1x256xf32, #tpu.memory_space<vmem>>
    %dma_wait3A_378 = tpu.memref_squeeze %dma_wait3A_377 : memref<1x256xf32, #tpu.memory_space<vmem>> -> memref<256xf32, #tpu.memory_space<vmem>>
    %dma_wait3A_379 = tpu.memref_slice %arg9[%mul3A_208] : memref<65536xf32, #tpu.memory_space<vmem_shared>> -> memref<256xf32, #tpu.memory_space<vmem_shared>>
    tpu.wait_dma2 semaphore(%arg10 : memref<!tpu.dma_semaphore, #tpu.memory_space<semaphore_mem>>) src(%dma_wait3A_379 : memref<256xf32, #tpu.memory_space<vmem_shared>>) dst(%dma_wait3A_378 : memref<256xf32, #tpu.memory_space<vmem>>)
    %dma_wait3A_380 = arith.constant 13 : i32
    %dma_wait3A_381 = arith.constant 0 : i32
    %dma_wait3A_382 = tpu.memref_slice %arg8[%dma_wait3A_380, %dma_wait3A_381] : memref<16x256xf32, #tpu.memory_space<vmem>> -> memref<1x256xf32, #tpu.memory_space<vmem>>
    %dma_wait3A_383 = tpu.memref_squeeze %dma_wait3A_382 : memref<1x256xf32, #tpu.memory_space<vmem>> -> memref<256xf32, #tpu.memory_space<vmem>>
    %dma_wait3A_384 = tpu.memref_slice %arg9[%mul3A_223] : memref<65536xf32, #tpu.memory_space<vmem_shared>> -> memref<256xf32, #tpu.memory_space<vmem_shared>>
    %dma_wait3A_385 = arith.constant 0 : i32
    %dma_wait3A_386 = tpu.memref_slice %arg8[%dma_wait3A_380, %dma_wait3A_385] : memref<16x256xf32, #tpu.memory_space<vmem>> -> memref<1x256xf32, #tpu.memory_space<vmem>>
    %dma_wait3A_387 = tpu.memref_squeeze %dma_wait3A_386 : memref<1x256xf32, #tpu.memory_space<vmem>> -> memref<256xf32, #tpu.memory_space<vmem>>
    %dma_wait3A_388 = tpu.memref_slice %arg9[%mul3A_223] : memref<65536xf32, #tpu.memory_space<vmem_shared>> -> memref<256xf32, #tpu.memory_space<vmem_shared>>
    tpu.wait_dma2 semaphore(%arg10 : memref<!tpu.dma_semaphore, #tpu.memory_space<semaphore_mem>>) src(%dma_wait3A_388 : memref<256xf32, #tpu.memory_space<vmem_shared>>) dst(%dma_wait3A_387 : memref<256xf32, #tpu.memory_space<vmem>>)
    %dma_wait3A_389 = arith.constant 14 : i32
    %dma_wait3A_390 = arith.constant 0 : i32
    %dma_wait3A_391 = tpu.memref_slice %arg8[%dma_wait3A_389, %dma_wait3A_390] : memref<16x256xf32, #tpu.memory_space<vmem>> -> memref<1x256xf32, #tpu.memory_space<vmem>>
    %dma_wait3A_392 = tpu.memref_squeeze %dma_wait3A_391 : memref<1x256xf32, #tpu.memory_space<vmem>> -> memref<256xf32, #tpu.memory_space<vmem>>
    %dma_wait3A_393 = tpu.memref_slice %arg9[%mul3A_238] : memref<65536xf32, #tpu.memory_space<vmem_shared>> -> memref<256xf32, #tpu.memory_space<vmem_shared>>
    %dma_wait3A_394 = arith.constant 0 : i32
    %dma_wait3A_395 = tpu.memref_slice %arg8[%dma_wait3A_389, %dma_wait3A_394] : memref<16x256xf32, #tpu.memory_space<vmem>> -> memref<1x256xf32, #tpu.memory_space<vmem>>
    %dma_wait3A_396 = tpu.memref_squeeze %dma_wait3A_395 : memref<1x256xf32, #tpu.memory_space<vmem>> -> memref<256xf32, #tpu.memory_space<vmem>>
    %dma_wait3A_397 = tpu.memref_slice %arg9[%mul3A_238] : memref<65536xf32, #tpu.memory_space<vmem_shared>> -> memref<256xf32, #tpu.memory_space<vmem_shared>>
    tpu.wait_dma2 semaphore(%arg10 : memref<!tpu.dma_semaphore, #tpu.memory_space<semaphore_mem>>) src(%dma_wait3A_397 : memref<256xf32, #tpu.memory_space<vmem_shared>>) dst(%dma_wait3A_396 : memref<256xf32, #tpu.memory_space<vmem>>)
    %dma_wait3A_398 = arith.constant 15 : i32
    %dma_wait3A_399 = arith.constant 0 : i32
    %dma_wait3A_400 = tpu.memref_slice %arg8[%dma_wait3A_398, %dma_wait3A_399] : memref<16x256xf32, #tpu.memory_space<vmem>> -> memref<1x256xf32, #tpu.memory_space<vmem>>
    %dma_wait3A_401 = tpu.memref_squeeze %dma_wait3A_400 : memref<1x256xf32, #tpu.memory_space<vmem>> -> memref<256xf32, #tpu.memory_space<vmem>>
    %dma_wait3A_402 = tpu.memref_slice %arg9[%mul3A_253] : memref<65536xf32, #tpu.memory_space<vmem_shared>> -> memref<256xf32, #tpu.memory_space<vmem_shared>>
    %dma_wait3A_403 = arith.constant 0 : i32
    %dma_wait3A_404 = tpu.memref_slice %arg8[%dma_wait3A_398, %dma_wait3A_403] : memref<16x256xf32, #tpu.memory_space<vmem>> -> memref<1x256xf32, #tpu.memory_space<vmem>>
    %dma_wait3A_405 = tpu.memref_squeeze %dma_wait3A_404 : memref<1x256xf32, #tpu.memory_space<vmem>> -> memref<256xf32, #tpu.memory_space<vmem>>
    %dma_wait3A_406 = tpu.memref_slice %arg9[%mul3A_253] : memref<65536xf32, #tpu.memory_space<vmem_shared>> -> memref<256xf32, #tpu.memory_space<vmem_shared>>
    tpu.wait_dma2 semaphore(%arg10 : memref<!tpu.dma_semaphore, #tpu.memory_space<semaphore_mem>>) src(%dma_wait3A_406 : memref<256xf32, #tpu.memory_space<vmem_shared>>) dst(%dma_wait3A_405 : memref<256xf32, #tpu.memory_space<vmem>>)
    %mul3A_407 = arith.constant 256 : i32
    %mul3A_408 = arith.muli %arg0, %mul3A_407 : i32
    %mul3A_409 = arith.constant 16 : i32
    %mul3A_410 = arith.muli %arg1, %mul3A_409 : i32
    %add3A_411 = arith.addi %mul3A_408, %mul3A_410 : i32
    "tpu.region"() ({
      %run_scoped3A = tpu.sem_alloc : memref<!tpu.dma_semaphore, #tpu.memory_space<semaphore_mem>>
      %dma_start3A_412 = arith.constant 0 : i32
      %dma_start3A_413 = tpu.memref_slice %arg3[%add3A_411, %dma_start3A_412] : memref<512x256xf32, #tpu.memory_space<hbm>> -> memref<16x256xf32, #tpu.memory_space<hbm>>
      %dma_start3A_414 = arith.constant 0 : i32
      %dma_start3A_415 = tpu.memref_slice %arg3[%add3A_411, %dma_start3A_414] : memref<512x256xf32, #tpu.memory_space<hbm>> -> memref<16x256xf32, #tpu.memory_space<hbm>>
      tpu.enqueue_dma source(%arg8 : memref<16x256xf32, #tpu.memory_space<vmem>>) target(%dma_start3A_415 : memref<16x256xf32, #tpu.memory_space<hbm>>) target_semaphore(%run_scoped3A : memref<!tpu.dma_semaphore, #tpu.memory_space<semaphore_mem>>)
      %dma_wait3A_416 = arith.constant 0 : i32
      %dma_wait3A_417 = tpu.memref_slice %arg3[%add3A_411, %dma_wait3A_416] : memref<512x256xf32, #tpu.memory_space<hbm>> -> memref<16x256xf32, #tpu.memory_space<hbm>>
      %dma_wait3A_418 = arith.constant 0 : i32
      %dma_wait3A_419 = tpu.memref_slice %arg3[%add3A_411, %dma_wait3A_418] : memref<512x256xf32, #tpu.memory_space<hbm>> -> memref<16x256xf32, #tpu.memory_space<hbm>>
      tpu.wait_dma2 semaphore(%run_scoped3A : memref<!tpu.dma_semaphore, #tpu.memory_space<semaphore_mem>>) src(%arg8 : memref<16x256xf32, #tpu.memory_space<vmem>>) dst(%dma_wait3A_419 : memref<16x256xf32, #tpu.memory_space<hbm>>)
      tpu.yield
    }) : () -> ()
    return
  }
}

module attributes {stable_mosaic.version = 14 : i64} {
  func.func @_tc_pre_body(%arg0: memref<248x512xf32, #tpu.memory_space<vmem>>, %arg1: memref<256x512xf32, #tpu.memory_space<vmem>>, %arg2: memref<1x256xf32, #tpu.memory_space<vmem>>, %arg3: memref<256x512xf32, #tpu.memory_space<vmem>>, %arg4: memref<1x256xf32, #tpu.memory_space<vmem>>, %arg5: memref<256x512xf32, #tpu.memory_space<vmem>>, %arg6: memref<256x256xf32, #tpu.memory_space<vmem>>, %arg7: memref<256x256xf32, #tpu.memory_space<vmem>>, %arg8: memref<128x256xf32, #tpu.memory_space<vmem>>, %arg9: memref<128x256xf32, #tpu.memory_space<vmem>>, %arg10: memref<248x256xbf16, #tpu.memory_space<vmem>>, %arg11: memref<248x256xbf16, #tpu.memory_space<vmem>>, %arg12: memref<248x512xbf16, #tpu.memory_space<vmem>>, %arg13: memref<256x512xbf16, #tpu.memory_space<vmem>>, %arg14: memref<256x256xbf16, #tpu.memory_space<vmem>>, %arg15: memref<256x256xbf16, #tpu.memory_space<vmem>>, %arg16: memref<128x256xbf16, #tpu.memory_space<vmem>>, %arg17: memref<128x256xbf16, #tpu.memory_space<vmem>>) attributes {dimension_semantics = [], scalar_prefetch = 0 : i64, scratch_operands = 0 : i64, tpu.core_type = #tpu.core_type<tc>} {
    %get3A = arith.constant 0 : index
    %get3A_0 = arith.constant 0 : index
    %get3A_1 = vector.load %arg0[%get3A, %get3A_0] : memref<248x512xf32, #tpu.memory_space<vmem>>, vector<248x512xf32>
    %get3A_2 = arith.constant 0 : index
    %get3A_3 = arith.constant 0 : index
    %get3A_4 = vector.load %arg1[%get3A_2, %get3A_3] : memref<256x512xf32, #tpu.memory_space<vmem>>, vector<256x512xf32>
    %convert_element_type3A = arith.truncf %get3A_1 : vector<248x512xf32> to vector<248x512xbf16>
    %convert_element_type3A_5 = arith.truncf %get3A_4 : vector<256x512xf32> to vector<256x512xbf16>
    %dot_general3A = arith.constant dense<0.000000e+00> : vector<248x256xf32>
    %dot_general3A_6 = tpu.matmul %convert_element_type3A, %convert_element_type3A_5, %dot_general3A {dimension_numbers = #tpu.dot_dimension_numbers<[1], [1], [0], [0], [0, 0, 1, 0], [], []>, transpose_lhs_hint = false} : vector<248x512xbf16>, vector<256x512xbf16>, vector<248x256xf32> -> vector<248x256xf32>
    %get3A_7 = arith.constant 0 : index
    %get3A_8 = arith.constant 0 : index
    %get3A_9 = vector.load %arg2[%get3A_7, %get3A_8] : memref<1x256xf32, #tpu.memory_space<vmem>>, vector<1x256xf32>
    %add3A = vector.broadcast %get3A_9 : vector<1x256xf32> to vector<248x256xf32>
    %add3A_10 = arith.addf %dot_general3A_6, %add3A : vector<248x256xf32>
    %convert_element_type3A_11 = arith.truncf %add3A_10 : vector<248x256xf32> to vector<248x256xbf16>
    %swap3A = arith.constant 0 : index
    %swap3A_12 = arith.constant 0 : index
    %swap3A_13 = vector.load %arg10[%swap3A, %swap3A_12] : memref<248x256xbf16, #tpu.memory_space<vmem>>, vector<248x256xbf16>
    tpu.vector_store %arg10[%swap3A, %swap3A_12], %convert_element_type3A_11 {strides = array<i32>} : memref<248x256xbf16, #tpu.memory_space<vmem>>, vector<248x256xbf16>,
    %get3A_14 = arith.constant 0 : index
    %get3A_15 = arith.constant 0 : index
    %get3A_16 = vector.load %arg3[%get3A_14, %get3A_15] : memref<256x512xf32, #tpu.memory_space<vmem>>, vector<256x512xf32>
    %convert_element_type3A_17 = arith.truncf %get3A_1 : vector<248x512xf32> to vector<248x512xbf16>
    %convert_element_type3A_18 = arith.truncf %get3A_16 : vector<256x512xf32> to vector<256x512xbf16>
    %dot_general3A_19 = arith.constant dense<0.000000e+00> : vector<248x256xf32>
    %dot_general3A_20 = tpu.matmul %convert_element_type3A_17, %convert_element_type3A_18, %dot_general3A_19 {dimension_numbers = #tpu.dot_dimension_numbers<[1], [1], [0], [0], [0, 0, 1, 0], [], []>, transpose_lhs_hint = false} : vector<248x512xbf16>, vector<256x512xbf16>, vector<248x256xf32> -> vector<248x256xf32>
    %get3A_21 = arith.constant 0 : index
    %get3A_22 = arith.constant 0 : index
    %get3A_23 = vector.load %arg4[%get3A_21, %get3A_22] : memref<1x256xf32, #tpu.memory_space<vmem>>, vector<1x256xf32>
    %add3A_24 = vector.broadcast %get3A_23 : vector<1x256xf32> to vector<248x256xf32>
    %add3A_25 = arith.addf %dot_general3A_20, %add3A_24 : vector<248x256xf32>
    %convert_element_type3A_26 = arith.truncf %add3A_25 : vector<248x256xf32> to vector<248x256xbf16>
    %swap3A_27 = arith.constant 0 : index
    %swap3A_28 = arith.constant 0 : index
    %swap3A_29 = vector.load %arg11[%swap3A_27, %swap3A_28] : memref<248x256xbf16, #tpu.memory_space<vmem>>, vector<248x256xbf16>
    tpu.vector_store %arg11[%swap3A_27, %swap3A_28], %convert_element_type3A_26 {strides = array<i32>} : memref<248x256xbf16, #tpu.memory_space<vmem>>, vector<248x256xbf16>,
    %convert_element_type3A_30 = arith.truncf %get3A_1 : vector<248x512xf32> to vector<248x512xbf16>
    %swap3A_31 = arith.constant 0 : index
    %swap3A_32 = arith.constant 0 : index
    %swap3A_33 = vector.load %arg12[%swap3A_31, %swap3A_32] : memref<248x512xbf16, #tpu.memory_space<vmem>>, vector<248x512xbf16>
    tpu.vector_store %arg12[%swap3A_31, %swap3A_32], %convert_element_type3A_30 {strides = array<i32>} : memref<248x512xbf16, #tpu.memory_space<vmem>>, vector<248x512xbf16>,
    %get3A_34 = arith.constant 0 : index
    %get3A_35 = arith.constant 0 : index
    %get3A_36 = vector.load %arg5[%get3A_34, %get3A_35] : memref<256x512xf32, #tpu.memory_space<vmem>>, vector<256x512xf32>
    %convert_element_type3A_37 = arith.truncf %get3A_36 : vector<256x512xf32> to vector<256x512xbf16>
    %swap3A_38 = arith.constant 0 : index
    %swap3A_39 = arith.constant 0 : index
    %swap3A_40 = vector.load %arg13[%swap3A_38, %swap3A_39] : memref<256x512xbf16, #tpu.memory_space<vmem>>, vector<256x512xbf16>
    tpu.vector_store %arg13[%swap3A_38, %swap3A_39], %convert_element_type3A_37 {strides = array<i32>} : memref<256x512xbf16, #tpu.memory_space<vmem>>, vector<256x512xbf16>,
    %get3A_41 = arith.constant 0 : index
    %get3A_42 = arith.constant 0 : index
    %get3A_43 = vector.load %arg6[%get3A_41, %get3A_42] : memref<256x256xf32, #tpu.memory_space<vmem>>, vector<256x256xf32>
    %convert_element_type3A_44 = arith.truncf %get3A_43 : vector<256x256xf32> to vector<256x256xbf16>
    %swap3A_45 = arith.constant 0 : index
    %swap3A_46 = arith.constant 0 : index
    %swap3A_47 = vector.load %arg14[%swap3A_45, %swap3A_46] : memref<256x256xbf16, #tpu.memory_space<vmem>>, vector<256x256xbf16>
    tpu.vector_store %arg14[%swap3A_45, %swap3A_46], %convert_element_type3A_44 {strides = array<i32>} : memref<256x256xbf16, #tpu.memory_space<vmem>>, vector<256x256xbf16>,
    %get3A_48 = arith.constant 0 : index
    %get3A_49 = arith.constant 0 : index
    %get3A_50 = vector.load %arg7[%get3A_48, %get3A_49] : memref<256x256xf32, #tpu.memory_space<vmem>>, vector<256x256xf32>
    %convert_element_type3A_51 = arith.truncf %get3A_50 : vector<256x256xf32> to vector<256x256xbf16>
    %swap3A_52 = arith.constant 0 : index
    %swap3A_53 = arith.constant 0 : index
    %swap3A_54 = vector.load %arg15[%swap3A_52, %swap3A_53] : memref<256x256xbf16, #tpu.memory_space<vmem>>, vector<256x256xbf16>
    tpu.vector_store %arg15[%swap3A_52, %swap3A_53], %convert_element_type3A_51 {strides = array<i32>} : memref<256x256xbf16, #tpu.memory_space<vmem>>, vector<256x256xbf16>,
    %get3A_55 = arith.constant 0 : index
    %get3A_56 = arith.constant 0 : index
    %get3A_57 = vector.load %arg8[%get3A_55, %get3A_56] : memref<128x256xf32, #tpu.memory_space<vmem>>, vector<128x256xf32>
    %convert_element_type3A_58 = arith.truncf %get3A_57 : vector<128x256xf32> to vector<128x256xbf16>
    %swap3A_59 = arith.constant 0 : index
    %swap3A_60 = arith.constant 0 : index
    %swap3A_61 = vector.load %arg16[%swap3A_59, %swap3A_60] : memref<128x256xbf16, #tpu.memory_space<vmem>>, vector<128x256xbf16>
    tpu.vector_store %arg16[%swap3A_59, %swap3A_60], %convert_element_type3A_58 {strides = array<i32>} : memref<128x256xbf16, #tpu.memory_space<vmem>>, vector<128x256xbf16>,
    %get3A_62 = arith.constant 0 : index
    %get3A_63 = arith.constant 0 : index
    %get3A_64 = vector.load %arg9[%get3A_62, %get3A_63] : memref<128x256xf32, #tpu.memory_space<vmem>>, vector<128x256xf32>
    %convert_element_type3A_65 = arith.truncf %get3A_64 : vector<128x256xf32> to vector<128x256xbf16>
    %swap3A_66 = arith.constant 0 : index
    %swap3A_67 = arith.constant 0 : index
    %swap3A_68 = vector.load %arg17[%swap3A_66, %swap3A_67] : memref<128x256xbf16, #tpu.memory_space<vmem>>, vector<128x256xbf16>
    tpu.vector_store %arg17[%swap3A_66, %swap3A_67], %convert_element_type3A_65 {strides = array<i32>} : memref<128x256xbf16, #tpu.memory_space<vmem>>, vector<128x256xbf16>,
    return
  }
}

module attributes {stable_mosaic.version = 14 : i64} {
  func.func @_tc_body(%arg0: memref<512x256xf32, #tpu.memory_space<vmem>>, %arg1: memref<248x512xbf16, #tpu.memory_space<vmem>>, %arg2: memref<248x256xbf16, #tpu.memory_space<vmem>>, %arg3: memref<248x256xbf16, #tpu.memory_space<vmem>>, %arg4: memref<256x512xbf16, #tpu.memory_space<vmem>>, %arg5: memref<256x256xbf16, #tpu.memory_space<vmem>>, %arg6: memref<256x256xbf16, #tpu.memory_space<vmem>>, %arg7: memref<1x256xf32, #tpu.memory_space<vmem>>, %arg8: memref<128x256xbf16, #tpu.memory_space<vmem>>, %arg9: memref<128x256xbf16, #tpu.memory_space<vmem>>, %arg10: memref<1x128xf32, #tpu.memory_space<vmem>>, %arg11: memref<248x128xf32, #tpu.memory_space<vmem>>) attributes {dimension_semantics = [], scalar_prefetch = 0 : i64, scratch_operands = 0 : i64, tpu.core_type = #tpu.core_type<tc>} {
    %get3A = arith.constant 0 : index
    %get3A_0 = arith.constant 0 : index
    %get3A_1 = vector.load %arg0[%get3A, %get3A_0] : memref<512x256xf32, #tpu.memory_space<vmem>>, vector<248x256xf32>
    %get3A_2 = arith.constant 256 : index
    %get3A_3 = arith.constant 0 : index
    %get3A_4 = vector.load %arg0[%get3A_2, %get3A_3] : memref<512x256xf32, #tpu.memory_space<vmem>>, vector<248x256xf32>
    %add3A = arith.addf %get3A_1, %get3A_4 : vector<248x256xf32>
    %reduce_sum3A = arith.constant dense<0.000000e+00> : vector<256xf32>
    %reduce_sum3A_5 = vector.multi_reduction <add>, %add3A, %reduce_sum3A [0] : vector<248x256xf32> to vector<256xf32>
    %broadcast_in_dim3A = vector.shape_cast %reduce_sum3A_5 : vector<256xf32> to vector<1x256xf32>
    %gt3A = arith.constant 0.000000e+00 : f32
    %gt3A_6 = vector.broadcast %gt3A : f32 to vector<1x256xf32>
    %gt3A_7 = arith.cmpf ogt, %broadcast_in_dim3A, %gt3A_6 : vector<1x256xf32>
    %max3A = arith.constant 9.99999996E-13 : f32
    %max3A_8 = vector.broadcast %max3A : f32 to vector<1x256xf32>
    %max3A_9 = arith.maximumf %broadcast_in_dim3A, %max3A_8 : vector<1x256xf32>
    %rsqrt3A = math.rsqrt %max3A_9 : vector<1x256xf32>
    %jit3A = arith.constant 0.000000e+00 : f32
    %broadcast_in_dim3A_10 = vector.broadcast %jit3A : f32 to vector<1x256xf32>
    %select_n3A = arith.select %gt3A_7, %rsqrt3A, %broadcast_in_dim3A_10 : vector<1x256xi1>, vector<1x256xf32>
    %iota3A = tpu.iota {dimensions = array<i32: 0>} : vector<248x248xi32>
    %iota3A_11 = tpu.iota {dimensions = array<i32: 1>} : vector<248x248xi32>
    %eq3A = arith.cmpi eq, %iota3A, %iota3A_11 : vector<248x248xi32>
    %jit3A_12 = arith.constant 1.000000e+00 : f32
    %jit3A_13 = arith.constant 0.000000e+00 : f32
    %broadcast_in_dim3A_14 = vector.broadcast %jit3A_12 : f32 to vector<248x248xf32>
    %broadcast_in_dim3A_15 = vector.broadcast %jit3A_13 : f32 to vector<248x248xf32>
    %select_n3A_16 = arith.select %eq3A, %broadcast_in_dim3A_14, %broadcast_in_dim3A_15 : vector<248x248xi1>, vector<248x248xf32>
    %convert_element_type3A = arith.truncf %select_n3A_16 : vector<248x248xf32> to vector<248x248xbf16>
    %slice3A = vector.extract_strided_slice %select_n3A {offsets = [0, 0], sizes = [1, 248], strides = [1, 1]} : vector<1x256xf32> to vector<1x248xf32>
    %convert_element_type3A_17 = arith.truncf %slice3A : vector<1x248xf32> to vector<1x248xbf16>
    %mul3A = vector.broadcast %convert_element_type3A_17 : vector<1x248xbf16> to vector<248x248xbf16>
    %mul3A_18 = arith.mulf %convert_element_type3A, %mul3A : vector<248x248xbf16>
    %mul3A_19 = vector.broadcast %select_n3A : vector<1x256xf32> to vector<248x256xf32>
    %mul3A_20 = arith.mulf %add3A, %mul3A_19 : vector<248x256xf32>
    %slice3A_21 = vector.extract_strided_slice %mul3A_20 {offsets = [0, 0], sizes = [248, 248], strides = [1, 1]} : vector<248x256xf32> to vector<248x248xf32>
    %convert_element_type3A_22 = arith.truncf %slice3A_21 : vector<248x248xf32> to vector<248x248xbf16>
    %dot_general3A = arith.constant dense<0.000000e+00> : vector<248x248xf32>
    %dot_general3A_23 = tpu.matmul %mul3A_18, %convert_element_type3A_22, %dot_general3A {dimension_numbers = #tpu.dot_dimension_numbers<[1], [0], [0], [1], [0, 0, 1, 1], [], []>, transpose_lhs_hint = false} : vector<248x248xbf16>, vector<248x248xbf16>, vector<248x248xf32> -> vector<248x248xf32>
    %neg3A = arith.constant 0.000000e+00 : f32
    %neg3A_24 = vector.broadcast %neg3A : f32 to vector<248x248xf32>
    %neg3A_25 = arith.subf %neg3A_24, %dot_general3A_23 : vector<248x248xf32>
    %convert_element_type3A_26 = arith.truncf %neg3A_25 : vector<248x248xf32> to vector<248x248xbf16>
    %get3A_27 = arith.constant 0 : index
    %get3A_28 = arith.constant 0 : index
    %get3A_29 = vector.load %arg1[%get3A_27, %get3A_28] : memref<248x512xbf16, #tpu.memory_space<vmem>>, vector<248x512xbf16>
    %dot_general3A_30 = arith.constant dense<0.000000e+00> : vector<248x512xf32>
    %dot_general3A_31 = tpu.matmul %convert_element_type3A_26, %get3A_29, %dot_general3A_30 {dimension_numbers = #tpu.dot_dimension_numbers<[1], [0], [0], [1], [0, 0, 1, 1], [], []>, transpose_lhs_hint = false} : vector<248x248xbf16>, vector<248x512xbf16>, vector<248x512xf32> -> vector<248x512xf32>
    %get3A_32 = arith.constant 0 : index
    %get3A_33 = arith.constant 0 : index
    %get3A_34 = vector.load %arg3[%get3A_32, %get3A_33] : memref<248x256xbf16, #tpu.memory_space<vmem>>, vector<248x256xbf16>
    %convert_element_type3A_35 = arith.extf %get3A_34 : vector<248x256xbf16> to vector<248x256xf32>
    %get3A_36 = arith.constant 0 : index
    %get3A_37 = arith.constant 0 : index
    %get3A_38 = vector.load %arg4[%get3A_36, %get3A_37] : memref<256x512xbf16, #tpu.memory_space<vmem>>, vector<256x512xbf16>
    %convert_element_type3A_39 = arith.truncf %dot_general3A_31 : vector<248x512xf32> to vector<248x512xbf16>
    %dot_general3A_40 = arith.constant dense<0.000000e+00> : vector<248x256xf32>
    %dot_general3A_41 = tpu.matmul %convert_element_type3A_39, %get3A_38, %dot_general3A_40 {dimension_numbers = #tpu.dot_dimension_numbers<[1], [1], [0], [0], [0, 0, 1, 0], [], []>, transpose_lhs_hint = false} : vector<248x512xbf16>, vector<256x512xbf16>, vector<248x256xf32> -> vector<248x256xf32>
    %add3A_42 = arith.addf %convert_element_type3A_35, %dot_general3A_41 : vector<248x256xf32>
    %neg3A_43 = arith.constant 0.000000e+00 : f32
    %neg3A_44 = vector.broadcast %neg3A_43 : f32 to vector<248x256xf32>
    %neg3A_45 = arith.subf %neg3A_44, %add3A_42 : vector<248x256xf32>
    %exp3A = math.exp %neg3A_45 : vector<248x256xf32>
    %add3A_46 = arith.constant 1.000000e+00 : f32
    %add3A_47 = vector.broadcast %add3A_46 : f32 to vector<248x256xf32>
    %add3A_48 = arith.addf %add3A_47, %exp3A : vector<248x256xf32>
    %div3A = arith.divf %add3A_42, %add3A_48 : vector<248x256xf32>
    %reduce_sum3A_49 = vector.shape_cast %div3A : vector<248x256xf32> to vector<1x248x256xf32>
    %reduce_sum3A_50 = arith.constant dense<0.000000e+00> : vector<1xf32>
    %reduce_sum3A_51 = vector.multi_reduction <add>, %reduce_sum3A_49, %reduce_sum3A_50 [1, 2] : vector<1x248x256xf32> to vector<1xf32>
    %reduce_sum3A_52 = vector.shape_cast %reduce_sum3A_51 : vector<1xf32> to vector<1x1x1xf32>
    %reduce_sum3A_53 = vector.extract %reduce_sum3A_52[0, 0, 0] : f32 from vector<1x1x1xf32>
    %div3A_54 = arith.constant 6.348800e+04 : f32
    %div3A_55 = arith.divf %reduce_sum3A_53, %div3A_54 : f32
    %sub3A = vector.broadcast %div3A_55 : f32 to vector<248x256xf32>
    %sub3A_56 = arith.subf %div3A, %sub3A : vector<248x256xf32>
    %mul3A_57 = arith.mulf %sub3A_56, %sub3A_56 : vector<248x256xf32>
    %reduce_sum3A_58 = vector.shape_cast %mul3A_57 : vector<248x256xf32> to vector<1x248x256xf32>
    %reduce_sum3A_59 = arith.constant dense<0.000000e+00> : vector<1xf32>
    %reduce_sum3A_60 = vector.multi_reduction <add>, %reduce_sum3A_58, %reduce_sum3A_59 [1, 2] : vector<1x248x256xf32> to vector<1xf32>
    %reduce_sum3A_61 = vector.shape_cast %reduce_sum3A_60 : vector<1xf32> to vector<1x1x1xf32>
    %reduce_sum3A_62 = vector.extract %reduce_sum3A_61[0, 0, 0] : f32 from vector<1x1x1xf32>
    %div3A_63 = arith.constant 6.348800e+04 : f32
    %div3A_64 = arith.divf %reduce_sum3A_62, %div3A_63 : f32
    %add3A_65 = arith.constant 9.99999974E-6 : f32
    %add3A_66 = arith.addf %div3A_64, %add3A_65 : f32
    %rsqrt3A_67 = math.rsqrt %add3A_66 : f32
    %mul3A_68 = vector.broadcast %rsqrt3A_67 : f32 to vector<248x256xf32>
    %mul3A_69 = arith.mulf %sub3A_56, %mul3A_68 : vector<248x256xf32>
    %convert_element_type3A_70 = arith.truncf %mul3A_69 : vector<248x256xf32> to vector<248x256xbf16>
    %dot_general3A_71 = arith.constant dense<0.000000e+00> : vector<248x256xf32>
    %dot_general3A_72 = tpu.matmul %convert_element_type3A_26, %convert_element_type3A_70, %dot_general3A_71 {dimension_numbers = #tpu.dot_dimension_numbers<[1], [0], [0], [1], [0, 0, 1, 1], [], []>, transpose_lhs_hint = false} : vector<248x248xbf16>, vector<248x256xbf16>, vector<248x256xf32> -> vector<248x256xf32>
    %get3A_73 = arith.constant 0 : index
    %get3A_74 = arith.constant 0 : index
    %get3A_75 = vector.load %arg2[%get3A_73, %get3A_74] : memref<248x256xbf16, #tpu.memory_space<vmem>>, vector<248x256xbf16>
    %convert_element_type3A_76 = arith.extf %get3A_75 : vector<248x256xbf16> to vector<248x256xf32>
    %get3A_77 = arith.constant 0 : index
    %get3A_78 = arith.constant 0 : index
    %get3A_79 = vector.load %arg5[%get3A_77, %get3A_78] : memref<256x256xbf16, #tpu.memory_space<vmem>>, vector<256x256xbf16>
    %convert_element_type3A_80 = arith.truncf %mul3A_69 : vector<248x256xf32> to vector<248x256xbf16>
    %dot_general3A_81 = arith.constant dense<0.000000e+00> : vector<248x256xf32>
    %dot_general3A_82 = tpu.matmul %convert_element_type3A_80, %get3A_79, %dot_general3A_81 {dimension_numbers = #tpu.dot_dimension_numbers<[1], [1], [0], [0], [0, 0, 1, 0], [], []>, transpose_lhs_hint = false} : vector<248x256xbf16>, vector<256x256xbf16>, vector<248x256xf32> -> vector<248x256xf32>
    %add3A_83 = arith.addf %convert_element_type3A_76, %dot_general3A_82 : vector<248x256xf32>
    %get3A_84 = arith.constant 0 : index
    %get3A_85 = arith.constant 0 : index
    %get3A_86 = vector.load %arg6[%get3A_84, %get3A_85] : memref<256x256xbf16, #tpu.memory_space<vmem>>, vector<256x256xbf16>
    %convert_element_type3A_87 = arith.truncf %dot_general3A_72 : vector<248x256xf32> to vector<248x256xbf16>
    %dot_general3A_88 = arith.constant dense<0.000000e+00> : vector<248x256xf32>
    %dot_general3A_89 = tpu.matmul %convert_element_type3A_87, %get3A_86, %dot_general3A_88 {dimension_numbers = #tpu.dot_dimension_numbers<[1], [1], [0], [0], [0, 0, 1, 0], [], []>, transpose_lhs_hint = false} : vector<248x256xbf16>, vector<256x256xbf16>, vector<248x256xf32> -> vector<248x256xf32>
    %add3A_90 = arith.addf %add3A_83, %dot_general3A_89 : vector<248x256xf32>
    %get3A_91 = arith.constant 0 : index
    %get3A_92 = arith.constant 0 : index
    %get3A_93 = vector.load %arg7[%get3A_91, %get3A_92] : memref<1x256xf32, #tpu.memory_space<vmem>>, vector<1x256xf32>
    %add3A_94 = vector.broadcast %get3A_93 : vector<1x256xf32> to vector<248x256xf32>
    %add3A_95 = arith.addf %add3A_90, %add3A_94 : vector<248x256xf32>
    %neg3A_96 = arith.constant 0.000000e+00 : f32
    %neg3A_97 = vector.broadcast %neg3A_96 : f32 to vector<248x256xf32>
    %neg3A_98 = arith.subf %neg3A_97, %add3A_95 : vector<248x256xf32>
    %exp3A_99 = math.exp %neg3A_98 : vector<248x256xf32>
    %add3A_100 = arith.constant 1.000000e+00 : f32
    %add3A_101 = vector.broadcast %add3A_100 : f32 to vector<248x256xf32>
    %add3A_102 = arith.addf %add3A_101, %exp3A_99 : vector<248x256xf32>
    %div3A_103 = arith.divf %add3A_95, %add3A_102 : vector<248x256xf32>
    %reduce_sum3A_104 = vector.shape_cast %div3A_103 : vector<248x256xf32> to vector<1x248x256xf32>
    %reduce_sum3A_105 = arith.constant dense<0.000000e+00> : vector<1xf32>
    %reduce_sum3A_106 = vector.multi_reduction <add>, %reduce_sum3A_104, %reduce_sum3A_105 [1, 2] : vector<1x248x256xf32> to vector<1xf32>
    %reduce_sum3A_107 = vector.shape_cast %reduce_sum3A_106 : vector<1xf32> to vector<1x1x1xf32>
    %reduce_sum3A_108 = vector.extract %reduce_sum3A_107[0, 0, 0] : f32 from vector<1x1x1xf32>
    %div3A_109 = arith.constant 6.348800e+04 : f32
    %div3A_110 = arith.divf %reduce_sum3A_108, %div3A_109 : f32
    %sub3A_111 = vector.broadcast %div3A_110 : f32 to vector<248x256xf32>
    %sub3A_112 = arith.subf %div3A_103, %sub3A_111 : vector<248x256xf32>
    %mul3A_113 = arith.mulf %sub3A_112, %sub3A_112 : vector<248x256xf32>
    %reduce_sum3A_114 = vector.shape_cast %mul3A_113 : vector<248x256xf32> to vector<1x248x256xf32>
    %reduce_sum3A_115 = arith.constant dense<0.000000e+00> : vector<1xf32>
    %reduce_sum3A_116 = vector.multi_reduction <add>, %reduce_sum3A_114, %reduce_sum3A_115 [1, 2] : vector<1x248x256xf32> to vector<1xf32>
    %reduce_sum3A_117 = vector.shape_cast %reduce_sum3A_116 : vector<1xf32> to vector<1x1x1xf32>
    %reduce_sum3A_118 = vector.extract %reduce_sum3A_117[0, 0, 0] : f32 from vector<1x1x1xf32>
    %div3A_119 = arith.constant 6.348800e+04 : f32
    %div3A_120 = arith.divf %reduce_sum3A_118, %div3A_119 : f32
    %add3A_121 = arith.constant 9.99999974E-6 : f32
    %add3A_122 = arith.addf %div3A_120, %add3A_121 : f32
    %rsqrt3A_123 = math.rsqrt %add3A_122 : f32
    %mul3A_124 = vector.broadcast %rsqrt3A_123 : f32 to vector<248x256xf32>
    %mul3A_125 = arith.mulf %sub3A_112, %mul3A_124 : vector<248x256xf32>
    %convert_element_type3A_126 = arith.truncf %mul3A_125 : vector<248x256xf32> to vector<248x256xbf16>
    %dot_general3A_127 = arith.constant dense<0.000000e+00> : vector<248x256xf32>
    %dot_general3A_128 = tpu.matmul %convert_element_type3A_26, %convert_element_type3A_126, %dot_general3A_127 {dimension_numbers = #tpu.dot_dimension_numbers<[1], [0], [0], [1], [0, 0, 1, 1], [], []>, transpose_lhs_hint = false} : vector<248x248xbf16>, vector<248x256xbf16>, vector<248x256xf32> -> vector<248x256xf32>
    %get3A_129 = arith.constant 0 : index
    %get3A_130 = arith.constant 0 : index
    %get3A_131 = vector.load %arg8[%get3A_129, %get3A_130] : memref<128x256xbf16, #tpu.memory_space<vmem>>, vector<128x256xbf16>
    %convert_element_type3A_132 = arith.truncf %mul3A_125 : vector<248x256xf32> to vector<248x256xbf16>
    %dot_general3A_133 = arith.constant dense<0.000000e+00> : vector<248x128xf32>
    %dot_general3A_134 = tpu.matmul %convert_element_type3A_132, %get3A_131, %dot_general3A_133 {dimension_numbers = #tpu.dot_dimension_numbers<[1], [1], [0], [0], [0, 0, 1, 0], [], []>, transpose_lhs_hint = false} : vector<248x256xbf16>, vector<128x256xbf16>, vector<248x128xf32> -> vector<248x128xf32>
    %get3A_135 = arith.constant 0 : index
    %get3A_136 = arith.constant 0 : index
    %get3A_137 = vector.load %arg9[%get3A_135, %get3A_136] : memref<128x256xbf16, #tpu.memory_space<vmem>>, vector<128x256xbf16>
    %convert_element_type3A_138 = arith.truncf %dot_general3A_128 : vector<248x256xf32> to vector<248x256xbf16>
    %dot_general3A_139 = arith.constant dense<0.000000e+00> : vector<248x128xf32>
    %dot_general3A_140 = tpu.matmul %convert_element_type3A_138, %get3A_137, %dot_general3A_139 {dimension_numbers = #tpu.dot_dimension_numbers<[1], [1], [0], [0], [0, 0, 1, 0], [], []>, transpose_lhs_hint = false} : vector<248x256xbf16>, vector<128x256xbf16>, vector<248x128xf32> -> vector<248x128xf32>
    %add3A_141 = arith.addf %dot_general3A_134, %dot_general3A_140 : vector<248x128xf32>
    %get3A_142 = arith.constant 0 : index
    %get3A_143 = arith.constant 0 : index
    %get3A_144 = vector.load %arg10[%get3A_142, %get3A_143] : memref<1x128xf32, #tpu.memory_space<vmem>>, vector<1x128xf32>
    %add3A_145 = vector.broadcast %get3A_144 : vector<1x128xf32> to vector<248x128xf32>
    %add3A_146 = arith.addf %add3A_141, %add3A_145 : vector<248x128xf32>
    %swap3A = arith.constant 0 : index
    %swap3A_147 = arith.constant 0 : index
    %swap3A_148 = vector.load %arg11[%swap3A, %swap3A_147] : memref<248x128xf32, #tpu.memory_space<vmem>>, vector<248x128xf32>
    tpu.vector_store %arg11[%swap3A, %swap3A_147], %add3A_146 {strides = array<i32>} : memref<248x128xf32, #tpu.memory_space<vmem>>, vector<248x128xf32>,
    return
  }
}

</mosaic_0001>

<sc_bundles>
// kernel: kernel.5.cloned.1.call-start
scs
__scs_entry_jumppad:
0x0: {  	(pc) =	sbr.rel $0x88, $3  }
0x1: {  	(tag) =	ssettag $0x0;
	lr =	simm.s32 $0x1  }
0x2: {  	[smem:$0x3F94] =	sst lr;
	_ =	strace $0xD0000000  }
0x3: {  	_ = 	snop  }
0x4: {  	_ = 	snop  }
0x5: {  	_ = 	snop  }
0x6: {  	_ = 	snop  }
0x7: {  	_ = 	snop  }
__scs_overlays_trampoline_lowered:
0x8: {  	[smem:$0x3FA3] =	sst s0  }
0x9: {  	[smem:$0x3FA4] =	sst s1  }
0xa: {  	[smem:$0x3FA5] =	sst s2  }
0xb: {  	[smem:$0x3FA6] =	sst s3  }
0xc: {  	[smem:$0x3FA7] =	sst s4  }
0xd: {  	[smem:$0x3FA8] =	sst s5  }
0xe: {  	[smem:$0x3FA9] =	sst s6  }
0xf: {  	[smem:$0x3FAA] =	sst s7  }
0x10: {  	[smem:$0x3FAB] =	sst s8  }
0x11: {  	[smem:$0x3FAC] =	sst s9;
	s0 =	simm.s32 @!p0 $0x0  }
0x12: {  	s1 =	sld [smem:$0x3F92];
	s0 =	simm.s32 @p0 $0x1  }
0x13: {  	[smem:$0x3FAD] =	sst s0;
	s0 =	simm.s32 @!p1 $0x0  }
0x14: {  	s2 =	sld [smem:$0x3F91];
	s0 =	simm.s32 @p1 $0x1  }
0x15: {  	[smem:$0x3FAE] =	sst s0;
	s0 =	simm.s32 @!p2 $0x0  }
0x16: {  	s3 =	sld [smem:$0x3FDB];
	s0 =	simm.s32 @p2 $0x1  }
0x17: {  	s4 =	simm.s32 $0x1BF5;
	[smem:$0x3FB0] =	sst s0  }
0x18: {  	s0 =	sld [smem:$0x3F93];
	_ =	swait.ge [sflag:s4], $0x0  }
0x19: {  	s7 =	sld [smem:$0x3F94]  }
0x1a: {  	s8 =	sadd.s32 $0xFFFFE003, lr  }
0x1b: {  	s9 =	sadd.s32 $0xFFFFFEF7, lr;
	s5 =	simm.s32 $0xFFFFFFFF;
	p2 =	slt.u32 s8, $0xFFFFF086  }
0x1c: {  	p1 =	slt.u32 s9, $0xF7A;
	s5 =	simm.s32 @!p2 $0x0  }
0x1d: {  	s5 =	simm.s32 @p1 $0x1;
	p0 =	seq.s32 s7, s2  }
0x1e: {  	s7 =	smul.u32 @!p0 $0xF7A, s2;
	p2 =	seq.s32 @!p0 s5, $0x0  }
0x1f: {  	s9 =	smul.u32 $0xF7A, s1;
	s8 =	simm.s32 @!p0 $0x1BF5;
	p2 =	por !p2, p0  }
0x20: {  	[sflag:s8] =	ssyncset.s32 @!p0 $0xFFFFF086;
	s6 =	sadd.s32 @!p0 s3, s7;
	s7 =	simm.s32 @!p0 $0x108  }
0x21: {  	s3 =	sadd.s32 s3, s9;
	s6 =	sadd.s32 @!p0 $0x88, s6;
	s7 =	simm.s32 @p2 $0x1082  }
0x22: {  	[simem:s7], [sflag:s8] =	dma.local @!p0 [hbm:s6], $0xF7A  }
0x23: {  	s9 =	sor.u32 $0xD0000000, s2;
	s6 =	simm.s32 $0x108;
	_ =	swait.ge @!p0 [sflag:s8], $0x0  }
0x24: {  	s3 =	sadd.s32 $0x88, s3;
	s6 =	simm.s32 @!p1 $0x1082;
	[sflag:s4] =	ssyncset.s32 $0xFFFFF086  }
0x25: {  	[simem:s6], [sflag:s4] =	dma.local [hbm:s3], $0xF7A  }
0x26: {  	[smem:$0x3F94] =	sst s1;
	(tag) =	ssettag s2;
	_ =	strace s9  }
0x27: {  	s1 =	sld [smem:$0x3FA4]  }
0x28: {  	s2 =	sld [smem:$0x3FA5]  }
0x29: {  	s4 =	sld [smem:$0x3FA7]  }
0x2a: {  	p0 =	seq.s32 s5, $0x0;
	s5 =	sld [smem:$0x3FA8]  }
0x2b: {  	s6 =	sld [smem:$0x3FA9]  }
0x2c: {  	s7 =	sld [smem:$0x3FAA]  }
0x2d: {  	s3 =	simm.s32 $0x108;
	s8 =	sld [smem:$0x3FAB]  }
0x2e: {  	s3 =	simm.s32 @!p0 $0x1082;
	s9 =	sld [smem:$0x3FAC]  }
0x2f: {  	lr =	sadd.s32 s0, s3;
	s0 =	sld [smem:$0x3FA3]  }
0x30: {  	s3 =	sld [smem:$0x3FA6]  }
0x31: {  	[smem:$0x3FAF] =	sst s10  }
0x32: {  	s10 =	sld [smem:$0x3FAD];
	_ =	sdelay $0x3  }
0x33: {  	p0 =	seq.s32 s10, $0x1;
	s10 =	sld [smem:$0x3FAF];
	_ =	sdelay $0x3  }
0x34: {  	[smem:$0x3FAF] =	sst s10  }
0x35: {  	s10 =	sld [smem:$0x3FAE];
	_ =	sdelay $0x3  }
0x36: {  	p1 =	seq.s32 s10, $0x1;
	s10 =	sld [smem:$0x3FAF];
	_ =	sdelay $0x3  }
0x37: {  	[smem:$0x3FAF] =	sst s10  }
0x38: {  	s10 =	sld [smem:$0x3FB0]  }
0x39: {  	_ = 	snop;
	(pc) =	sbr.ind lr, $3  }
0x3a: {  	_ = 	snop  }
0x3b: {  	_ = 	snop  }
0x3c: {  	p2 =	seq.s32 s10, $0x1;
	s10 =	sld [smem:$0x3FAF]  }
0x3d: {  	_ =	shalt  }
0x3e: {  	_ =	shalt  }
0x3f: {  	_ =	shalt  }
0x40: {  	_ =	shalt  }
0x41: {  	_ =	shalt  }
0x42: {  	_ =	shalt  }
0x43: {  	_ =	shalt  }
0x44: {  	_ =	shalt  }
0x45: {  	_ =	shalt  }
0x46: {  	_ =	shalt  }
0x47: {  	_ =	shalt  }
0x48: {  	_ =	shalt  }
0x49: {  	_ =	shalt  }
0x4a: {  	_ =	shalt  }
0x4b: {  	_ =	shalt  }
0x4c: {  	_ =	shalt  }
0x4d: {  	_ =	shalt  }
0x4e: {  	_ =	shalt  }
0x4f: {  	_ =	shalt  }
0x50: {  	_ =	shalt  }
0x51: {  	_ =	shalt  }
0x52: {  	_ =	shalt  }
0x53: {  	_ =	shalt  }
0x54: {  	_ =	shalt  }
0x55: {  	_ =	shalt  }
0x56: {  	_ =	shalt  }
0x57: {  	_ =	shalt  }
0x58: {  	_ =	shalt  }
0x59: {  	_ =	shalt  }
0x5a: {  	_ =	shalt  }
0x5b: {  	_ =	shalt  }
0x5c: {  	_ =	shalt  }
0x5d: {  	_ =	shalt  }
0x5e: {  	_ =	shalt  }
0x5f: {  	_ =	shalt  }
0x60: {  	_ =	shalt  }
0x61: {  	_ =	shalt  }
0x62: {  	_ =	shalt  }
0x63: {  	_ =	shalt  }
0x64: {  	_ =	shalt  }
0x65: {  	_ =	shalt  }
0x66: {  	_ =	shalt  }
0x67: {  	_ =	shalt  }
0x68: {  	_ =	shalt  }
0x69: {  	_ =	shalt  }
0x6a: {  	_ =	shalt  }
0x6b: {  	_ =	shalt  }
0x6c: {  	_ =	shalt  }
0x6d: {  	_ =	shalt  }
0x6e: {  	_ =	shalt  }
0x6f: {  	_ =	shalt  }
0x70: {  	_ =	shalt  }
0x71: {  	_ =	shalt  }
0x72: {  	_ =	shalt  }
0x73: {  	_ =	shalt  }
0x74: {  	_ =	shalt  }
0x75: {  	_ =	shalt  }
0x76: {  	_ =	shalt  }
0x77: {  	_ =	shalt  }
0x78: {  	_ =	shalt  }
0x79: {  	_ =	shalt  }
0x7a: {  	_ =	shalt  }
0x7b: {  	_ =	shalt  }
0x7c: {  	_ =	shalt  }
0x7d: {  	_ =	shalt  }
0x7e: {  	_ =	shalt  }
0x7f: {  	_ =	shalt  }
0x80: {  	_ =	shalt  }
0x81: {  	_ =	shalt  }
0x82: {  	_ =	shalt  }
0x83: {  	_ =	shalt  }
0x84: {  	_ =	shalt  }
0x85: {  	_ =	shalt  }
0x86: {  	_ =	shalt  }
0x87: {  	_ =	shalt  }
.Lfunc_end0:
.L_simem_size_0:
called_computation_lowered:
.L_overlay_start_0:
0x88: {  	s2 =	sld [smem:$0x3FD9]  }
0x89: {  	s3 =	sld [smem:$0x3FFE];
	_ =	sdelay $0x1  }
0x8a: {  	s1 =	srdreg.scid  }
0x8b: {  	s0 =	sand.u32 $0x1, s1  }
0x8c: {  	s17 =	sshll.u32 s0, $0xA;
	s2 =	sadd.s32 s3, s2  }
0x8d: {  	s2 =	sadd.s32 s2, s17  }
0x8e: {  	[smem:$0x3FBB] =	sst s2  }
0x8f: {  	_ = 	snop  }
0x90: {  	s2 =	sld [smem:$0x3FC8];
	(tm) =	ssettm $0x1  }
0x91: {  	s18 =	sld [smem:$0x3FFB];
	_ =	sdelay $0x3  }
0x92: {  	_ =	strace s18  }
0x93: {  	s3 =	sld [smem:$0x3FFC];
	_ =	sdelay $0x3  }
0x94: {  	_ =	strace s3  }
0x95: {  	s3 =	sld [smem:$0x3FFD];
	_ =	sdelay $0x3  }
0x96: {  	_ =	strace s3  }
0x97: {  	_ =	strace $0x8FFFFFFF  }
0x98: {  	s19 =	sld [smem:$0x3FDB];
	_ =	sdelay $0x1  }
0x99: {  	s4 =	simm.s32 $_scs_section_size  }
0x9a: {  	s5 =	simm.s32 $_size__tile_overlayer_lowered;
	s6 =	simm.s32 $_tile_overlayer_lowered  }
0x9b: {  	s22 =	simm.s32 $0x1BFF;
	s21 =	sshll.u32 s6, $0x1;
	s3 =	sadd.s32 s4, s19  }
0x9c: {  	s7 =	simm.s32 $0x0;
	s20 =	sshll.u32 s5, $0x1;
	s5 =	sadd.s32 s21, s3  }
0x9d: {  	[timem:s7], [sflag:s22] =	dma.local [hbm:s5], s20  }
0x9e: {  	_ =	swait.ge [sflag:s22], s20  }
0x9f: {  	s4 =	ssub.s32 $0x0, s20;
	[sflag:s22] =	ssyncset.done $0x0  }
0xa0: {  	[sflag:s22] =	ssyncadd.s32 s4;
	_ =	sdelay $0x1  }
0xa1: {  	s23 =	simm.s32 $0x1B8B  }
0xa2: {  	_ =	swait.ge [sflag:s23], $0x1  }
0xa3: {  	[sflag:s23] =	ssyncset.done $0x0  }
0xa4: {  	s25 =	simm.s32 $0x1B8E;
	s24 =	sld [smem:$0x3FFE];
	[sflag:s23] =	ssyncadd.s32 $0xFFFFFFFF  }
0xa5: {  	s26 =	simm.s32 $execute0_lowered;
	[smem:$0x3FD2] =	sst s25  }
0xa6: {  	s5 =	sshll.u32 s26, $0x1;
	_ =	strace $0x80000046;
	[dreg:$0x1] =	wrdreg $0xFFFFFFFF  }
0xa7: {  	s28 =	simm.s32 $_size_execute0_lowered;
	s3 =	sadd.s32 s3, s5;
	[dreg:$0x0] =	wrdreg $0x0  }
0xa8: {  	s5 =	sshll.u32 s28, $0x1;
	[dreg:$0x2] =	wrdreg s3  }
0xa9: {  	[dreg:$0x3] =	wrdreg s5  }
0xaa: {  	[dreg:$0x4] =	wrdreg $0xC0  }
0xab: {  	_ =	task [dreg:s7], $0x5FFFF  }
0xac: {  	[dreg:$0x1] =	wrdreg $0xFFFFFFFF  }
0xad: {  	[dreg:$0x0] =	wrdreg $0x60  }
0xae: {  	[dreg:$0x2] =	wrdreg s2  }
0xaf: {  	[dreg:$0x3] =	wrdreg s24  }
0xb0: {  	[dreg:$0x4] =	wrdreg $0x28000  }
0xb1: {  	[dreg:$0x5] =	wrdreg $0x9  }
0xb2: {  	_ =	task.clear_ibuf [dreg:s7], $0x6FFFF;
	_ =	strace $0x90000046  }
0xb3: {  	s29 =	simm.s32 $0x9;
	_ =	strace $0x80000048  }
0xb4: {  	_ =	swait.ge [sflag:s29], $0x1  }
0xb5: {  	[sflag:s29] =	ssyncadd.s32 $0xFFFFFFFF  }
0xb6: {  	_ =	strace $0x90000048  }
0xb7: {  	_ =	sfence  }
0xb8: {  	s30 =	sld [smem:$0x0];
	_ =	sdelay $0x2  }
0xb9: {  	s31 =	sshll.u32 s1, $0xD;
	s1 =	sshrl.u32 s1, $0x2  }
0xba: {  	s3 =	sand.u32 $0x4000, s31;
	s1 =	sadd.s32 s1, s30  }
0xbb: {  	s0 =	sor.u32 s3, s0;
	s1 =	sshll.u32 s1, $0x11  }
0xbc: {  	s0 =	sor.u32 s1, s0  }
0xbd: {  	s0 =	sadd.s32 $0x8F2B, s0  }
0xbe: {  	[sflag:s0] =	ssyncadd.remote.s32 $0x1  }
0xbf: {  	_ =	sfence.sel $0xFFFF  }
0xc0: {  	[dreg:$0x0] =	wrdreg $0xFFFFFFFF;
	(pc) =	sbr.abs _section_cstart, $3  }
0xc1: {  	[dreg:$0x1] =	wrdreg $0xFFFFFFFF  }
0xc2: {  	_ =	task.clear_ibuf [dreg:s7], $0x2FFFF;
	_ =	strace $0x9FFFFFFF  }
0xc3: {  	(tm) =	ssettm $0x7FFFFFFF  }
tec
execute0_lowered:
.L_overlay_start_1:
0x0: {  	(tag) =	ssettag $0x1  }
0x1: {  	s0 =	rddreg [dreg:$0x0]  }
0x2: {  	s1 =	rddreg [dreg:$0x1]  }
0x3: {  	s8 =	rddreg [dreg:$0x2];
	s3 =	simm.s32 $0x0;
	s4 =	stileid.u32  }
0x4: {  	s2 =	srdreg.scid;
	s9 =	simm.s32 $0x2;
	s10 =	simm.s32 $0x1800  }
0x5: {  	s11 =	simm.s32 $0x1;
	s12 =	simm.s32 $0x3;
	s2 =	sand.u32 $0x1, s2  }
0x6: {  	[smem:$0x7FF] =	sst s3;
	s13 =	sshll.u32 s4, $0x9;
	s14 =	sshll.u32 s2, $0x4  }
0x7: {  	_ =	strace $0x80000047;
	s1 =	sadd.s32 s13, s1;
	s3 =	sor.u32 s4, s14  }
0x8: {  	s5 =	ssub.s32 $0x2, s2;
	s4 =	sshll.u32 s4, $0xC;
	s7 =	sshll.u32 s3, $0x7  }
0x9: {  	s26 =	sshll.u32 s2, $0xD;
	s4 =	sadd.s32 s4, s8;
	s0 =	sadd.s32 s0, s7  }
0xa: {  	s6 =	sshrl.u32 s5, $0x1;
	s15 =	sadd.s32 $0x100, s4;
	[dreg:$0x4] =	wrdreg s0  }
0xb: {  	s14 =	simm.s32 $0x0;
	s16 =	sadd.s32 $0x200, s4;
	[dreg:$0x5] =	wrdreg s15  }
0xc: {  	s5 =	ssub.s32 s5, s6;
	s17 =	sadd.s32 $0x300, s4;
	[dreg:$0x6] =	wrdreg s16  }
0xd: {  	p0 =	seq.s32 s3, $0x1F;
	s18 =	sadd.s32 $0x400, s4;
	[dreg:$0x7] =	wrdreg s17  }
0xe: {  	s19 =	sadd.s32 $0x500, s4;
	s20 =	sadd.s32 $0x600, s4;
	[dreg:$0x8] =	wrdreg s18  }
0xf: {  	s21 =	sadd.s32 $0x700, s4;
	s22 =	sadd.s32 $0x800, s4;
	[dreg:$0x9] =	wrdreg s19  }
0x10: {  	s23 =	sadd.s32 $0x900, s4;
	s24 =	sadd.s32 $0xA00, s4;
	[dreg:$0xa] =	wrdreg s20  }
0x11: {  	s25 =	sadd.s32 $0xB00, s4;
	s28 =	sadd.s32 $0x480, s4;
	[dreg:$0xb] =	wrdreg s21  }
0x12: {  	s29 =	sadd.s32 $0x580, s4;
	s30 =	sadd.s32 $0x680, s4;
	[dreg:$0xc] =	wrdreg s22  }
0x13: {  	s31 =	sadd.s32 $0x780, s4;
	s3 =	sadd.s32 $0xA80, s4;
	[dreg:$0xd] =	wrdreg s23  }
0x14: {  	s2 =	sadd.s32 $0xB80, s4;
	s6 =	sadd.s32 $0xD80, s4;
	[dreg:$0xe] =	wrdreg s24  }
0x15: {  	s7 =	sadd.s32 $0xE80, s4;
	s8 =	sadd.s32 $0xF80, s4;
	[dreg:$0xf] =	wrdreg s25  }
.Ltmp0:
0x16: {  	s17 =	sadd.s32 $0xC00, s4;
	s18 =	sadd.s32 $0xD00, s4;
	(pc) =	sbr.rel .LBB2_1-.Ltmp0, $4  }
0x17: {  	s19 =	sadd.s32 $0xE00, s4;
	s0 =	sadd.s32 s26, s1;
	s20 =	sadd.s32 $0xF00, s4  }
0x18: {  	s22 =	smax.u32 s5, $0x1;
	s23 =	sadd.s32 $0x80, s4;
	s24 =	sadd.s32 $0x180, s4  }
0x19: {  	s25 =	sadd.s32 $0x280, s4;
	s26 =	sadd.s32 $0x380, s4;
	s1 =	sadd.s32 $0x980, s4  }
0x1a: {  	v0 =	vimm.f32 $0.0e+00;
	v1 =	vimm.f32 $1.000000000e+00;
	s5 =	sadd.s32 $0xC80, s4;
	s21 =	sadd.s32 $0x2000, s0;
	s0 =	sadd.s32 $0x880, s4  }
.LBB2_5:
0x1b: {  	_ =	swait.ge [sflag:s9], $0x1000  }
0x1c: {  	[sflag:s9] =	ssyncset.done $0x0  }
0x1d: {  	[sflag:s9] =	ssyncadd.s32 $0xFFFFF000  }
0x1e: {  	[bflag:$0x0] =	sbarrier.arrive $0xFFFF  }
.LBB2_6:
0x1f: {  	[bflag:$0x0] =	sbarrier.arrive $0xFFFF  }
0x20: {  	[tilespmem:s10], [sflag:$0x1] =	stream.linear.gather [spmem:s4], $0x80, $0x38;
	[tilespmem:$0x3800] =	vst v63  }
0x21: {  	s15 =	simm.s32 $0x1C00  }
0x22: {  	[tilespmem:s15], [sflag:$0x1] =	stream.linear.gather [spmem:s23], $0x80, $0x38;
	[tilespmem:$0x3800] =	vst v63  }
0x23: {  	s16 =	simm.s32 $0x1880;
	s13 =	rddreg [dreg:$0x5]  }
0x24: {  	[tilespmem:s16], [sflag:$0x1] =	stream.linear.gather [spmem:s13], $0x80, $0x38;
	[tilespmem:$0x3800] =	vst v63  }
0x25: {  	s13 =	simm.s32 $0x1C80  }
0x26: {  	[tilespmem:s13], [sflag:$0x1] =	stream.linear.gather [spmem:s24], $0x80, $0x38;
	[tilespmem:$0x3800] =	vst v63  }
0x27: {  	s16 =	rddreg [dreg:$0x6];
	s13 =	simm.s32 $0x1900  }
0x28: {  	[tilespmem:s13], [sflag:$0x1] =	stream.linear.gather [spmem:s16], $0x80, $0x38;
	[tilespmem:$0x3800] =	vst v63  }
0x29: {  	s13 =	simm.s32 $0x1D00  }
0x2a: {  	[tilespmem:s13], [sflag:$0x1] =	stream.linear.gather [spmem:s25], $0x80, $0x38;
	[tilespmem:$0x3800] =	vst v63  }
0x2b: {  	s16 =	rddreg [dreg:$0x7];
	s13 =	simm.s32 $0x1980  }
0x2c: {  	[tilespmem:s13], [sflag:$0x1] =	stream.linear.gather [spmem:s16], $0x80, $0x38;
	[tilespmem:$0x3800] =	vst v63  }
0x2d: {  	s13 =	simm.s32 $0x1D80  }
0x2e: {  	[tilespmem:s13], [sflag:$0x1] =	stream.linear.gather [spmem:s26], $0x80, $0x38;
	[tilespmem:$0x3800] =	vst v63  }
0x2f: {  	s16 =	rddreg [dreg:$0x8];
	s13 =	simm.s32 $0x1A00  }
0x30: {  	[tilespmem:s13], [sflag:$0x1] =	stream.linear.gather [spmem:s16], $0x80, $0x38;
	[tilespmem:$0x3800] =	vst v63  }
0x31: {  	s13 =	simm.s32 $0x1E00  }
0x32: {  	[tilespmem:s13], [sflag:$0x1] =	stream.linear.gather [spmem:s28], $0x80, $0x38;
	[tilespmem:$0x3800] =	vst v63  }
0x33: {  	s16 =	rddreg [dreg:$0x9];
	s13 =	simm.s32 $0x1A80  }
0x34: {  	[tilespmem:s13], [sflag:$0x1] =	stream.linear.gather [spmem:s16], $0x80, $0x38;
	[tilespmem:$0x3800] =	vst v63  }
0x35: {  	s13 =	simm.s32 $0x1E80  }
0x36: {  	[tilespmem:s13], [sflag:$0x1] =	stream.linear.gather [spmem:s29], $0x80, $0x38;
	[tilespmem:$0x3800] =	vst v63  }
0x37: {  	s16 =	rddreg [dreg:$0xa];
	s13 =	simm.s32 $0x1B00  }
0x38: {  	[tilespmem:s13], [sflag:$0x1] =	stream.linear.gather [spmem:s16], $0x80, $0x38;
	[tilespmem:$0x3800] =	vst v63  }
0x39: {  	s13 =	simm.s32 $0x1F00  }
0x3a: {  	[tilespmem:s13], [sflag:$0x1] =	stream.linear.gather [spmem:s30], $0x80, $0x38;
	[tilespmem:$0x3800] =	vst v63  }
0x3b: {  	s16 =	rddreg [dreg:$0xb];
	s13 =	simm.s32 $0x1B80  }
0x3c: {  	[tilespmem:s13], [sflag:$0x1] =	stream.linear.gather [spmem:s16], $0x80, $0x38;
	[tilespmem:$0x3800] =	vst v63  }
0x3d: {  	s13 =	simm.s32 $0x1F80  }
0x3e: {  	[tilespmem:s13], [sflag:$0x1] =	stream.linear.gather [spmem:s31], $0x80, $0x38;
	[tilespmem:$0x3800] =	vst v63  }
0x3f: {  	s16 =	rddreg [dreg:$0xc];
	s13 =	simm.s32 $0x2000  }
0x40: {  	[tilespmem:s13], [sflag:$0x1] =	stream.linear.gather [spmem:s16], $0x80, $0x38;
	[tilespmem:$0x3800] =	vst v63  }
0x41: {  	s13 =	simm.s32 $0x2400  }
0x42: {  	[tilespmem:s13], [sflag:$0x1] =	stream.linear.gather [spmem:s0], $0x80, $0x38;
	[tilespmem:$0x3800] =	vst v63  }
0x43: {  	s16 =	rddreg [dreg:$0xd];
	s13 =	simm.s32 $0x2080  }
0x44: {  	[tilespmem:s13], [sflag:$0x1] =	stream.linear.gather [spmem:s16], $0x80, $0x38;
	[tilespmem:$0x3800] =	vst v63  }
0x45: {  	s13 =	simm.s32 $0x2480  }
0x46: {  	[tilespmem:s13], [sflag:$0x1] =	stream.linear.gather [spmem:s1], $0x80, $0x38;
	[tilespmem:$0x3800] =	vst v63  }
0x47: {  	s16 =	rddreg [dreg:$0xe];
	s13 =	simm.s32 $0x2100  }
0x48: {  	[tilespmem:s13], [sflag:$0x1] =	stream.linear.gather [spmem:s16], $0x80, $0x38;
	[tilespmem:$0x3800] =	vst v63  }
0x49: {  	s13 =	simm.s32 $0x2500  }
0x4a: {  	[tilespmem:s13], [sflag:$0x1] =	stream.linear.gather [spmem:s3], $0x80, $0x38;
	[tilespmem:$0x3800] =	vst v63  }
0x4b: {  	s16 =	rddreg [dreg:$0xf];
	s13 =	simm.s32 $0x2180  }
0x4c: {  	[tilespmem:s13], [sflag:$0x1] =	stream.linear.gather [spmem:s16], $0x80, $0x38;
	[tilespmem:$0x3800] =	vst v63  }
0x4d: {  	s13 =	simm.s32 $0x2580  }
0x4e: {  	[tilespmem:s13], [sflag:$0x1] =	stream.linear.gather [spmem:s2], $0x80, $0x38;
	[tilespmem:$0x3800] =	vst v63  }
0x4f: {  	s16 =	simm.s32 $0x2200  }
0x50: {  	[tilespmem:s16], [sflag:$0x1] =	stream.linear.gather [spmem:s17], $0x80, $0x38;
	[tilespmem:$0x3800] =	vst v63  }
0x51: {  	s13 =	simm.s32 $0x2600  }
0x52: {  	[tilespmem:s13], [sflag:$0x1] =	stream.linear.gather [spmem:s5], $0x80, $0x38;
	[tilespmem:$0x3800] =	vst v63  }
0x53: {  	s16 =	simm.s32 $0x2280  }
0x54: {  	[tilespmem:s16], [sflag:$0x1] =	stream.linear.gather [spmem:s18], $0x80, $0x38;
	[tilespmem:$0x3800] =	vst v63  }
0x55: {  	s13 =	simm.s32 $0x2680  }
0x56: {  	[tilespmem:s13], [sflag:$0x1] =	stream.linear.gather [spmem:s6], $0x80, $0x38;
	[tilespmem:$0x3800] =	vst v63  }
0x57: {  	s16 =	simm.s32 $0x2300  }
0x58: {  	[tilespmem:s16], [sflag:$0x1] =	stream.linear.gather [spmem:s19], $0x80, $0x38;
	[tilespmem:$0x3800] =	vst v63  }
0x59: {  	s13 =	simm.s32 $0x2700  }
0x5a: {  	[tilespmem:s13], [sflag:$0x1] =	stream.linear.gather [spmem:s7], $0x80, $0x38;
	[tilespmem:$0x3800] =	vst v63  }
0x5b: {  	s16 =	simm.s32 $0x2380  }
0x5c: {  	[tilespmem:s16], [sflag:$0x1] =	stream.linear.gather [spmem:s20], $0x80, $0x38;
	[tilespmem:$0x3800] =	vst v63  }
0x5d: {  	s13 =	simm.s32 $0x2780  }
0x5e: {  	[tilespmem:s13], [sflag:$0x1] =	stream.linear.gather [spmem:s8], $0x80, $0x38;
	[tilespmem:$0x3800] =	vst v63  }
0x5f: {  	_ =	swait.ge [sflag:s11], $0x100  }
0x60: {  	[sflag:s11] =	ssyncset.done $0x0  }
0x61: {  	[sflag:s11] =	ssyncadd.s32 $0xFFFFFF00  }
0x62: {  	_ =	swait.ge [sflag:s11], $0x100  }
0x63: {  	[sflag:s11] =	ssyncset.done $0x0  }
0x64: {  	[sflag:s11] =	ssyncadd.s32 $0xFFFFFF00  }
0x65: {  	_ =	swait.ge [sflag:s11], $0x100  }
0x66: {  	[sflag:s11] =	ssyncset.done $0x0  }
0x67: {  	[sflag:s11] =	ssyncadd.s32 $0xFFFFFF00  }
0x68: {  	_ =	swait.ge [sflag:s11], $0x100  }
0x69: {  	[sflag:s11] =	ssyncset.done $0x0  }
0x6a: {  	[sflag:s11] =	ssyncadd.s32 $0xFFFFFF00  }
0x6b: {  	_ =	swait.ge [sflag:s11], $0x100  }
0x6c: {  	[sflag:s11] =	ssyncset.done $0x0  }
0x6d: {  	[sflag:s11] =	ssyncadd.s32 $0xFFFFFF00  }
0x6e: {  	_ =	swait.ge [sflag:s11], $0x100  }
0x6f: {  	[sflag:s11] =	ssyncset.done $0x0  }
0x70: {  	[sflag:s11] =	ssyncadd.s32 $0xFFFFFF00  }
0x71: {  	_ =	swait.ge [sflag:s11], $0x100  }
0x72: {  	[sflag:s11] =	ssyncset.done $0x0  }
0x73: {  	[sflag:s11] =	ssyncadd.s32 $0xFFFFFF00  }
0x74: {  	_ =	swait.ge [sflag:s11], $0x100  }
0x75: {  	[sflag:s11] =	ssyncset.done $0x0  }
0x76: {  	[sflag:s11] =	ssyncadd.s32 $0xFFFFFF00  }
0x77: {  	_ =	swait.ge [sflag:s11], $0x100  }
0x78: {  	[sflag:s11] =	ssyncset.done $0x0  }
0x79: {  	[sflag:s11] =	ssyncadd.s32 $0xFFFFFF00  }
0x7a: {  	_ =	swait.ge [sflag:s11], $0x100  }
0x7b: {  	[sflag:s11] =	ssyncset.done $0x0  }
0x7c: {  	[sflag:s11] =	ssyncadd.s32 $0xFFFFFF00  }
0x7d: {  	_ =	swait.ge [sflag:s11], $0x100  }
0x7e: {  	[sflag:s11] =	ssyncset.done $0x0  }
0x7f: {  	[sflag:s11] =	ssyncadd.s32 $0xFFFFFF00  }
0x80: {  	_ =	swait.ge [sflag:s11], $0x100  }
0x81: {  	[sflag:s11] =	ssyncset.done $0x0  }
0x82: {  	[sflag:s11] =	ssyncadd.s32 $0xFFFFFF00  }
0x83: {  	_ =	swait.ge [sflag:s11], $0x100  }
0x84: {  	[sflag:s11] =	ssyncset.done $0x0  }
0x85: {  	[sflag:s11] =	ssyncadd.s32 $0xFFFFFF00  }
0x86: {  	_ =	swait.ge [sflag:s11], $0x100  }
0x87: {  	[sflag:s11] =	ssyncset.done $0x0  }
0x88: {  	[sflag:s11] =	ssyncadd.s32 $0xFFFFFF00  }
0x89: {  	_ =	swait.ge [sflag:s11], $0x100  }
0x8a: {  	[sflag:s11] =	ssyncset.done $0x0  }
0x8b: {  	[sflag:s11] =	ssyncadd.s32 $0xFFFFFF00  }
0x8c: {  	s14 =	sadd.s32 $0x1, s14;
	_ =	swait.ge [sflag:s11], $0x100  }
0x8d: {  	p1 =	sne.s32 s14, s22;
	[sflag:s11] =	ssyncset.done $0x0  }
.Ltmp1:
0x8e: {  	s16 =	simm.s32 $0x0;
	[sflag:s11] =	ssyncadd.s32 $0xFFFFFF00;
	(pc) =	sbr.rel @!p1 .LBB2_7-.Ltmp1, $4  }
0x8f: {  	[hbm4b:s21+s16] =	stream.linear.scatter [tilespmem:s10], [sflag:$0x3], $0x1000, $0x38;
	[tilespmem:$0x3800] =	vst v63  }
0x90: {  	_ =	swait.ge [sflag:s12], $0x1000  }
0x91: {  	[sflag:s12] =	ssyncset.done $0x0  }
0x92: {  	[sflag:s12] =	ssyncadd.s32 $0xFFFFF000  }
.LBB2_1:
0x93: {  	s15 =	simm.s32 @!p0 $0x0;
	s16 =	rddreg [dreg:$0x4]  }
0x94: {  	[tilespmem:s15], [sflag:$0x1] =	stream.linear.gather @!p0 [hbm4b:s16+s15], $0x400, $0x38;
	[tilespmem:$0x3800] =	vst v63  }
0x95: {  	s15 =	simm.s32 $0x0;
	s16 =	simm.s32 $0x200  }
.LBB2_2:
0x96: {  	p1 =	sne.s32 s16, $0x3E00;
	[tilespmem:s15+$0x870] =	vst v0  }
0x97: {  	[tilespmem:s15+$0x800] =	vst v0  }
0x98: {  	[tilespmem:s15+$0x810] =	vst v0  }
.Ltmp2:
0x99: {  	[tilespmem:s15+$0x820] =	vst v0;
	(pc) =	sbr.rel @p1 .LBB2_2-.Ltmp2, $4  }
0x9a: {  	[tilespmem:s15+$0x830] =	vst v0  }
0x9b: {  	[tilespmem:s15+$0x840] =	vst v0  }
0x9c: {  	[tilespmem:s15+$0x850] =	vst v0  }
0x9d: {  	[tilespmem:s15+$0x860] =	vst v0;
	s15 =	sshra.s32 s16, $0x2;
	s16 =	sadd.s32 $0x200, s16  }
0x9e: {  	[tilespmem:s15+$0x870] =	vst v0  }
0x9f: {  	[tilespmem:s15+$0x800] =	vst v0  }
0xa0: {  	[tilespmem:s15+$0x810] =	vst v0  }
0xa1: {  	[tilespmem:s15+$0x820] =	vst v0  }
.Ltmp3:
0xa2: {  	[tilespmem:s15+$0x830] =	vst v0;
	(pc) =	sbr.rel @p0 .LBB2_5-.Ltmp3, $4  }
0xa3: {  	[tilespmem:s15+$0x840] =	vst v0  }
0xa4: {  	[tilespmem:s15+$0x850] =	vst v0  }
0xa5: {  	[tilespmem:s15+$0x860] =	vst v0;
	s16 =	simm.s32 $0x800  }
0xa6: {  	[spmem:s4] =	stream.linear.scatter [tilespmem:s16], [sflag:$0x2], $0x1000, $0x38;
	[tilespmem:$0x3800] =	vst v63  }
0xa7: {  	_ =	swait.ge [sflag:s11], $0x400  }
0xa8: {  	[sflag:s11] =	ssyncset.done $0x0  }
0xa9: {  	[sflag:s11] =	ssyncadd.s32 $0xFFFFFC00  }
0xaa: {  	v2 =	vld [tilespmem:$0x80]  }
0xab: {  	v3 =	vld [tilespmem:$0x0]  }
0xac: {  	v4 =	vld [tilespmem:$0x90]  }
0xad: {  	v5 =	vld [tilespmem:$0x10]  }
0xae: {  	v6 =	vld [tilespmem:$0xA0]  }
0xaf: {  	v8 =	vld [tilespmem:$0x20]  }
0xb0: {  	v9 =	vld [tilespmem:$0x30]  }
0xb1: {  	v40 =	vld [tilespmem:$0xC0]  }
0xb2: {  	v42 =	vld [tilespmem:$0x40]  }
0xb3: {  	v43 =	vld [tilespmem:$0xD0];
	v7 =	vshll.u32 v2, $0x8  }
0xb4: {  	vm0 =	veq.s32 v3, v2;
	v2 =	vld [tilespmem:$0xB0];
	v7 =	vor.u32 v3, v7  }
0xb5: {  	v45 =	vld [tilespmem:$0x50];
	v39 =	vshll.u32 v4, $0x8;
	v3 =	vsel vm0, $0x0, v1;
	[tilespmem:$0x400] =	vst v7  }
0xb6: {  	v47 =	vld [tilespmem:$0x60];
	vm9 =	veq.s32 v5, v4;
	[tilespmem:$0x600] =	vst v3;
	v3 =	vor.u32 v5, v39  }
0xb7: {  	v48 =	vld [tilespmem:$0xF0];
	v41 =	vshll.u32 v6, $0x8;
	[tilespmem:$0x410] =	vst v3;
	v3 =	vsel vm9, $0x0, v1  }
0xb8: {  	v50 =	vld [tilespmem:$0x70];
	vm10 =	veq.s32 v8, v6;
	[tilespmem:$0x610] =	vst v3;
	v3 =	vor.u32 v8, v41  }
0xb9: {  	v51 =	vld [tilespmem:$0x180];
	[tilespmem:$0x420] =	vst v3;
	v3 =	vsel vm10, $0x0, v1;
	v44 =	vshll.u32 v2, $0x8  }
0xba: {  	vm11 =	veq.s32 v9, v2;
	v2 =	vld [tilespmem:$0xE0];
	[tilespmem:$0x620] =	vst v3;
	v3 =	vor.u32 v9, v44  }
0xbb: {  	v53 =	vld [tilespmem:$0x100];
	v46 =	vshll.u32 v40, $0x8;
	[tilespmem:$0x430] =	vst v3;
	v3 =	vsel vm11, $0x0, v1  }
0xbc: {  	v55 =	vld [tilespmem:$0x110];
	vm12 =	veq.s32 v42, v40;
	[tilespmem:$0x630] =	vst v3;
	v3 =	vor.u32 v42, v46  }
0xbd: {  	v56 =	vld [tilespmem:$0x1A0];
	v49 =	vshll.u32 v43, $0x8;
	[tilespmem:$0x440] =	vst v3;
	v3 =	vsel vm12, $0x0, v1  }
0xbe: {  	v58 =	vld [tilespmem:$0x120];
	vm13 =	veq.s32 v45, v43;
	[tilespmem:$0x640] =	vst v3;
	v3 =	vor.u32 v45, v49  }
0xbf: {  	v52 =	vshll.u32 v2, $0x8;
	vm14 =	veq.s32 v47, v2;
	v2 =	vld [tilespmem:$0x190];
	[tilespmem:$0x450] =	vst v3;
	v3 =	vsel vm13, $0x0, v1  }
0xc0: {  	v59 =	vld [tilespmem:$0x1B0];
	[tilespmem:$0x650] =	vst v3;
	v3 =	vor.u32 v47, v52  }
0xc1: {  	v61 =	vld [tilespmem:$0x130];
	v54 =	vshll.u32 v48, $0x8;
	[tilespmem:$0x460] =	vst v3;
	v3 =	vsel vm14, $0x0, v1  }
0xc2: {  	v63 =	vld [tilespmem:$0x140];
	vm15 =	veq.s32 v50, v48;
	[tilespmem:$0x660] =	vst v3;
	v3 =	vor.u32 v50, v54  }
0xc3: {  	v12 =	vld [tilespmem:$0x1D0];
	v57 =	vshll.u32 v51, $0x8;
	vm4 =	veq.s32 v53, v51;
	[tilespmem:$0x470] =	vst v3;
	v3 =	vsel vm15, $0x0, v1  }
0xc4: {  	v60 =	vshll.u32 v2, $0x8;
	vm5 =	veq.s32 v55, v2;
	v2 =	vld [tilespmem:$0x1C0];
	[tilespmem:$0x670] =	vst v3;
	v3 =	vor.u32 v53, v57  }
0xc5: {  	v14 =	vld [tilespmem:$0x150];
	[tilespmem:$0x480] =	vst v3;
	v3 =	vsel vm4, $0x0, v1  }
0xc6: {  	v15 =	vld [tilespmem:$0x1E0];
	[tilespmem:$0x680] =	vst v3;
	v3 =	vor.u32 v55, v60  }
0xc7: {  	v17 =	vld [tilespmem:$0x160];
	v62 =	vshll.u32 v56, $0x8;
	[tilespmem:$0x490] =	vst v3;
	v3 =	vsel vm5, $0x0, v1  }
0xc8: {  	v19 =	vld [tilespmem:$0x170];
	vm6 =	veq.s32 v58, v56;
	v13 =	vshll.u32 v59, $0x8;
	[tilespmem:$0x690] =	vst v3;
	v3 =	vor.u32 v58, v62  }
0xc9: {  	v16 =	vshll.u32 v2, $0x8;
	vm8 =	veq.s32 v63, v2;
	v2 =	vld [tilespmem:$0x1F0];
	[tilespmem:$0x4A0] =	vst v3;
	v3 =	vsel vm6, $0x0, v1  }
0xca: {  	v20 =	vld [tilespmem:$0x280];
	vm7 =	veq.s32 v61, v59;
	[tilespmem:$0x6A0] =	vst v3;
	v3 =	vor.u32 v61, v13  }
0xcb: {  	v22 =	vld [tilespmem:$0x200];
	[tilespmem:$0x4B0] =	vst v3;
	v3 =	vsel vm7, $0x0, v1  }
0xcc: {  	v23 =	vld [tilespmem:$0x290];
	[tilespmem:$0x6B0] =	vst v3;
	v3 =	vor.u32 v63, v16  }
0xcd: {  	v27 =	vld [tilespmem:$0x220];
	v18 =	vshll.u32 v12, $0x8;
	vm9 =	veq.s32 v14, v12;
	[tilespmem:$0x4C0] =	vst v3;
	v3 =	vsel vm8, $0x0, v1  }
0xce: {  	v24 =	vshll.u32 v2, $0x8;
	vm11 =	veq.s32 v19, v2;
	v2 =	vld [tilespmem:$0x2A0];
	[tilespmem:$0x6C0] =	vst v3;
	v3 =	vor.u32 v14, v18  }
0xcf: {  	v25 =	vld [tilespmem:$0x210];
	v21 =	vshll.u32 v15, $0x8;
	[tilespmem:$0x4D0] =	vst v3;
	v3 =	vsel vm9, $0x0, v1  }
0xd0: {  	v28 =	vld [tilespmem:$0x2B0];
	vm10 =	veq.s32 v17, v15;
	[tilespmem:$0x6D0] =	vst v3;
	v3 =	vor.u32 v17, v21  }
0xd1: {  	v30 =	vld [tilespmem:$0x230];
	[tilespmem:$0x4E0] =	vst v3;
	v3 =	vsel vm10, $0x0, v1  }
0xd2: {  	v35 =	vld [tilespmem:$0x250];
	v26 =	vshll.u32 v20, $0x8;
	[tilespmem:$0x6E0] =	vst v3;
	v3 =	vor.u32 v19, v24  }
0xd3: {  	v32 =	vshll.u32 v2, $0x8;
	vm14 =	veq.s32 v27, v2;
	v2 =	vld [tilespmem:$0x2D0];
	[tilespmem:$0x4F0] =	vst v3;
	v3 =	vsel vm11, $0x0, v1  }
0xd4: {  	v31 =	vld [tilespmem:$0x2C0];
	vm12 =	veq.s32 v22, v20;
	[tilespmem:$0x6F0] =	vst v3;
	v3 =	vor.u32 v22, v26  }
0xd5: {  	v33 =	vld [tilespmem:$0x240];
	v29 =	vshll.u32 v23, $0x8;
	[tilespmem:$0x500] =	vst v3;
	v3 =	vsel vm12, $0x0, v1  }
0xd6: {  	v36 =	vld [tilespmem:$0x2E0];
	vm13 =	veq.s32 v25, v23;
	[tilespmem:$0x700] =	vst v3;
	v3 =	vor.u32 v25, v29  }
0xd7: {  	v43 =	vld [tilespmem:$0x300];
	[tilespmem:$0x510] =	vst v3;
	v3 =	vsel vm13, $0x0, v1  }
0xd8: {  	v40 =	vshll.u32 v2, $0x8;
	vm5 =	veq.s32 v35, v2;
	v2 =	vld [tilespmem:$0x380];
	[tilespmem:$0x710] =	vst v3;
	v3 =	vor.u32 v27, v32  }
0xd9: {  	v38 =	vld [tilespmem:$0x260];
	v34 =	vshll.u32 v28, $0x8;
	[tilespmem:$0x520] =	vst v3;
	v3 =	vsel vm14, $0x0, v1  }
0xda: {  	v51 =	vld [tilespmem:$0x330];
	vm15 =	veq.s32 v30, v28;
	[tilespmem:$0x720] =	vst v3;
	v3 =	vor.u32 v30, v34  }
0xdb: {  	v37 =	vshll.u32 v31, $0x8;
	v39 =	vld [tilespmem:$0x2F0];
	[tilespmem:$0x530] =	vst v3;
	v3 =	vsel vm15, $0x0, v1  }
0xdc: {  	v41 =	vld [tilespmem:$0x270];
	vm4 =	veq.s32 v33, v31;
	[tilespmem:$0x730] =	vst v3;
	v3 =	vor.u32 v33, v37  }
0xdd: {  	v48 =	vshll.u32 v2, $0x8;
	vm8 =	veq.s32 v43, v2;
	v2 =	vld [tilespmem:$0x3B0];
	[tilespmem:$0x540] =	vst v3;
	v3 =	vsel vm4, $0x0, v1  }
0xde: {  	[tilespmem:$0x740] =	vst v3;
	v3 =	vor.u32 v35, v40  }
0xdf: {  	v59 =	vld [tilespmem:$0x360];
	v42 =	vshll.u32 v36, $0x8;
	[tilespmem:$0x550] =	vst v3;
	v3 =	vsel vm5, $0x0, v1  }
0xe0: {  	v44 =	vld [tilespmem:$0x390];
	vm6 =	veq.s32 v38, v36;
	[tilespmem:$0x750] =	vst v3;
	v3 =	vor.u32 v38, v42  }
0xe1: {  	v46 =	vld [tilespmem:$0x310];
	v45 =	vshll.u32 v39, $0x8;
	vm7 =	veq.s32 v41, v39;
	[tilespmem:$0x560] =	vst v3;
	v3 =	vsel vm6, $0x0, v1  }
0xe2: {  	v56 =	vshll.u32 v2, $0x8;
	vm11 =	veq.s32 v51, v2;
	v2 =	vld [tilespmem:$0x3E0];
	[tilespmem:$0x760] =	vst v3;
	v3 =	vor.u32 v41, v45  }
0xe3: {  	v47 =	vld [tilespmem:$0x3A0];
	[tilespmem:$0x570] =	vst v3;
	v3 =	vsel vm7, $0x0, v1  }
0xe4: {  	v49 =	vld [tilespmem:$0x320];
	[tilespmem:$0x770] =	vst v3;
	v3 =	vor.u32 v43, v48  }
0xe5: {  	v50 =	vshll.u32 v44, $0x8;
	[tilespmem:$0x580] =	vst v3;
	v3 =	vsel vm8, $0x0, v1  }
0xe6: {  	vm9 =	veq.s32 v46, v44;
	[tilespmem:$0x780] =	vst v3;
	v3 =	vor.u32 v46, v50  }
0xe7: {  	v52 =	vld [tilespmem:$0x3C0];
	v63 =	vshll.u32 v2, $0x8;
	[tilespmem:$0x590] =	vst v3;
	v3 =	vsel vm9, $0x0, v1  }
0xe8: {  	v54 =	vld [tilespmem:$0x340];
	v53 =	vshll.u32 v47, $0x8;
	vm14 =	veq.s32 v59, v2;
	v2 =	vor.u32 v59, v63;
	[tilespmem:$0x790] =	vst v3  }
0xe9: {  	v55 =	vld [tilespmem:$0x3D0];
	vm10 =	veq.s32 v49, v47;
	v3 =	vor.u32 v49, v53;
	[tilespmem:$0x5E0] =	vst v2  }
0xea: {  	v57 =	vld [tilespmem:$0x350];
	[tilespmem:$0x5A0] =	vst v3;
	v3 =	vsel vm10, $0x0, v1  }
0xeb: {  	[tilespmem:$0x7A0] =	vst v3;
	v3 =	vor.u32 v51, v56  }
0xec: {  	v60 =	vld [tilespmem:$0x3F0];
	v58 =	vshll.u32 v52, $0x8;
	[tilespmem:$0x5B0] =	vst v3;
	v3 =	vsel vm11, $0x0, v1  }
0xed: {  	v62 =	vld [tilespmem:$0x370];
	vm12 =	veq.s32 v54, v52;
	[tilespmem:$0x7B0] =	vst v3;
	v3 =	vor.u32 v54, v58  }
0xee: {  	v61 =	vshll.u32 v55, $0x8;
	[tilespmem:$0x5C0] =	vst v3;
	v3 =	vsel vm12, $0x0, v1  }
0xef: {  	vm13 =	veq.s32 v57, v55;
	[tilespmem:$0x7C0] =	vst v3;
	v3 =	vor.u32 v57, v61  }
0xf0: {  	[tilespmem:$0x5D0] =	vst v3;
	v3 =	vsel vm13, $0x0, v1  }
0xf1: {  	v2 =	vsel vm14, $0x0, v1;
	[tilespmem:$0x7D0] =	vst v3;
	v3 =	vshll.u32 v60, $0x8  }
0xf2: {  	vm15 =	veq.s32 v62, v60;
	[tilespmem:$0x7E0] =	vst v2;
	v2 =	vor.u32 v62, v3  }
0xf3: {  	[tilespmem:$0x5F0] =	vst v2;
	v2 =	vsel vm15, $0x0, v1  }
0xf4: {  	s16 =	simm.s32 $0x400;
	[tilespmem:$0x7F0] =	vst v2  }
0xf5: {  	s10 =	smov.u32 s3;
	s3 =	smov.u32 s1;
	_ =	swait.ge [sflag:s9], $0x1000  }
0xf6: {  	s1 =	smov.u32 s0;
	s0 =	smov.u32 s31;
	[sflag:s9] =	ssyncset.done $0x0  }
0xf7: {  	s31 =	smov.u32 s30;
	s30 =	smov.u32 s29;
	[sflag:s9] =	ssyncadd.s32 $0xFFFFF000  }
0xf8: {  	s29 =	smov.u32 s28;
	s28 =	smov.u32 s26;
	[bflag:$0x0] =	sbarrier.arrive $0xFFFF  }
0xf9: {  	s13 =	simm.s32 $0x600;
	s9 =	simm.s32 $0x80;
	s15 =	rddreg [dreg:$0x2]  }
0xfa: {  	[spmem:s15] =	stream.indirect.scatter.add.f32 [tilespmem:s13], [sflag:$0x1], $0x1, s16, s9, $0xb8;
	[tilespmem:$0x3800] =	vst v63  }
0xfb: {  	s26 =	smov.u32 s25;
	s25 =	smov.u32 s24;
	s16 =	simm.s32 $0x480  }
0xfc: {  	s13 =	smov.u32 s8;
	s8 =	smov.u32 s7;
	s7 =	smov.u32 s6  }
0xfd: {  	s6 =	smov.u32 s5;
	s5 =	smov.u32 s2;
	s2 =	simm.s32 $0x680  }
0xfe: {  	[spmem:s15] =	stream.indirect.scatter.add.f32 [tilespmem:s2], [sflag:$0x1], $0x1, s16, s9, $0xb8;
	[tilespmem:$0x3800] =	vst v63  }
0xff: {  	s24 =	smov.u32 s23;
	s23 =	smov.u32 s22;
	s2 =	smov.u32 s5  }
0x100: {  	s5 =	smov.u32 s6;
	s6 =	smov.u32 s7;
	s7 =	smov.u32 s8  }
0x101: {  	s8 =	smov.u32 s13;
	s13 =	simm.s32 $0x500;
	s16 =	simm.s32 $0x700  }
0x102: {  	[spmem:s15] =	stream.indirect.scatter.add.f32 [tilespmem:s16], [sflag:$0x1], $0x1, s13, s9, $0xb8;
	[tilespmem:$0x3800] =	vst v63  }
0x103: {  	s22 =	smov.u32 s21;
	s13 =	simm.s32 $0x580;
	s16 =	simm.s32 $0x780  }
0x104: {  	[spmem:s15] =	stream.indirect.scatter.add.f32 [tilespmem:s16], [sflag:$0x1], $0x1, s13, s9, $0xb8;
	[tilespmem:$0x3800] =	vst v63  }
0x105: {  	s21 =	smov.u32 s20;
	s20 =	smov.u32 s19;
	_ =	swait.ge [sflag:s11], $0x80  }
0x106: {  	s19 =	smov.u32 s18;
	s18 =	smov.u32 s17;
	[sflag:s11] =	ssyncset.done $0x0  }
0x107: {  	s17 =	smov.u32 s18;
	s18 =	smov.u32 s19;
	[sflag:s11] =	ssyncadd.s32 $0xFFFFFF80  }
0x108: {  	s19 =	smov.u32 s20;
	s20 =	smov.u32 s21;
	_ =	swait.ge [sflag:s11], $0x80  }
0x109: {  	s21 =	smov.u32 s22;
	s22 =	smov.u32 s23;
	[sflag:s11] =	ssyncset.done $0x0  }
0x10a: {  	s23 =	smov.u32 s24;
	s24 =	smov.u32 s25;
	[sflag:s11] =	ssyncadd.s32 $0xFFFFFF80  }
0x10b: {  	s25 =	smov.u32 s26;
	s26 =	smov.u32 s28;
	_ =	swait.ge [sflag:s11], $0x80  }
.Ltmp4:
0x10c: {  	s28 =	smov.u32 s29;
	[sflag:s11] =	ssyncset.done $0x0;
	(pc) =	sbr.rel .LBB2_6-.Ltmp4, $4  }
0x10d: {  	s29 =	smov.u32 s30;
	s30 =	smov.u32 s31;
	[sflag:s11] =	ssyncadd.s32 $0xFFFFFF80  }
0x10e: {  	s31 =	smov.u32 s0;
	s0 =	smov.u32 s1;
	_ =	swait.ge [sflag:s11], $0x80  }
0x10f: {  	s1 =	smov.u32 s3;
	s3 =	smov.u32 s10;
	[sflag:s11] =	ssyncset.done $0x0  }
0x110: {  	s10 =	simm.s32 $0x1800;
	s9 =	simm.s32 $0x2;
	[sflag:s11] =	ssyncadd.s32 $0xFFFFFF80  }
.LBB2_7:
0x111: {  	_ =	sfence.sel $0x180000  }
0x112: {  	[bflag:$0x0] =	sbarrier.arrive $0xFFFF  }
0x113: {  	_ =	strace $0x90000047  }
0x114: {  	s0 =	stileid.u32;
	[bflag:$0x2] =	sbarrier.arrive $0xFFFF  }
0x115: {  	p0 =	sne.s32 s0, $0x0;
	s0 =	rddreg [dreg:$0x3]  }
0x116: {  	s0 =	sadd.s32 @!p0 $0x100000, s0  }
0x117: {  	[sflag:s0] =	ssyncadd.tile.s32 @!p0 $0x1;
	_ =	shalt  }
.Lfunc_end2:
_tile_overlayer_lowered:
.L_overlay_start_2:
0x118: {  	(tag) =	ssettag $0x2  }
0x119: {  	s0 =	rddreg [dreg:$0x0];
	s2 =	stileid.u32  }
0x11a: {  	s1 =	rddreg [dreg:$0x1];
	p0 =	sne.s32 s2, $0x0  }
0x11b: {  	s3 =	rddreg [dreg:$0x2];
	[bflag:$0x3] =	sbarrier.arrive $0xFFFF;
	s2 =	simm.s32 @!p0 $0x1C03  }
0x11c: {  	[timem:s3], [sflag:s2] =	dma.local @!p0 [hbm:s0], s1  }
0x11d: {  	s0 =	simm.s32 @!p0 $0x3  }
0x11e: {  	_ =	swait.ge @!p0 [sflag:s0], s1  }
0x11f: {  	s1 =	ssub.s32 @!p0 $0x0, s1;
	[sflag:s0] =	ssyncset.done @!p0 $0x0  }
0x120: {  	[sflag:s0] =	ssyncadd.s32 @!p0 s1  }
0x121: {  	[bflag:$0x3] =	sbarrier.arrive $0xFFFF  }
0x122: {  	_ =	shalt  }

</sc_bundles>
